<compile_context>
chip_gen: v7x
topology: tpu7x:2x2x1
jax: 0.10.2.dev20260603
libtpu: 0.0.44.dev20260713+nightly
codegen_flags: <defaults>
</compile_context>

<pallas_src>
import functools

import jax
import jax.numpy as jnp
from jax import lax
from jax.experimental import pallas as pl
from jax.experimental.pallas import tpu as pltpu
from jax.experimental.pallas import tpu_sc as plsc

L = 2
M = 100000
H = 128
B = 16384

NC = 2
NS = 16
NW = NC * NS

COPY_BLOCK = 2000
N_BLOCKS = (L * M) // COPY_BLOCK

RB_PER_W = (L * B) // NW
CHUNK = 128
N_CH = RB_PER_W // CHUNK


def _tc_copy_body(hsrc, csrc, hdst, cdst):
  hdst[...] = hsrc[...]
  cdst[...] = csrc[...]


_tc_copy = pl.pallas_call(
    _tc_copy_body,
    grid=(N_BLOCKS,),
    in_specs=[
        pl.BlockSpec((COPY_BLOCK, H), lambda i: (i, 0)),
        pl.BlockSpec((COPY_BLOCK, H), lambda i: (i, 0)),
    ],
    out_specs=[
        pl.BlockSpec((COPY_BLOCK, H), lambda i: (i, 0)),
        pl.BlockSpec((COPY_BLOCK, H), lambda i: (i, 0)),
    ],
    out_shape=[
        jax.ShapeDtypeStruct((L * M, H), jnp.float32),
        jax.ShapeDtypeStruct((L * M, H), jnp.float32),
    ],
)


def _sc_gather_body(memh, memc, idx2, hin, cin,
                    gh0, gh1, gc0, gc1, ib0, ib1,
                    sgh0, sgh1, sgc0, sgc1, swh0, swh1, swc0, swc1):
  c = lax.axis_index("c")
  s = lax.axis_index("s")
  base0 = (c * NS + s) * RB_PER_W
  gh = (gh0, gh1)
  gc = (gc0, gc1)
  ib = (ib0, ib1)
  sgh = (sgh0, sgh1)
  sgc = (sgc0, sgc1)
  swh = (swh0, swh1)
  swc = (swc0, swc1)

  def fetch(j, b):
    base = base0 + j * CHUNK
    pltpu.sync_copy(idx2.at[pl.ds(base, CHUNK)], ib[b])
    pltpu.async_copy(memh.at[ib[b]], gh[b], sgh[b])
    pltpu.async_copy(memc.at[ib[b]], gc[b], sgc[b])

  fetch(0, 0)
  for t in range(N_CH):
    b = t % 2
    nb = 1 - b
    if t + 1 < N_CH:
      if t >= 1:
        pltpu.make_async_copy(gh[nb], hin.at[pl.ds(0, CHUNK)], swh[nb]).wait()
        pltpu.make_async_copy(gc[nb], cin.at[pl.ds(0, CHUNK)], swc[nb]).wait()
      fetch(t + 1, nb)
    base = base0 + t * CHUNK
    pltpu.make_async_copy(memh.at[pl.ds(0, CHUNK)], gh[b], sgh[b]).wait()
    pltpu.async_copy(gh[b], hin.at[pl.ds(base, CHUNK)], swh[b])
    pltpu.make_async_copy(memc.at[pl.ds(0, CHUNK)], gc[b], sgc[b]).wait()
    pltpu.async_copy(gc[b], cin.at[pl.ds(base, CHUNK)], swc[b])
  for b in range(2):
    pltpu.make_async_copy(gh[b], hin.at[pl.ds(0, CHUNK)], swh[b]).wait()
    pltpu.make_async_copy(gc[b], cin.at[pl.ds(0, CHUNK)], swc[b]).wait()


_sc_gather = functools.partial(
    pl.kernel,
    out_type=(
        jax.ShapeDtypeStruct((L * B, H), jnp.float32),
        jax.ShapeDtypeStruct((L * B, H), jnp.float32),
    ),
    mesh=plsc.VectorSubcoreMesh(core_axis_name="c", subcore_axis_name="s"),
    scratch_types=(
        [pltpu.VMEM((CHUNK, H), jnp.float32) for _ in range(4)]
        + [pltpu.VMEM((CHUNK,), jnp.int32) for _ in range(2)]
        + [pltpu.SemaphoreType.DMA for _ in range(8)]
    ),
)(_sc_gather_body)


def _sc_scatter_body(hv, cv, idx2, src2, outh, outc,
                     sh0, sh1, sc0, sc1, ib0, ib1, sb0, sb1,
                     sgh0, sgh1, sgc0, sgc1, swh0, swh1, swc0, swc1):
  c = lax.axis_index("c")
  s = lax.axis_index("s")
  base0 = (c * NS + s) * RB_PER_W
  sh = (sh0, sh1)
  sc = (sc0, sc1)
  ib = (ib0, ib1)
  sb = (sb0, sb1)
  sgh = (sgh0, sgh1)
  sgc = (sgc0, sgc1)
  swh = (swh0, swh1)
  swc = (swc0, swc1)

  def fetch(j, b):
    base = base0 + j * CHUNK
    pltpu.sync_copy(idx2.at[pl.ds(base, CHUNK)], ib[b])
    pltpu.sync_copy(src2.at[pl.ds(base, CHUNK)], sb[b])
    pltpu.async_copy(hv.at[sb[b]], sh[b], sgh[b])
    pltpu.async_copy(cv.at[sb[b]], sc[b], sgc[b])

  fetch(0, 0)
  for t in range(N_CH):
    b = t % 2
    nb = 1 - b
    if t + 1 < N_CH:
      if t >= 1:
        pltpu.make_async_copy(sh[nb], outh.at[pl.ds(0, CHUNK)], swh[nb]).wait()
        pltpu.make_async_copy(sc[nb], outc.at[pl.ds(0, CHUNK)], swc[nb]).wait()
      fetch(t + 1, nb)
    pltpu.make_async_copy(hv.at[pl.ds(0, CHUNK)], sh[b], sgh[b]).wait()
    pltpu.async_copy(sh[b], outh.at[ib[b]], swh[b])
    pltpu.make_async_copy(cv.at[pl.ds(0, CHUNK)], sc[b], sgc[b]).wait()
    pltpu.async_copy(sc[b], outc.at[ib[b]], swc[b])
  for b in range(2):
    pltpu.make_async_copy(sh[b], outh.at[pl.ds(0, CHUNK)], swh[b]).wait()
    pltpu.make_async_copy(sc[b], outc.at[pl.ds(0, CHUNK)], swc[b]).wait()


_sc_scatter = functools.partial(
    pl.kernel,
    out_type=(),
    mesh=plsc.VectorSubcoreMesh(core_axis_name="c", subcore_axis_name="s"),
    scratch_types=(
        [pltpu.VMEM((CHUNK, H), jnp.float32) for _ in range(4)]
        + [pltpu.VMEM((CHUNK,), jnp.int32) for _ in range(4)]
        + [pltpu.SemaphoreType.DMA for _ in range(8)]
    ),
)(_sc_scatter_body)


def kernel(mem_h, mem_c, slots, h_out, c_out):
  slots = slots.astype(jnp.int32)
  iota = lax.iota(jnp.int32, B)
  ss, si = lax.sort((slots, iota), num_keys=2)
  rs = ss[::-1]
  is_start = jnp.concatenate([jnp.ones((1,), jnp.bool_), rs[1:] != rs[:-1]])
  posr = lax.cummax(jnp.where(is_start, iota, 0))
  win = si[::-1][posr][::-1]
  gidx = jnp.concatenate([slots, slots + M])
  sidx = jnp.concatenate([ss, ss + M])
  ssrc = jnp.concatenate([win, win + B])

  hin, cin = _sc_gather(
      mem_h.reshape(L * M, H), mem_c.reshape(L * M, H), gidx)
  outh0, outc0 = _tc_copy(mem_h.reshape(L * M, H), mem_c.reshape(L * M, H))
  rh = jax.new_ref(outh0)
  rc = jax.new_ref(outc0)
  _sc_scatter(
      h_out.reshape(L * B, H),
      c_out.reshape(L * B, H),
      sidx,
      ssrc,
      rh,
      rc,
  )
  return (hin.reshape(L, B, H), cin.reshape(L, B, H),
          rh[...].reshape(L, M, H), rc[...].reshape(L, M, H))

# --- scband reference (transcript-rebuilt; emitter-appended) ---
"""Pipeline reference for scband-lstmstateful-text-policy-78658031059257 (READ-ONLY COPY).

The authoritative reference and input builder live on the scoring server;
editing this copy changes nothing except your own understanding.
"""

import jax, jax.numpy as jnp
import numpy as np

L = 2       # lstm_layers
M = 100000  # num_envs * players_per_env = 50000 * 2 total LSTM slots
H = 128     # lstm_hidden
B = 16384   # rows in the sampled batch (env, player) pairs


def setup_inputs(seed: int = 0) -> dict:
    key = jax.random.key(seed)
    kh, kc, ks, kho, kco = jax.random.split(key, 5)
    mem_h = jax.random.normal(kh, (L, M, H), dtype=jnp.float32)
    mem_c = jax.random.normal(kc, (L, M, H), dtype=jnp.float32)
    slots = jax.random.randint(ks, (B,), 0, M)
    h_out = jax.random.normal(kho, (L, B, H), dtype=jnp.float32)
    c_out = jax.random.normal(kco, (L, B, H), dtype=jnp.float32)
    return {"mem_h": mem_h, "mem_c": mem_c, "slots": slots, "h_out": h_out, "c_out": c_out}


def reference(mem_h, mem_c, slots, h_out, c_out):
    # lstm_env_state_inputs: gather per-row LSTM states along the slot dim
    # (torch: live_lstm_h.index_select(1, slots))
    h_in = jnp.take(mem_h, slots, axis=1)
    c_in = jnp.take(mem_c, slots, axis=1)
    # scatter_lstm_env_states: overwrite the selected slots with the new
    # post-step LSTM states (torch: live_lstm_h.index_copy_(1, slots, h_out))
    new_mem_h = mem_h.at[:, slots, :].set(h_out)
    new_mem_c = mem_c.at[:, slots, :].set(c_out)
    return (h_in, c_in, new_mem_h, new_mem_c)

if __name__ == "__main__":
    import jax
    _d = setup_inputs()
    print(jax.jit(kernel)(*tuple(_d.values())))

</pallas_src>

<mosaic_0001>
#map = affine_map<(d0, d1) -> (0, 0)>
#map1 = affine_map<(d0, d1) -> (0)>
module attributes {stable_mosaic.version = 14 : i64} {
  func.func @_sc_gather_body(%arg0: i32, %arg1: i32, %arg2: memref<200000x128xf32, #tpu.memory_space<hbm>>, %arg3: memref<200000x128xf32, #tpu.memory_space<hbm>>, %arg4: memref<32768xi32, #tpu.memory_space<hbm>>, %arg5: memref<32768x128xf32, #tpu.memory_space<hbm>>, %arg6: memref<32768x128xf32, #tpu.memory_space<hbm>>, %arg7: memref<128x128xf32, #tpu.memory_space<vmem>>, %arg8: memref<128x128xf32, #tpu.memory_space<vmem>>, %arg9: memref<128x128xf32, #tpu.memory_space<vmem>>, %arg10: memref<128x128xf32, #tpu.memory_space<vmem>>, %arg11: memref<128xi32, #tpu.memory_space<vmem>>, %arg12: memref<128xi32, #tpu.memory_space<vmem>>, %arg13: memref<!tpu.dma_semaphore, #tpu.memory_space<semaphore_mem>>, %arg14: memref<!tpu.dma_semaphore, #tpu.memory_space<semaphore_mem>>, %arg15: memref<!tpu.dma_semaphore, #tpu.memory_space<semaphore_mem>>, %arg16: memref<!tpu.dma_semaphore, #tpu.memory_space<semaphore_mem>>, %arg17: memref<!tpu.dma_semaphore, #tpu.memory_space<semaphore_mem>>, %arg18: memref<!tpu.dma_semaphore, #tpu.memory_space<semaphore_mem>>, %arg19: memref<!tpu.dma_semaphore, #tpu.memory_space<semaphore_mem>>, %arg20: memref<!tpu.dma_semaphore, #tpu.memory_space<semaphore_mem>>) attributes {dimension_semantics = [#tpu.dimension_semantics<core_parallel>, #tpu.dimension_semantics<subcore_parallel>], iteration_bounds = array<i64: 2, 16>, scalar_prefetch = 0 : i64, scratch_operands = 14 : i64, tpu.core_type = #tpu.core_type<sc_vector_subcore>, window_params = [{transform_indices = #map}, {transform_indices = #map}, {transform_indices = #map1}, {transform_indices = #map}, {transform_indices = #map}]} {
    %mul3A = arith.constant 16 : i32
    %mul3A_0 = arith.muli %arg0, %mul3A : i32
    %add3A = arith.addi %mul3A_0, %arg1 : i32
    %mul3A_1 = arith.constant 1024 : i32
    %mul3A_2 = arith.muli %add3A, %mul3A_1 : i32
    %add3A_3 = arith.constant 0 : i32
    %add3A_4 = arith.addi %mul3A_2, %add3A_3 : i32
    "tpu.region"() ({
      %run_scoped3A = tpu.sem_alloc : memref<!tpu.dma_semaphore, #tpu.memory_space<semaphore_mem>>
      %dma_start3A_337 = tpu.memref_slice %arg4[%add3A_4] : memref<32768xi32, #tpu.memory_space<hbm>> -> memref<128xi32, #tpu.memory_space<hbm>>
      %dma_start3A_338 = tpu.memref_slice %arg4[%add3A_4] : memref<32768xi32, #tpu.memory_space<hbm>> -> memref<128xi32, #tpu.memory_space<hbm>>
      tpu.enqueue_dma source(%dma_start3A_338 : memref<128xi32, #tpu.memory_space<hbm>>) target(%arg11 : memref<128xi32, #tpu.memory_space<vmem>>) target_semaphore(%run_scoped3A : memref<!tpu.dma_semaphore, #tpu.memory_space<semaphore_mem>>)
      %dma_wait3A_339 = tpu.memref_slice %arg4[%add3A_4] : memref<32768xi32, #tpu.memory_space<hbm>> -> memref<128xi32, #tpu.memory_space<hbm>>
      %dma_wait3A_340 = tpu.memref_slice %arg4[%add3A_4] : memref<32768xi32, #tpu.memory_space<hbm>> -> memref<128xi32, #tpu.memory_space<hbm>>
      tpu.wait_dma2 semaphore(%run_scoped3A : memref<!tpu.dma_semaphore, #tpu.memory_space<semaphore_mem>>) src(%dma_wait3A_340 : memref<128xi32, #tpu.memory_space<hbm>>) dst(%arg11 : memref<128xi32, #tpu.memory_space<vmem>>)
      tpu.yield
    }) : () -> ()
    %dma_start3A = arith.constant 0 : i32
    %dma_start3A_5 = arith.constant 0 : i32
    %dma_start3A_6 = tpu.memref_slice %arg2[%dma_start3A, %dma_start3A_5] : memref<200000x128xf32, #tpu.memory_space<hbm>> -> memref<200000x128xf32, #tpu.memory_space<hbm>>
    tpu.enqueue_indirect_dma source(%dma_start3A_6 : memref<200000x128xf32, #tpu.memory_space<hbm>>) target(%arg7 : memref<128x128xf32, #tpu.memory_space<vmem>>) offsets(%arg11 : memref<128xi32, #tpu.memory_space<vmem>>) semaphore(%arg13 : memref<!tpu.dma_semaphore, #tpu.memory_space<semaphore_mem>>)
    %dma_start3A_7 = arith.constant 0 : i32
    %dma_start3A_8 = arith.constant 0 : i32
    %dma_start3A_9 = tpu.memref_slice %arg3[%dma_start3A_7, %dma_start3A_8] : memref<200000x128xf32, #tpu.memory_space<hbm>> -> memref<200000x128xf32, #tpu.memory_space<hbm>>
    tpu.enqueue_indirect_dma source(%dma_start3A_9 : memref<200000x128xf32, #tpu.memory_space<hbm>>) target(%arg9 : memref<128x128xf32, #tpu.memory_space<vmem>>) offsets(%arg11 : memref<128xi32, #tpu.memory_space<vmem>>) semaphore(%arg15 : memref<!tpu.dma_semaphore, #tpu.memory_space<semaphore_mem>>)
    %add3A_10 = arith.constant 128 : i32
    %add3A_11 = arith.addi %mul3A_2, %add3A_10 : i32
    "tpu.region"() ({
      %run_scoped3A = tpu.sem_alloc : memref<!tpu.dma_semaphore, #tpu.memory_space<semaphore_mem>>
      %dma_start3A_337 = tpu.memref_slice %arg4[%add3A_11] : memref<32768xi32, #tpu.memory_space<hbm>> -> memref<128xi32, #tpu.memory_space<hbm>>
      %dma_start3A_338 = tpu.memref_slice %arg4[%add3A_11] : memref<32768xi32, #tpu.memory_space<hbm>> -> memref<128xi32, #tpu.memory_space<hbm>>
      tpu.enqueue_dma source(%dma_start3A_338 : memref<128xi32, #tpu.memory_space<hbm>>) target(%arg12 : memref<128xi32, #tpu.memory_space<vmem>>) target_semaphore(%run_scoped3A : memref<!tpu.dma_semaphore, #tpu.memory_space<semaphore_mem>>)
      %dma_wait3A_339 = tpu.memref_slice %arg4[%add3A_11] : memref<32768xi32, #tpu.memory_space<hbm>> -> memref<128xi32, #tpu.memory_space<hbm>>
      %dma_wait3A_340 = tpu.memref_slice %arg4[%add3A_11] : memref<32768xi32, #tpu.memory_space<hbm>> -> memref<128xi32, #tpu.memory_space<hbm>>
      tpu.wait_dma2 semaphore(%run_scoped3A : memref<!tpu.dma_semaphore, #tpu.memory_space<semaphore_mem>>) src(%dma_wait3A_340 : memref<128xi32, #tpu.memory_space<hbm>>) dst(%arg12 : memref<128xi32, #tpu.memory_space<vmem>>)
      tpu.yield
    }) : () -> ()
    %dma_start3A_12 = arith.constant 0 : i32
    %dma_start3A_13 = arith.constant 0 : i32
    %dma_start3A_14 = tpu.memref_slice %arg2[%dma_start3A_12, %dma_start3A_13] : memref<200000x128xf32, #tpu.memory_space<hbm>> -> memref<200000x128xf32, #tpu.memory_space<hbm>>
    tpu.enqueue_indirect_dma source(%dma_start3A_14 : memref<200000x128xf32, #tpu.memory_space<hbm>>) target(%arg8 : memref<128x128xf32, #tpu.memory_space<vmem>>) offsets(%arg12 : memref<128xi32, #tpu.memory_space<vmem>>) semaphore(%arg14 : memref<!tpu.dma_semaphore, #tpu.memory_space<semaphore_mem>>)
    %dma_start3A_15 = arith.constant 0 : i32
    %dma_start3A_16 = arith.constant 0 : i32
    %dma_start3A_17 = tpu.memref_slice %arg3[%dma_start3A_15, %dma_start3A_16] : memref<200000x128xf32, #tpu.memory_space<hbm>> -> memref<200000x128xf32, #tpu.memory_space<hbm>>
    tpu.enqueue_indirect_dma source(%dma_start3A_17 : memref<200000x128xf32, #tpu.memory_space<hbm>>) target(%arg10 : memref<128x128xf32, #tpu.memory_space<vmem>>) offsets(%arg12 : memref<128xi32, #tpu.memory_space<vmem>>) semaphore(%arg16 : memref<!tpu.dma_semaphore, #tpu.memory_space<semaphore_mem>>)
    %add3A_18 = arith.constant 0 : i32
    %add3A_19 = arith.addi %mul3A_2, %add3A_18 : i32
    %dma_wait3A = arith.constant 0 : i32
    %dma_wait3A_20 = arith.constant 0 : i32
    %dma_wait3A_21 = tpu.memref_slice %arg2[%dma_wait3A, %dma_wait3A_20] : memref<200000x128xf32, #tpu.memory_space<hbm>> -> memref<128x128xf32, #tpu.memory_space<hbm>>
    %dma_wait3A_22 = arith.constant 0 : i32
    %dma_wait3A_23 = arith.constant 0 : i32
    %dma_wait3A_24 = tpu.memref_slice %arg2[%dma_wait3A_22, %dma_wait3A_23] : memref<200000x128xf32, #tpu.memory_space<hbm>> -> memref<128x128xf32, #tpu.memory_space<hbm>>
    tpu.wait_dma2 semaphore(%arg13 : memref<!tpu.dma_semaphore, #tpu.memory_space<semaphore_mem>>) src(%dma_wait3A_24 : memref<128x128xf32, #tpu.memory_space<hbm>>) dst(%arg7 : memref<128x128xf32, #tpu.memory_space<vmem>>)
    %dma_start3A_25 = arith.constant 0 : i32
    %dma_start3A_26 = tpu.memref_slice %arg5[%add3A_19, %dma_start3A_25] : memref<32768x128xf32, #tpu.memory_space<hbm>> -> memref<128x128xf32, #tpu.memory_space<hbm>>
    %dma_start3A_27 = arith.constant 0 : i32
    %dma_start3A_28 = tpu.memref_slice %arg5[%add3A_19, %dma_start3A_27] : memref<32768x128xf32, #tpu.memory_space<hbm>> -> memref<128x128xf32, #tpu.memory_space<hbm>>
    tpu.enqueue_dma source(%arg7 : memref<128x128xf32, #tpu.memory_space<vmem>>) target(%dma_start3A_28 : memref<128x128xf32, #tpu.memory_space<hbm>>) target_semaphore(%arg17 : memref<!tpu.dma_semaphore, #tpu.memory_space<semaphore_mem>>)
    %dma_wait3A_29 = arith.constant 0 : i32
    %dma_wait3A_30 = arith.constant 0 : i32
    %dma_wait3A_31 = tpu.memref_slice %arg3[%dma_wait3A_29, %dma_wait3A_30] : memref<200000x128xf32, #tpu.memory_space<hbm>> -> memref<128x128xf32, #tpu.memory_space<hbm>>
    %dma_wait3A_32 = arith.constant 0 : i32
    %dma_wait3A_33 = arith.constant 0 : i32
    %dma_wait3A_34 = tpu.memref_slice %arg3[%dma_wait3A_32, %dma_wait3A_33] : memref<200000x128xf32, #tpu.memory_space<hbm>> -> memref<128x128xf32, #tpu.memory_space<hbm>>
    tpu.wait_dma2 semaphore(%arg15 : memref<!tpu.dma_semaphore, #tpu.memory_space<semaphore_mem>>) src(%dma_wait3A_34 : memref<128x128xf32, #tpu.memory_space<hbm>>) dst(%arg9 : memref<128x128xf32, #tpu.memory_space<vmem>>)
    %dma_start3A_35 = arith.constant 0 : i32
    %dma_start3A_36 = tpu.memref_slice %arg6[%add3A_19, %dma_start3A_35] : memref<32768x128xf32, #tpu.memory_space<hbm>> -> memref<128x128xf32, #tpu.memory_space<hbm>>
    %dma_start3A_37 = arith.constant 0 : i32
    %dma_start3A_38 = tpu.memref_slice %arg6[%add3A_19, %dma_start3A_37] : memref<32768x128xf32, #tpu.memory_space<hbm>> -> memref<128x128xf32, #tpu.memory_space<hbm>>
    tpu.enqueue_dma source(%arg9 : memref<128x128xf32, #tpu.memory_space<vmem>>) target(%dma_start3A_38 : memref<128x128xf32, #tpu.memory_space<hbm>>) target_semaphore(%arg19 : memref<!tpu.dma_semaphore, #tpu.memory_space<semaphore_mem>>)
    %dma_wait3A_39 = arith.constant 0 : i32
    %dma_wait3A_40 = arith.constant 0 : i32
    %dma_wait3A_41 = tpu.memref_slice %arg5[%dma_wait3A_39, %dma_wait3A_40] : memref<32768x128xf32, #tpu.memory_space<hbm>> -> memref<128x128xf32, #tpu.memory_space<hbm>>
    %dma_wait3A_42 = arith.constant 0 : i32
    %dma_wait3A_43 = arith.constant 0 : i32
    %dma_wait3A_44 = tpu.memref_slice %arg5[%dma_wait3A_42, %dma_wait3A_43] : memref<32768x128xf32, #tpu.memory_space<hbm>> -> memref<128x128xf32, #tpu.memory_space<hbm>>
    tpu.wait_dma2 semaphore(%arg17 : memref<!tpu.dma_semaphore, #tpu.memory_space<semaphore_mem>>) src(%arg7 : memref<128x128xf32, #tpu.memory_space<vmem>>) dst(%dma_wait3A_44 : memref<128x128xf32, #tpu.memory_space<hbm>>)
    %dma_wait3A_45 = arith.constant 0 : i32
    %dma_wait3A_46 = arith.constant 0 : i32
    %dma_wait3A_47 = tpu.memref_slice %arg6[%dma_wait3A_45, %dma_wait3A_46] : memref<32768x128xf32, #tpu.memory_space<hbm>> -> memref<128x128xf32, #tpu.memory_space<hbm>>
    %dma_wait3A_48 = arith.constant 0 : i32
    %dma_wait3A_49 = arith.constant 0 : i32
    %dma_wait3A_50 = tpu.memref_slice %arg6[%dma_wait3A_48, %dma_wait3A_49] : memref<32768x128xf32, #tpu.memory_space<hbm>> -> memref<128x128xf32, #tpu.memory_space<hbm>>
    tpu.wait_dma2 semaphore(%arg19 : memref<!tpu.dma_semaphore, #tpu.memory_space<semaphore_mem>>) src(%arg9 : memref<128x128xf32, #tpu.memory_space<vmem>>) dst(%dma_wait3A_50 : memref<128x128xf32, #tpu.memory_space<hbm>>)
    %add3A_51 = arith.constant 256 : i32
    %add3A_52 = arith.addi %mul3A_2, %add3A_51 : i32
    "tpu.region"() ({
      %run_scoped3A = tpu.sem_alloc : memref<!tpu.dma_semaphore, #tpu.memory_space<semaphore_mem>>
      %dma_start3A_337 = tpu.memref_slice %arg4[%add3A_52] : memref<32768xi32, #tpu.memory_space<hbm>> -> memref<128xi32, #tpu.memory_space<hbm>>
      %dma_start3A_338 = tpu.memref_slice %arg4[%add3A_52] : memref<32768xi32, #tpu.memory_space<hbm>> -> memref<128xi32, #tpu.memory_space<hbm>>
      tpu.enqueue_dma source(%dma_start3A_338 : memref<128xi32, #tpu.memory_space<hbm>>) target(%arg11 : memref<128xi32, #tpu.memory_space<vmem>>) target_semaphore(%run_scoped3A : memref<!tpu.dma_semaphore, #tpu.memory_space<semaphore_mem>>)
      %dma_wait3A_339 = tpu.memref_slice %arg4[%add3A_52] : memref<32768xi32, #tpu.memory_space<hbm>> -> memref<128xi32, #tpu.memory_space<hbm>>
      %dma_wait3A_340 = tpu.memref_slice %arg4[%add3A_52] : memref<32768xi32, #tpu.memory_space<hbm>> -> memref<128xi32, #tpu.memory_space<hbm>>
      tpu.wait_dma2 semaphore(%run_scoped3A : memref<!tpu.dma_semaphore, #tpu.memory_space<semaphore_mem>>) src(%dma_wait3A_340 : memref<128xi32, #tpu.memory_space<hbm>>) dst(%arg11 : memref<128xi32, #tpu.memory_space<vmem>>)
      tpu.yield
    }) : () -> ()
    %dma_start3A_53 = arith.constant 0 : i32
    %dma_start3A_54 = arith.constant 0 : i32
    %dma_start3A_55 = tpu.memref_slice %arg2[%dma_start3A_53, %dma_start3A_54] : memref<200000x128xf32, #tpu.memory_space<hbm>> -> memref<200000x128xf32, #tpu.memory_space<hbm>>
    tpu.enqueue_indirect_dma source(%dma_start3A_55 : memref<200000x128xf32, #tpu.memory_space<hbm>>) target(%arg7 : memref<128x128xf32, #tpu.memory_space<vmem>>) offsets(%arg11 : memref<128xi32, #tpu.memory_space<vmem>>) semaphore(%arg13 : memref<!tpu.dma_semaphore, #tpu.memory_space<semaphore_mem>>)
    %dma_start3A_56 = arith.constant 0 : i32
    %dma_start3A_57 = arith.constant 0 : i32
    %dma_start3A_58 = tpu.memref_slice %arg3[%dma_start3A_56, %dma_start3A_57] : memref<200000x128xf32, #tpu.memory_space<hbm>> -> memref<200000x128xf32, #tpu.memory_space<hbm>>
    tpu.enqueue_indirect_dma source(%dma_start3A_58 : memref<200000x128xf32, #tpu.memory_space<hbm>>) target(%arg9 : memref<128x128xf32, #tpu.memory_space<vmem>>) offsets(%arg11 : memref<128xi32, #tpu.memory_space<vmem>>) semaphore(%arg15 : memref<!tpu.dma_semaphore, #tpu.memory_space<semaphore_mem>>)
    %add3A_59 = arith.constant 128 : i32
    %add3A_60 = arith.addi %mul3A_2, %add3A_59 : i32
    %dma_wait3A_61 = arith.constant 0 : i32
    %dma_wait3A_62 = arith.constant 0 : i32
    %dma_wait3A_63 = tpu.memref_slice %arg2[%dma_wait3A_61, %dma_wait3A_62] : memref<200000x128xf32, #tpu.memory_space<hbm>> -> memref<128x128xf32, #tpu.memory_space<hbm>>
    %dma_wait3A_64 = arith.constant 0 : i32
    %dma_wait3A_65 = arith.constant 0 : i32
    %dma_wait3A_66 = tpu.memref_slice %arg2[%dma_wait3A_64, %dma_wait3A_65] : memref<200000x128xf32, #tpu.memory_space<hbm>> -> memref<128x128xf32, #tpu.memory_space<hbm>>
    tpu.wait_dma2 semaphore(%arg14 : memref<!tpu.dma_semaphore, #tpu.memory_space<semaphore_mem>>) src(%dma_wait3A_66 : memref<128x128xf32, #tpu.memory_space<hbm>>) dst(%arg8 : memref<128x128xf32, #tpu.memory_space<vmem>>)
    %dma_start3A_67 = arith.constant 0 : i32
    %dma_start3A_68 = tpu.memref_slice %arg5[%add3A_60, %dma_start3A_67] : memref<32768x128xf32, #tpu.memory_space<hbm>> -> memref<128x128xf32, #tpu.memory_space<hbm>>
    %dma_start3A_69 = arith.constant 0 : i32
    %dma_start3A_70 = tpu.memref_slice %arg5[%add3A_60, %dma_start3A_69] : memref<32768x128xf32, #tpu.memory_space<hbm>> -> memref<128x128xf32, #tpu.memory_space<hbm>>
    tpu.enqueue_dma source(%arg8 : memref<128x128xf32, #tpu.memory_space<vmem>>) target(%dma_start3A_70 : memref<128x128xf32, #tpu.memory_space<hbm>>) target_semaphore(%arg18 : memref<!tpu.dma_semaphore, #tpu.memory_space<semaphore_mem>>)
    %dma_wait3A_71 = arith.constant 0 : i32
    %dma_wait3A_72 = arith.constant 0 : i32
    %dma_wait3A_73 = tpu.memref_slice %arg3[%dma_wait3A_71, %dma_wait3A_72] : memref<200000x128xf32, #tpu.memory_space<hbm>> -> memref<128x128xf32, #tpu.memory_space<hbm>>
    %dma_wait3A_74 = arith.constant 0 : i32
    %dma_wait3A_75 = arith.constant 0 : i32
    %dma_wait3A_76 = tpu.memref_slice %arg3[%dma_wait3A_74, %dma_wait3A_75] : memref<200000x128xf32, #tpu.memory_space<hbm>> -> memref<128x128xf32, #tpu.memory_space<hbm>>
    tpu.wait_dma2 semaphore(%arg16 : memref<!tpu.dma_semaphore, #tpu.memory_space<semaphore_mem>>) src(%dma_wait3A_76 : memref<128x128xf32, #tpu.memory_space<hbm>>) dst(%arg10 : memref<128x128xf32, #tpu.memory_space<vmem>>)
    %dma_start3A_77 = arith.constant 0 : i32
    %dma_start3A_78 = tpu.memref_slice %arg6[%add3A_60, %dma_start3A_77] : memref<32768x128xf32, #tpu.memory_space<hbm>> -> memref<128x128xf32, #tpu.memory_space<hbm>>
    %dma_start3A_79 = arith.constant 0 : i32
    %dma_start3A_80 = tpu.memref_slice %arg6[%add3A_60, %dma_start3A_79] : memref<32768x128xf32, #tpu.memory_space<hbm>> -> memref<128x128xf32, #tpu.memory_space<hbm>>
    tpu.enqueue_dma source(%arg10 : memref<128x128xf32, #tpu.memory_space<vmem>>) target(%dma_start3A_80 : memref<128x128xf32, #tpu.memory_space<hbm>>) target_semaphore(%arg20 : memref<!tpu.dma_semaphore, #tpu.memory_space<semaphore_mem>>)
    %dma_wait3A_81 = arith.constant 0 : i32
    %dma_wait3A_82 = arith.constant 0 : i32
    %dma_wait3A_83 = tpu.memref_slice %arg5[%dma_wait3A_81, %dma_wait3A_82] : memref<32768x128xf32, #tpu.memory_space<hbm>> -> memref<128x128xf32, #tpu.memory_space<hbm>>
    %dma_wait3A_84 = arith.constant 0 : i32
    %dma_wait3A_85 = arith.constant 0 : i32
    %dma_wait3A_86 = tpu.memref_slice %arg5[%dma_wait3A_84, %dma_wait3A_85] : memref<32768x128xf32, #tpu.memory_space<hbm>> -> memref<128x128xf32, #tpu.memory_space<hbm>>
    tpu.wait_dma2 semaphore(%arg18 : memref<!tpu.dma_semaphore, #tpu.memory_space<semaphore_mem>>) src(%arg8 : memref<128x128xf32, #tpu.memory_space<vmem>>) dst(%dma_wait3A_86 : memref<128x128xf32, #tpu.memory_space<hbm>>)
    %dma_wait3A_87 = arith.constant 0 : i32
    %dma_wait3A_88 = arith.constant 0 : i32
    %dma_wait3A_89 = tpu.memref_slice %arg6[%dma_wait3A_87, %dma_wait3A_88] : memref<32768x128xf32, #tpu.memory_space<hbm>> -> memref<128x128xf32, #tpu.memory_space<hbm>>
    %dma_wait3A_90 = arith.constant 0 : i32
    %dma_wait3A_91 = arith.constant 0 : i32
    %dma_wait3A_92 = tpu.memref_slice %arg6[%dma_wait3A_90, %dma_wait3A_91] : memref<32768x128xf32, #tpu.memory_space<hbm>> -> memref<128x128xf32, #tpu.memory_space<hbm>>
    tpu.wait_dma2 semaphore(%arg20 : memref<!tpu.dma_semaphore, #tpu.memory_space<semaphore_mem>>) src(%arg10 : memref<128x128xf32, #tpu.memory_space<vmem>>) dst(%dma_wait3A_92 : memref<128x128xf32, #tpu.memory_space<hbm>>)
    %add3A_93 = arith.constant 384 : i32
    %add3A_94 = arith.addi %mul3A_2, %add3A_93 : i32
    "tpu.region"() ({
      %run_scoped3A = tpu.sem_alloc : memref<!tpu.dma_semaphore, #tpu.memory_space<semaphore_mem>>
      %dma_start3A_337 = tpu.memref_slice %arg4[%add3A_94] : memref<32768xi32, #tpu.memory_space<hbm>> -> memref<128xi32, #tpu.memory_space<hbm>>
      %dma_start3A_338 = tpu.memref_slice %arg4[%add3A_94] : memref<32768xi32, #tpu.memory_space<hbm>> -> memref<128xi32, #tpu.memory_space<hbm>>
      tpu.enqueue_dma source(%dma_start3A_338 : memref<128xi32, #tpu.memory_space<hbm>>) target(%arg12 : memref<128xi32, #tpu.memory_space<vmem>>) target_semaphore(%run_scoped3A : memref<!tpu.dma_semaphore, #tpu.memory_space<semaphore_mem>>)
      %dma_wait3A_339 = tpu.memref_slice %arg4[%add3A_94] : memref<32768xi32, #tpu.memory_space<hbm>> -> memref<128xi32, #tpu.memory_space<hbm>>
      %dma_wait3A_340 = tpu.memref_slice %arg4[%add3A_94] : memref<32768xi32, #tpu.memory_space<hbm>> -> memref<128xi32, #tpu.memory_space<hbm>>
      tpu.wait_dma2 semaphore(%run_scoped3A : memref<!tpu.dma_semaphore, #tpu.memory_space<semaphore_mem>>) src(%dma_wait3A_340 : memref<128xi32, #tpu.memory_space<hbm>>) dst(%arg12 : memref<128xi32, #tpu.memory_space<vmem>>)
      tpu.yield
    }) : () -> ()
    %dma_start3A_95 = arith.constant 0 : i32
    %dma_start3A_96 = arith.constant 0 : i32
    %dma_start3A_97 = tpu.memref_slice %arg2[%dma_start3A_95, %dma_start3A_96] : memref<200000x128xf32, #tpu.memory_space<hbm>> -> memref<200000x128xf32, #tpu.memory_space<hbm>>
    tpu.enqueue_indirect_dma source(%dma_start3A_97 : memref<200000x128xf32, #tpu.memory_space<hbm>>) target(%arg8 : memref<128x128xf32, #tpu.memory_space<vmem>>) offsets(%arg12 : memref<128xi32, #tpu.memory_space<vmem>>) semaphore(%arg14 : memref<!tpu.dma_semaphore, #tpu.memory_space<semaphore_mem>>)
    %dma_start3A_98 = arith.constant 0 : i32
    %dma_start3A_99 = arith.constant 0 : i32
    %dma_start3A_100 = tpu.memref_slice %arg3[%dma_start3A_98, %dma_start3A_99] : memref<200000x128xf32, #tpu.memory_space<hbm>> -> memref<200000x128xf32, #tpu.memory_space<hbm>>
    tpu.enqueue_indirect_dma source(%dma_start3A_100 : memref<200000x128xf32, #tpu.memory_space<hbm>>) target(%arg10 : memref<128x128xf32, #tpu.memory_space<vmem>>) offsets(%arg12 : memref<128xi32, #tpu.memory_space<vmem>>) semaphore(%arg16 : memref<!tpu.dma_semaphore, #tpu.memory_space<semaphore_mem>>)
    %add3A_101 = arith.constant 256 : i32
    %add3A_102 = arith.addi %mul3A_2, %add3A_101 : i32
    %dma_wait3A_103 = arith.constant 0 : i32
    %dma_wait3A_104 = arith.constant 0 : i32
    %dma_wait3A_105 = tpu.memref_slice %arg2[%dma_wait3A_103, %dma_wait3A_104] : memref<200000x128xf32, #tpu.memory_space<hbm>> -> memref<128x128xf32, #tpu.memory_space<hbm>>
    %dma_wait3A_106 = arith.constant 0 : i32
    %dma_wait3A_107 = arith.constant 0 : i32
    %dma_wait3A_108 = tpu.memref_slice %arg2[%dma_wait3A_106, %dma_wait3A_107] : memref<200000x128xf32, #tpu.memory_space<hbm>> -> memref<128x128xf32, #tpu.memory_space<hbm>>
    tpu.wait_dma2 semaphore(%arg13 : memref<!tpu.dma_semaphore, #tpu.memory_space<semaphore_mem>>) src(%dma_wait3A_108 : memref<128x128xf32, #tpu.memory_space<hbm>>) dst(%arg7 : memref<128x128xf32, #tpu.memory_space<vmem>>)
    %dma_start3A_109 = arith.constant 0 : i32
    %dma_start3A_110 = tpu.memref_slice %arg5[%add3A_102, %dma_start3A_109] : memref<32768x128xf32, #tpu.memory_space<hbm>> -> memref<128x128xf32, #tpu.memory_space<hbm>>
    %dma_start3A_111 = arith.constant 0 : i32
    %dma_start3A_112 = tpu.memref_slice %arg5[%add3A_102, %dma_start3A_111] : memref<32768x128xf32, #tpu.memory_space<hbm>> -> memref<128x128xf32, #tpu.memory_space<hbm>>
    tpu.enqueue_dma source(%arg7 : memref<128x128xf32, #tpu.memory_space<vmem>>) target(%dma_start3A_112 : memref<128x128xf32, #tpu.memory_space<hbm>>) target_semaphore(%arg17 : memref<!tpu.dma_semaphore, #tpu.memory_space<semaphore_mem>>)
    %dma_wait3A_113 = arith.constant 0 : i32
    %dma_wait3A_114 = arith.constant 0 : i32
    %dma_wait3A_115 = tpu.memref_slice %arg3[%dma_wait3A_113, %dma_wait3A_114] : memref<200000x128xf32, #tpu.memory_space<hbm>> -> memref<128x128xf32, #tpu.memory_space<hbm>>
    %dma_wait3A_116 = arith.constant 0 : i32
    %dma_wait3A_117 = arith.constant 0 : i32
    %dma_wait3A_118 = tpu.memref_slice %arg3[%dma_wait3A_116, %dma_wait3A_117] : memref<200000x128xf32, #tpu.memory_space<hbm>> -> memref<128x128xf32, #tpu.memory_space<hbm>>
    tpu.wait_dma2 semaphore(%arg15 : memref<!tpu.dma_semaphore, #tpu.memory_space<semaphore_mem>>) src(%dma_wait3A_118 : memref<128x128xf32, #tpu.memory_space<hbm>>) dst(%arg9 : memref<128x128xf32, #tpu.memory_space<vmem>>)
    %dma_start3A_119 = arith.constant 0 : i32
    %dma_start3A_120 = tpu.memref_slice %arg6[%add3A_102, %dma_start3A_119] : memref<32768x128xf32, #tpu.memory_space<hbm>> -> memref<128x128xf32, #tpu.memory_space<hbm>>
    %dma_start3A_121 = arith.constant 0 : i32
    %dma_start3A_122 = tpu.memref_slice %arg6[%add3A_102, %dma_start3A_121] : memref<32768x128xf32, #tpu.memory_space<hbm>> -> memref<128x128xf32, #tpu.memory_space<hbm>>
    tpu.enqueue_dma source(%arg9 : memref<128x128xf32, #tpu.memory_space<vmem>>) target(%dma_start3A_122 : memref<128x128xf32, #tpu.memory_space<hbm>>) target_semaphore(%arg19 : memref<!tpu.dma_semaphore, #tpu.memory_space<semaphore_mem>>)
    %dma_wait3A_123 = arith.constant 0 : i32
    %dma_wait3A_124 = arith.constant 0 : i32
    %dma_wait3A_125 = tpu.memref_slice %arg5[%dma_wait3A_123, %dma_wait3A_124] : memref<32768x128xf32, #tpu.memory_space<hbm>> -> memref<128x128xf32, #tpu.memory_space<hbm>>
    %dma_wait3A_126 = arith.constant 0 : i32
    %dma_wait3A_127 = arith.constant 0 : i32
    %dma_wait3A_128 = tpu.memref_slice %arg5[%dma_wait3A_126, %dma_wait3A_127] : memref<32768x128xf32, #tpu.memory_space<hbm>> -> memref<128x128xf32, #tpu.memory_space<hbm>>
    tpu.wait_dma2 semaphore(%arg17 : memref<!tpu.dma_semaphore, #tpu.memory_space<semaphore_mem>>) src(%arg7 : memref<128x128xf32, #tpu.memory_space<vmem>>) dst(%dma_wait3A_128 : memref<128x128xf32, #tpu.memory_space<hbm>>)
    %dma_wait3A_129 = arith.constant 0 : i32
    %dma_wait3A_130 = arith.constant 0 : i32
    %dma_wait3A_131 = tpu.memref_slice %arg6[%dma_wait3A_129, %dma_wait3A_130] : memref<32768x128xf32, #tpu.memory_space<hbm>> -> memref<128x128xf32, #tpu.memory_space<hbm>>
    %dma_wait3A_132 = arith.constant 0 : i32
    %dma_wait3A_133 = arith.constant 0 : i32
    %dma_wait3A_134 = tpu.memref_slice %arg6[%dma_wait3A_132, %dma_wait3A_133] : memref<32768x128xf32, #tpu.memory_space<hbm>> -> memref<128x128xf32, #tpu.memory_space<hbm>>
    tpu.wait_dma2 semaphore(%arg19 : memref<!tpu.dma_semaphore, #tpu.memory_space<semaphore_mem>>) src(%arg9 : memref<128x128xf32, #tpu.memory_space<vmem>>) dst(%dma_wait3A_134 : memref<128x128xf32, #tpu.memory_space<hbm>>)
    %add3A_135 = arith.constant 512 : i32
    %add3A_136 = arith.addi %mul3A_2, %add3A_135 : i32
    "tpu.region"() ({
      %run_scoped3A = tpu.sem_alloc : memref<!tpu.dma_semaphore, #tpu.memory_space<semaphore_mem>>
      %dma_start3A_337 = tpu.memref_slice %arg4[%add3A_136] : memref<32768xi32, #tpu.memory_space<hbm>> -> memref<128xi32, #tpu.memory_space<hbm>>
      %dma_start3A_338 = tpu.memref_slice %arg4[%add3A_136] : memref<32768xi32, #tpu.memory_space<hbm>> -> memref<128xi32, #tpu.memory_space<hbm>>
      tpu.enqueue_dma source(%dma_start3A_338 : memref<128xi32, #tpu.memory_space<hbm>>) target(%arg11 : memref<128xi32, #tpu.memory_space<vmem>>) target_semaphore(%run_scoped3A : memref<!tpu.dma_semaphore, #tpu.memory_space<semaphore_mem>>)
      %dma_wait3A_339 = tpu.memref_slice %arg4[%add3A_136] : memref<32768xi32, #tpu.memory_space<hbm>> -> memref<128xi32, #tpu.memory_space<hbm>>
      %dma_wait3A_340 = tpu.memref_slice %arg4[%add3A_136] : memref<32768xi32, #tpu.memory_space<hbm>> -> memref<128xi32, #tpu.memory_space<hbm>>
      tpu.wait_dma2 semaphore(%run_scoped3A : memref<!tpu.dma_semaphore, #tpu.memory_space<semaphore_mem>>) src(%dma_wait3A_340 : memref<128xi32, #tpu.memory_space<hbm>>) dst(%arg11 : memref<128xi32, #tpu.memory_space<vmem>>)
      tpu.yield
    }) : () -> ()
    %dma_start3A_137 = arith.constant 0 : i32
    %dma_start3A_138 = arith.constant 0 : i32
    %dma_start3A_139 = tpu.memref_slice %arg2[%dma_start3A_137, %dma_start3A_138] : memref<200000x128xf32, #tpu.memory_space<hbm>> -> memref<200000x128xf32, #tpu.memory_space<hbm>>
    tpu.enqueue_indirect_dma source(%dma_start3A_139 : memref<200000x128xf32, #tpu.memory_space<hbm>>) target(%arg7 : memref<128x128xf32, #tpu.memory_space<vmem>>) offsets(%arg11 : memref<128xi32, #tpu.memory_space<vmem>>) semaphore(%arg13 : memref<!tpu.dma_semaphore, #tpu.memory_space<semaphore_mem>>)
    %dma_start3A_140 = arith.constant 0 : i32
    %dma_start3A_141 = arith.constant 0 : i32
    %dma_start3A_142 = tpu.memref_slice %arg3[%dma_start3A_140, %dma_start3A_141] : memref<200000x128xf32, #tpu.memory_space<hbm>> -> memref<200000x128xf32, #tpu.memory_space<hbm>>
    tpu.enqueue_indirect_dma source(%dma_start3A_142 : memref<200000x128xf32, #tpu.memory_space<hbm>>) target(%arg9 : memref<128x128xf32, #tpu.memory_space<vmem>>) offsets(%arg11 : memref<128xi32, #tpu.memory_space<vmem>>) semaphore(%arg15 : memref<!tpu.dma_semaphore, #tpu.memory_space<semaphore_mem>>)
    %add3A_143 = arith.constant 384 : i32
    %add3A_144 = arith.addi %mul3A_2, %add3A_143 : i32
    %dma_wait3A_145 = arith.constant 0 : i32
    %dma_wait3A_146 = arith.constant 0 : i32
    %dma_wait3A_147 = tpu.memref_slice %arg2[%dma_wait3A_145, %dma_wait3A_146] : memref<200000x128xf32, #tpu.memory_space<hbm>> -> memref<128x128xf32, #tpu.memory_space<hbm>>
    %dma_wait3A_148 = arith.constant 0 : i32
    %dma_wait3A_149 = arith.constant 0 : i32
    %dma_wait3A_150 = tpu.memref_slice %arg2[%dma_wait3A_148, %dma_wait3A_149] : memref<200000x128xf32, #tpu.memory_space<hbm>> -> memref<128x128xf32, #tpu.memory_space<hbm>>
    tpu.wait_dma2 semaphore(%arg14 : memref<!tpu.dma_semaphore, #tpu.memory_space<semaphore_mem>>) src(%dma_wait3A_150 : memref<128x128xf32, #tpu.memory_space<hbm>>) dst(%arg8 : memref<128x128xf32, #tpu.memory_space<vmem>>)
    %dma_start3A_151 = arith.constant 0 : i32
    %dma_start3A_152 = tpu.memref_slice %arg5[%add3A_144, %dma_start3A_151] : memref<32768x128xf32, #tpu.memory_space<hbm>> -> memref<128x128xf32, #tpu.memory_space<hbm>>
    %dma_start3A_153 = arith.constant 0 : i32
    %dma_start3A_154 = tpu.memref_slice %arg5[%add3A_144, %dma_start3A_153] : memref<32768x128xf32, #tpu.memory_space<hbm>> -> memref<128x128xf32, #tpu.memory_space<hbm>>
    tpu.enqueue_dma source(%arg8 : memref<128x128xf32, #tpu.memory_space<vmem>>) target(%dma_start3A_154 : memref<128x128xf32, #tpu.memory_space<hbm>>) target_semaphore(%arg18 : memref<!tpu.dma_semaphore, #tpu.memory_space<semaphore_mem>>)
    %dma_wait3A_155 = arith.constant 0 : i32
    %dma_wait3A_156 = arith.constant 0 : i32
    %dma_wait3A_157 = tpu.memref_slice %arg3[%dma_wait3A_155, %dma_wait3A_156] : memref<200000x128xf32, #tpu.memory_space<hbm>> -> memref<128x128xf32, #tpu.memory_space<hbm>>
    %dma_wait3A_158 = arith.constant 0 : i32
    %dma_wait3A_159 = arith.constant 0 : i32
    %dma_wait3A_160 = tpu.memref_slice %arg3[%dma_wait3A_158, %dma_wait3A_159] : memref<200000x128xf32, #tpu.memory_space<hbm>> -> memref<128x128xf32, #tpu.memory_space<hbm>>
    tpu.wait_dma2 semaphore(%arg16 : memref<!tpu.dma_semaphore, #tpu.memory_space<semaphore_mem>>) src(%dma_wait3A_160 : memref<128x128xf32, #tpu.memory_space<hbm>>) dst(%arg10 : memref<128x128xf32, #tpu.memory_space<vmem>>)
    %dma_start3A_161 = arith.constant 0 : i32
    %dma_start3A_162 = tpu.memref_slice %arg6[%add3A_144, %dma_start3A_161] : memref<32768x128xf32, #tpu.memory_space<hbm>> -> memref<128x128xf32, #tpu.memory_space<hbm>>
    %dma_start3A_163 = arith.constant 0 : i32
    %dma_start3A_164 = tpu.memref_slice %arg6[%add3A_144, %dma_start3A_163] : memref<32768x128xf32, #tpu.memory_space<hbm>> -> memref<128x128xf32, #tpu.memory_space<hbm>>
    tpu.enqueue_dma source(%arg10 : memref<128x128xf32, #tpu.memory_space<vmem>>) target(%dma_start3A_164 : memref<128x128xf32, #tpu.memory_space<hbm>>) target_semaphore(%arg20 : memref<!tpu.dma_semaphore, #tpu.memory_space<semaphore_mem>>)
    %dma_wait3A_165 = arith.constant 0 : i32
    %dma_wait3A_166 = arith.constant 0 : i32
    %dma_wait3A_167 = tpu.memref_slice %arg5[%dma_wait3A_165, %dma_wait3A_166] : memref<32768x128xf32, #tpu.memory_space<hbm>> -> memref<128x128xf32, #tpu.memory_space<hbm>>
    %dma_wait3A_168 = arith.constant 0 : i32
    %dma_wait3A_169 = arith.constant 0 : i32
    %dma_wait3A_170 = tpu.memref_slice %arg5[%dma_wait3A_168, %dma_wait3A_169] : memref<32768x128xf32, #tpu.memory_space<hbm>> -> memref<128x128xf32, #tpu.memory_space<hbm>>
    tpu.wait_dma2 semaphore(%arg18 : memref<!tpu.dma_semaphore, #tpu.memory_space<semaphore_mem>>) src(%arg8 : memref<128x128xf32, #tpu.memory_space<vmem>>) dst(%dma_wait3A_170 : memref<128x128xf32, #tpu.memory_space<hbm>>)
    %dma_wait3A_171 = arith.constant 0 : i32
    %dma_wait3A_172 = arith.constant 0 : i32
    %dma_wait3A_173 = tpu.memref_slice %arg6[%dma_wait3A_171, %dma_wait3A_172] : memref<32768x128xf32, #tpu.memory_space<hbm>> -> memref<128x128xf32, #tpu.memory_space<hbm>>
    %dma_wait3A_174 = arith.constant 0 : i32
    %dma_wait3A_175 = arith.constant 0 : i32
    %dma_wait3A_176 = tpu.memref_slice %arg6[%dma_wait3A_174, %dma_wait3A_175] : memref<32768x128xf32, #tpu.memory_space<hbm>> -> memref<128x128xf32, #tpu.memory_space<hbm>>
    tpu.wait_dma2 semaphore(%arg20 : memref<!tpu.dma_semaphore, #tpu.memory_space<semaphore_mem>>) src(%arg10 : memref<128x128xf32, #tpu.memory_space<vmem>>) dst(%dma_wait3A_176 : memref<128x128xf32, #tpu.memory_space<hbm>>)
    %add3A_177 = arith.constant 640 : i32
    %add3A_178 = arith.addi %mul3A_2, %add3A_177 : i32
    "tpu.region"() ({
      %run_scoped3A = tpu.sem_alloc : memref<!tpu.dma_semaphore, #tpu.memory_space<semaphore_mem>>
      %dma_start3A_337 = tpu.memref_slice %arg4[%add3A_178] : memref<32768xi32, #tpu.memory_space<hbm>> -> memref<128xi32, #tpu.memory_space<hbm>>
      %dma_start3A_338 = tpu.memref_slice %arg4[%add3A_178] : memref<32768xi32, #tpu.memory_space<hbm>> -> memref<128xi32, #tpu.memory_space<hbm>>
      tpu.enqueue_dma source(%dma_start3A_338 : memref<128xi32, #tpu.memory_space<hbm>>) target(%arg12 : memref<128xi32, #tpu.memory_space<vmem>>) target_semaphore(%run_scoped3A : memref<!tpu.dma_semaphore, #tpu.memory_space<semaphore_mem>>)
      %dma_wait3A_339 = tpu.memref_slice %arg4[%add3A_178] : memref<32768xi32, #tpu.memory_space<hbm>> -> memref<128xi32, #tpu.memory_space<hbm>>
      %dma_wait3A_340 = tpu.memref_slice %arg4[%add3A_178] : memref<32768xi32, #tpu.memory_space<hbm>> -> memref<128xi32, #tpu.memory_space<hbm>>
      tpu.wait_dma2 semaphore(%run_scoped3A : memref<!tpu.dma_semaphore, #tpu.memory_space<semaphore_mem>>) src(%dma_wait3A_340 : memref<128xi32, #tpu.memory_space<hbm>>) dst(%arg12 : memref<128xi32, #tpu.memory_space<vmem>>)
      tpu.yield
    }) : () -> ()
    %dma_start3A_179 = arith.constant 0 : i32
    %dma_start3A_180 = arith.constant 0 : i32
    %dma_start3A_181 = tpu.memref_slice %arg2[%dma_start3A_179, %dma_start3A_180] : memref<200000x128xf32, #tpu.memory_space<hbm>> -> memref<200000x128xf32, #tpu.memory_space<hbm>>
    tpu.enqueue_indirect_dma source(%dma_start3A_181 : memref<200000x128xf32, #tpu.memory_space<hbm>>) target(%arg8 : memref<128x128xf32, #tpu.memory_space<vmem>>) offsets(%arg12 : memref<128xi32, #tpu.memory_space<vmem>>) semaphore(%arg14 : memref<!tpu.dma_semaphore, #tpu.memory_space<semaphore_mem>>)
    %dma_start3A_182 = arith.constant 0 : i32
    %dma_start3A_183 = arith.constant 0 : i32
    %dma_start3A_184 = tpu.memref_slice %arg3[%dma_start3A_182, %dma_start3A_183] : memref<200000x128xf32, #tpu.memory_space<hbm>> -> memref<200000x128xf32, #tpu.memory_space<hbm>>
    tpu.enqueue_indirect_dma source(%dma_start3A_184 : memref<200000x128xf32, #tpu.memory_space<hbm>>) target(%arg10 : memref<128x128xf32, #tpu.memory_space<vmem>>) offsets(%arg12 : memref<128xi32, #tpu.memory_space<vmem>>) semaphore(%arg16 : memref<!tpu.dma_semaphore, #tpu.memory_space<semaphore_mem>>)
    %add3A_185 = arith.constant 512 : i32
    %add3A_186 = arith.addi %mul3A_2, %add3A_185 : i32
    %dma_wait3A_187 = arith.constant 0 : i32
    %dma_wait3A_188 = arith.constant 0 : i32
    %dma_wait3A_189 = tpu.memref_slice %arg2[%dma_wait3A_187, %dma_wait3A_188] : memref<200000x128xf32, #tpu.memory_space<hbm>> -> memref<128x128xf32, #tpu.memory_space<hbm>>
    %dma_wait3A_190 = arith.constant 0 : i32
    %dma_wait3A_191 = arith.constant 0 : i32
    %dma_wait3A_192 = tpu.memref_slice %arg2[%dma_wait3A_190, %dma_wait3A_191] : memref<200000x128xf32, #tpu.memory_space<hbm>> -> memref<128x128xf32, #tpu.memory_space<hbm>>
    tpu.wait_dma2 semaphore(%arg13 : memref<!tpu.dma_semaphore, #tpu.memory_space<semaphore_mem>>) src(%dma_wait3A_192 : memref<128x128xf32, #tpu.memory_space<hbm>>) dst(%arg7 : memref<128x128xf32, #tpu.memory_space<vmem>>)
    %dma_start3A_193 = arith.constant 0 : i32
    %dma_start3A_194 = tpu.memref_slice %arg5[%add3A_186, %dma_start3A_193] : memref<32768x128xf32, #tpu.memory_space<hbm>> -> memref<128x128xf32, #tpu.memory_space<hbm>>
    %dma_start3A_195 = arith.constant 0 : i32
    %dma_start3A_196 = tpu.memref_slice %arg5[%add3A_186, %dma_start3A_195] : memref<32768x128xf32, #tpu.memory_space<hbm>> -> memref<128x128xf32, #tpu.memory_space<hbm>>
    tpu.enqueue_dma source(%arg7 : memref<128x128xf32, #tpu.memory_space<vmem>>) target(%dma_start3A_196 : memref<128x128xf32, #tpu.memory_space<hbm>>) target_semaphore(%arg17 : memref<!tpu.dma_semaphore, #tpu.memory_space<semaphore_mem>>)
    %dma_wait3A_197 = arith.constant 0 : i32
    %dma_wait3A_198 = arith.constant 0 : i32
    %dma_wait3A_199 = tpu.memref_slice %arg3[%dma_wait3A_197, %dma_wait3A_198] : memref<200000x128xf32, #tpu.memory_space<hbm>> -> memref<128x128xf32, #tpu.memory_space<hbm>>
    %dma_wait3A_200 = arith.constant 0 : i32
    %dma_wait3A_201 = arith.constant 0 : i32
    %dma_wait3A_202 = tpu.memref_slice %arg3[%dma_wait3A_200, %dma_wait3A_201] : memref<200000x128xf32, #tpu.memory_space<hbm>> -> memref<128x128xf32, #tpu.memory_space<hbm>>
    tpu.wait_dma2 semaphore(%arg15 : memref<!tpu.dma_semaphore, #tpu.memory_space<semaphore_mem>>) src(%dma_wait3A_202 : memref<128x128xf32, #tpu.memory_space<hbm>>) dst(%arg9 : memref<128x128xf32, #tpu.memory_space<vmem>>)
    %dma_start3A_203 = arith.constant 0 : i32
    %dma_start3A_204 = tpu.memref_slice %arg6[%add3A_186, %dma_start3A_203] : memref<32768x128xf32, #tpu.memory_space<hbm>> -> memref<128x128xf32, #tpu.memory_space<hbm>>
    %dma_start3A_205 = arith.constant 0 : i32
    %dma_start3A_206 = tpu.memref_slice %arg6[%add3A_186, %dma_start3A_205] : memref<32768x128xf32, #tpu.memory_space<hbm>> -> memref<128x128xf32, #tpu.memory_space<hbm>>
    tpu.enqueue_dma source(%arg9 : memref<128x128xf32, #tpu.memory_space<vmem>>) target(%dma_start3A_206 : memref<128x128xf32, #tpu.memory_space<hbm>>) target_semaphore(%arg19 : memref<!tpu.dma_semaphore, #tpu.memory_space<semaphore_mem>>)
    %dma_wait3A_207 = arith.constant 0 : i32
    %dma_wait3A_208 = arith.constant 0 : i32
    %dma_wait3A_209 = tpu.memref_slice %arg5[%dma_wait3A_207, %dma_wait3A_208] : memref<32768x128xf32, #tpu.memory_space<hbm>> -> memref<128x128xf32, #tpu.memory_space<hbm>>
    %dma_wait3A_210 = arith.constant 0 : i32
    %dma_wait3A_211 = arith.constant 0 : i32
    %dma_wait3A_212 = tpu.memref_slice %arg5[%dma_wait3A_210, %dma_wait3A_211] : memref<32768x128xf32, #tpu.memory_space<hbm>> -> memref<128x128xf32, #tpu.memory_space<hbm>>
    tpu.wait_dma2 semaphore(%arg17 : memref<!tpu.dma_semaphore, #tpu.memory_space<semaphore_mem>>) src(%arg7 : memref<128x128xf32, #tpu.memory_space<vmem>>) dst(%dma_wait3A_212 : memref<128x128xf32, #tpu.memory_space<hbm>>)
    %dma_wait3A_213 = arith.constant 0 : i32
    %dma_wait3A_214 = arith.constant 0 : i32
    %dma_wait3A_215 = tpu.memref_slice %arg6[%dma_wait3A_213, %dma_wait3A_214] : memref<32768x128xf32, #tpu.memory_space<hbm>> -> memref<128x128xf32, #tpu.memory_space<hbm>>
    %dma_wait3A_216 = arith.constant 0 : i32
    %dma_wait3A_217 = arith.constant 0 : i32
    %dma_wait3A_218 = tpu.memref_slice %arg6[%dma_wait3A_216, %dma_wait3A_217] : memref<32768x128xf32, #tpu.memory_space<hbm>> -> memref<128x128xf32, #tpu.memory_space<hbm>>
    tpu.wait_dma2 semaphore(%arg19 : memref<!tpu.dma_semaphore, #tpu.memory_space<semaphore_mem>>) src(%arg9 : memref<128x128xf32, #tpu.memory_space<vmem>>) dst(%dma_wait3A_218 : memref<128x128xf32, #tpu.memory_space<hbm>>)
    %add3A_219 = arith.constant 768 : i32
    %add3A_220 = arith.addi %mul3A_2, %add3A_219 : i32
    "tpu.region"() ({
      %run_scoped3A = tpu.sem_alloc : memref<!tpu.dma_semaphore, #tpu.memory_space<semaphore_mem>>
      %dma_start3A_337 = tpu.memref_slice %arg4[%add3A_220] : memref<32768xi32, #tpu.memory_space<hbm>> -> memref<128xi32, #tpu.memory_space<hbm>>
      %dma_start3A_338 = tpu.memref_slice %arg4[%add3A_220] : memref<32768xi32, #tpu.memory_space<hbm>> -> memref<128xi32, #tpu.memory_space<hbm>>
      tpu.enqueue_dma source(%dma_start3A_338 : memref<128xi32, #tpu.memory_space<hbm>>) target(%arg11 : memref<128xi32, #tpu.memory_space<vmem>>) target_semaphore(%run_scoped3A : memref<!tpu.dma_semaphore, #tpu.memory_space<semaphore_mem>>)
      %dma_wait3A_339 = tpu.memref_slice %arg4[%add3A_220] : memref<32768xi32, #tpu.memory_space<hbm>> -> memref<128xi32, #tpu.memory_space<hbm>>
      %dma_wait3A_340 = tpu.memref_slice %arg4[%add3A_220] : memref<32768xi32, #tpu.memory_space<hbm>> -> memref<128xi32, #tpu.memory_space<hbm>>
      tpu.wait_dma2 semaphore(%run_scoped3A : memref<!tpu.dma_semaphore, #tpu.memory_space<semaphore_mem>>) src(%dma_wait3A_340 : memref<128xi32, #tpu.memory_space<hbm>>) dst(%arg11 : memref<128xi32, #tpu.memory_space<vmem>>)
      tpu.yield
    }) : () -> ()
    %dma_start3A_221 = arith.constant 0 : i32
    %dma_start3A_222 = arith.constant 0 : i32
    %dma_start3A_223 = tpu.memref_slice %arg2[%dma_start3A_221, %dma_start3A_222] : memref<200000x128xf32, #tpu.memory_space<hbm>> -> memref<200000x128xf32, #tpu.memory_space<hbm>>
    tpu.enqueue_indirect_dma source(%dma_start3A_223 : memref<200000x128xf32, #tpu.memory_space<hbm>>) target(%arg7 : memref<128x128xf32, #tpu.memory_space<vmem>>) offsets(%arg11 : memref<128xi32, #tpu.memory_space<vmem>>) semaphore(%arg13 : memref<!tpu.dma_semaphore, #tpu.memory_space<semaphore_mem>>)
    %dma_start3A_224 = arith.constant 0 : i32
    %dma_start3A_225 = arith.constant 0 : i32
    %dma_start3A_226 = tpu.memref_slice %arg3[%dma_start3A_224, %dma_start3A_225] : memref<200000x128xf32, #tpu.memory_space<hbm>> -> memref<200000x128xf32, #tpu.memory_space<hbm>>
    tpu.enqueue_indirect_dma source(%dma_start3A_226 : memref<200000x128xf32, #tpu.memory_space<hbm>>) target(%arg9 : memref<128x128xf32, #tpu.memory_space<vmem>>) offsets(%arg11 : memref<128xi32, #tpu.memory_space<vmem>>) semaphore(%arg15 : memref<!tpu.dma_semaphore, #tpu.memory_space<semaphore_mem>>)
    %add3A_227 = arith.constant 640 : i32
    %add3A_228 = arith.addi %mul3A_2, %add3A_227 : i32
    %dma_wait3A_229 = arith.constant 0 : i32
    %dma_wait3A_230 = arith.constant 0 : i32
    %dma_wait3A_231 = tpu.memref_slice %arg2[%dma_wait3A_229, %dma_wait3A_230] : memref<200000x128xf32, #tpu.memory_space<hbm>> -> memref<128x128xf32, #tpu.memory_space<hbm>>
    %dma_wait3A_232 = arith.constant 0 : i32
    %dma_wait3A_233 = arith.constant 0 : i32
    %dma_wait3A_234 = tpu.memref_slice %arg2[%dma_wait3A_232, %dma_wait3A_233] : memref<200000x128xf32, #tpu.memory_space<hbm>> -> memref<128x128xf32, #tpu.memory_space<hbm>>
    tpu.wait_dma2 semaphore(%arg14 : memref<!tpu.dma_semaphore, #tpu.memory_space<semaphore_mem>>) src(%dma_wait3A_234 : memref<128x128xf32, #tpu.memory_space<hbm>>) dst(%arg8 : memref<128x128xf32, #tpu.memory_space<vmem>>)
    %dma_start3A_235 = arith.constant 0 : i32
    %dma_start3A_236 = tpu.memref_slice %arg5[%add3A_228, %dma_start3A_235] : memref<32768x128xf32, #tpu.memory_space<hbm>> -> memref<128x128xf32, #tpu.memory_space<hbm>>
    %dma_start3A_237 = arith.constant 0 : i32
    %dma_start3A_238 = tpu.memref_slice %arg5[%add3A_228, %dma_start3A_237] : memref<32768x128xf32, #tpu.memory_space<hbm>> -> memref<128x128xf32, #tpu.memory_space<hbm>>
    tpu.enqueue_dma source(%arg8 : memref<128x128xf32, #tpu.memory_space<vmem>>) target(%dma_start3A_238 : memref<128x128xf32, #tpu.memory_space<hbm>>) target_semaphore(%arg18 : memref<!tpu.dma_semaphore, #tpu.memory_space<semaphore_mem>>)
    %dma_wait3A_239 = arith.constant 0 : i32
    %dma_wait3A_240 = arith.constant 0 : i32
    %dma_wait3A_241 = tpu.memref_slice %arg3[%dma_wait3A_239, %dma_wait3A_240] : memref<200000x128xf32, #tpu.memory_space<hbm>> -> memref<128x128xf32, #tpu.memory_space<hbm>>
    %dma_wait3A_242 = arith.constant 0 : i32
    %dma_wait3A_243 = arith.constant 0 : i32
    %dma_wait3A_244 = tpu.memref_slice %arg3[%dma_wait3A_242, %dma_wait3A_243] : memref<200000x128xf32, #tpu.memory_space<hbm>> -> memref<128x128xf32, #tpu.memory_space<hbm>>
    tpu.wait_dma2 semaphore(%arg16 : memref<!tpu.dma_semaphore, #tpu.memory_space<semaphore_mem>>) src(%dma_wait3A_244 : memref<128x128xf32, #tpu.memory_space<hbm>>) dst(%arg10 : memref<128x128xf32, #tpu.memory_space<vmem>>)
    %dma_start3A_245 = arith.constant 0 : i32
    %dma_start3A_246 = tpu.memref_slice %arg6[%add3A_228, %dma_start3A_245] : memref<32768x128xf32, #tpu.memory_space<hbm>> -> memref<128x128xf32, #tpu.memory_space<hbm>>
    %dma_start3A_247 = arith.constant 0 : i32
    %dma_start3A_248 = tpu.memref_slice %arg6[%add3A_228, %dma_start3A_247] : memref<32768x128xf32, #tpu.memory_space<hbm>> -> memref<128x128xf32, #tpu.memory_space<hbm>>
    tpu.enqueue_dma source(%arg10 : memref<128x128xf32, #tpu.memory_space<vmem>>) target(%dma_start3A_248 : memref<128x128xf32, #tpu.memory_space<hbm>>) target_semaphore(%arg20 : memref<!tpu.dma_semaphore, #tpu.memory_space<semaphore_mem>>)
    %dma_wait3A_249 = arith.constant 0 : i32
    %dma_wait3A_250 = arith.constant 0 : i32
    %dma_wait3A_251 = tpu.memref_slice %arg5[%dma_wait3A_249, %dma_wait3A_250] : memref<32768x128xf32, #tpu.memory_space<hbm>> -> memref<128x128xf32, #tpu.memory_space<hbm>>
    %dma_wait3A_252 = arith.constant 0 : i32
    %dma_wait3A_253 = arith.constant 0 : i32
    %dma_wait3A_254 = tpu.memref_slice %arg5[%dma_wait3A_252, %dma_wait3A_253] : memref<32768x128xf32, #tpu.memory_space<hbm>> -> memref<128x128xf32, #tpu.memory_space<hbm>>
    tpu.wait_dma2 semaphore(%arg18 : memref<!tpu.dma_semaphore, #tpu.memory_space<semaphore_mem>>) src(%arg8 : memref<128x128xf32, #tpu.memory_space<vmem>>) dst(%dma_wait3A_254 : memref<128x128xf32, #tpu.memory_space<hbm>>)
    %dma_wait3A_255 = arith.constant 0 : i32
    %dma_wait3A_256 = arith.constant 0 : i32
    %dma_wait3A_257 = tpu.memref_slice %arg6[%dma_wait3A_255, %dma_wait3A_256] : memref<32768x128xf32, #tpu.memory_space<hbm>> -> memref<128x128xf32, #tpu.memory_space<hbm>>
    %dma_wait3A_258 = arith.constant 0 : i32
    %dma_wait3A_259 = arith.constant 0 : i32
    %dma_wait3A_260 = tpu.memref_slice %arg6[%dma_wait3A_258, %dma_wait3A_259] : memref<32768x128xf32, #tpu.memory_space<hbm>> -> memref<128x128xf32, #tpu.memory_space<hbm>>
    tpu.wait_dma2 semaphore(%arg20 : memref<!tpu.dma_semaphore, #tpu.memory_space<semaphore_mem>>) src(%arg10 : memref<128x128xf32, #tpu.memory_space<vmem>>) dst(%dma_wait3A_260 : memref<128x128xf32, #tpu.memory_space<hbm>>)
    %add3A_261 = arith.constant 896 : i32
    %add3A_262 = arith.addi %mul3A_2, %add3A_261 : i32
    "tpu.region"() ({
      %run_scoped3A = tpu.sem_alloc : memref<!tpu.dma_semaphore, #tpu.memory_space<semaphore_mem>>
      %dma_start3A_337 = tpu.memref_slice %arg4[%add3A_262] : memref<32768xi32, #tpu.memory_space<hbm>> -> memref<128xi32, #tpu.memory_space<hbm>>
      %dma_start3A_338 = tpu.memref_slice %arg4[%add3A_262] : memref<32768xi32, #tpu.memory_space<hbm>> -> memref<128xi32, #tpu.memory_space<hbm>>
      tpu.enqueue_dma source(%dma_start3A_338 : memref<128xi32, #tpu.memory_space<hbm>>) target(%arg12 : memref<128xi32, #tpu.memory_space<vmem>>) target_semaphore(%run_scoped3A : memref<!tpu.dma_semaphore, #tpu.memory_space<semaphore_mem>>)
      %dma_wait3A_339 = tpu.memref_slice %arg4[%add3A_262] : memref<32768xi32, #tpu.memory_space<hbm>> -> memref<128xi32, #tpu.memory_space<hbm>>
      %dma_wait3A_340 = tpu.memref_slice %arg4[%add3A_262] : memref<32768xi32, #tpu.memory_space<hbm>> -> memref<128xi32, #tpu.memory_space<hbm>>
      tpu.wait_dma2 semaphore(%run_scoped3A : memref<!tpu.dma_semaphore, #tpu.memory_space<semaphore_mem>>) src(%dma_wait3A_340 : memref<128xi32, #tpu.memory_space<hbm>>) dst(%arg12 : memref<128xi32, #tpu.memory_space<vmem>>)
      tpu.yield
    }) : () -> ()
    %dma_start3A_263 = arith.constant 0 : i32
    %dma_start3A_264 = arith.constant 0 : i32
    %dma_start3A_265 = tpu.memref_slice %arg2[%dma_start3A_263, %dma_start3A_264] : memref<200000x128xf32, #tpu.memory_space<hbm>> -> memref<200000x128xf32, #tpu.memory_space<hbm>>
    tpu.enqueue_indirect_dma source(%dma_start3A_265 : memref<200000x128xf32, #tpu.memory_space<hbm>>) target(%arg8 : memref<128x128xf32, #tpu.memory_space<vmem>>) offsets(%arg12 : memref<128xi32, #tpu.memory_space<vmem>>) semaphore(%arg14 : memref<!tpu.dma_semaphore, #tpu.memory_space<semaphore_mem>>)
    %dma_start3A_266 = arith.constant 0 : i32
    %dma_start3A_267 = arith.constant 0 : i32
    %dma_start3A_268 = tpu.memref_slice %arg3[%dma_start3A_266, %dma_start3A_267] : memref<200000x128xf32, #tpu.memory_space<hbm>> -> memref<200000x128xf32, #tpu.memory_space<hbm>>
    tpu.enqueue_indirect_dma source(%dma_start3A_268 : memref<200000x128xf32, #tpu.memory_space<hbm>>) target(%arg10 : memref<128x128xf32, #tpu.memory_space<vmem>>) offsets(%arg12 : memref<128xi32, #tpu.memory_space<vmem>>) semaphore(%arg16 : memref<!tpu.dma_semaphore, #tpu.memory_space<semaphore_mem>>)
    %add3A_269 = arith.constant 768 : i32
    %add3A_270 = arith.addi %mul3A_2, %add3A_269 : i32
    %dma_wait3A_271 = arith.constant 0 : i32
    %dma_wait3A_272 = arith.constant 0 : i32
    %dma_wait3A_273 = tpu.memref_slice %arg2[%dma_wait3A_271, %dma_wait3A_272] : memref<200000x128xf32, #tpu.memory_space<hbm>> -> memref<128x128xf32, #tpu.memory_space<hbm>>
    %dma_wait3A_274 = arith.constant 0 : i32
    %dma_wait3A_275 = arith.constant 0 : i32
    %dma_wait3A_276 = tpu.memref_slice %arg2[%dma_wait3A_274, %dma_wait3A_275] : memref<200000x128xf32, #tpu.memory_space<hbm>> -> memref<128x128xf32, #tpu.memory_space<hbm>>
    tpu.wait_dma2 semaphore(%arg13 : memref<!tpu.dma_semaphore, #tpu.memory_space<semaphore_mem>>) src(%dma_wait3A_276 : memref<128x128xf32, #tpu.memory_space<hbm>>) dst(%arg7 : memref<128x128xf32, #tpu.memory_space<vmem>>)
    %dma_start3A_277 = arith.constant 0 : i32
    %dma_start3A_278 = tpu.memref_slice %arg5[%add3A_270, %dma_start3A_277] : memref<32768x128xf32, #tpu.memory_space<hbm>> -> memref<128x128xf32, #tpu.memory_space<hbm>>
    %dma_start3A_279 = arith.constant 0 : i32
    %dma_start3A_280 = tpu.memref_slice %arg5[%add3A_270, %dma_start3A_279] : memref<32768x128xf32, #tpu.memory_space<hbm>> -> memref<128x128xf32, #tpu.memory_space<hbm>>
    tpu.enqueue_dma source(%arg7 : memref<128x128xf32, #tpu.memory_space<vmem>>) target(%dma_start3A_280 : memref<128x128xf32, #tpu.memory_space<hbm>>) target_semaphore(%arg17 : memref<!tpu.dma_semaphore, #tpu.memory_space<semaphore_mem>>)
    %dma_wait3A_281 = arith.constant 0 : i32
    %dma_wait3A_282 = arith.constant 0 : i32
    %dma_wait3A_283 = tpu.memref_slice %arg3[%dma_wait3A_281, %dma_wait3A_282] : memref<200000x128xf32, #tpu.memory_space<hbm>> -> memref<128x128xf32, #tpu.memory_space<hbm>>
    %dma_wait3A_284 = arith.constant 0 : i32
    %dma_wait3A_285 = arith.constant 0 : i32
    %dma_wait3A_286 = tpu.memref_slice %arg3[%dma_wait3A_284, %dma_wait3A_285] : memref<200000x128xf32, #tpu.memory_space<hbm>> -> memref<128x128xf32, #tpu.memory_space<hbm>>
    tpu.wait_dma2 semaphore(%arg15 : memref<!tpu.dma_semaphore, #tpu.memory_space<semaphore_mem>>) src(%dma_wait3A_286 : memref<128x128xf32, #tpu.memory_space<hbm>>) dst(%arg9 : memref<128x128xf32, #tpu.memory_space<vmem>>)
    %dma_start3A_287 = arith.constant 0 : i32
    %dma_start3A_288 = tpu.memref_slice %arg6[%add3A_270, %dma_start3A_287] : memref<32768x128xf32, #tpu.memory_space<hbm>> -> memref<128x128xf32, #tpu.memory_space<hbm>>
    %dma_start3A_289 = arith.constant 0 : i32
    %dma_start3A_290 = tpu.memref_slice %arg6[%add3A_270, %dma_start3A_289] : memref<32768x128xf32, #tpu.memory_space<hbm>> -> memref<128x128xf32, #tpu.memory_space<hbm>>
    tpu.enqueue_dma source(%arg9 : memref<128x128xf32, #tpu.memory_space<vmem>>) target(%dma_start3A_290 : memref<128x128xf32, #tpu.memory_space<hbm>>) target_semaphore(%arg19 : memref<!tpu.dma_semaphore, #tpu.memory_space<semaphore_mem>>)
    %add3A_291 = arith.constant 896 : i32
    %add3A_292 = arith.addi %mul3A_2, %add3A_291 : i32
    %dma_wait3A_293 = arith.constant 0 : i32
    %dma_wait3A_294 = arith.constant 0 : i32
    %dma_wait3A_295 = tpu.memref_slice %arg2[%dma_wait3A_293, %dma_wait3A_294] : memref<200000x128xf32, #tpu.memory_space<hbm>> -> memref<128x128xf32, #tpu.memory_space<hbm>>
    %dma_wait3A_296 = arith.constant 0 : i32
    %dma_wait3A_297 = arith.constant 0 : i32
    %dma_wait3A_298 = tpu.memref_slice %arg2[%dma_wait3A_296, %dma_wait3A_297] : memref<200000x128xf32, #tpu.memory_space<hbm>> -> memref<128x128xf32, #tpu.memory_space<hbm>>
    tpu.wait_dma2 semaphore(%arg14 : memref<!tpu.dma_semaphore, #tpu.memory_space<semaphore_mem>>) src(%dma_wait3A_298 : memref<128x128xf32, #tpu.memory_space<hbm>>) dst(%arg8 : memref<128x128xf32, #tpu.memory_space<vmem>>)
    %dma_start3A_299 = arith.constant 0 : i32
    %dma_start3A_300 = tpu.memref_slice %arg5[%add3A_292, %dma_start3A_299] : memref<32768x128xf32, #tpu.memory_space<hbm>> -> memref<128x128xf32, #tpu.memory_space<hbm>>
    %dma_start3A_301 = arith.constant 0 : i32
    %dma_start3A_302 = tpu.memref_slice %arg5[%add3A_292, %dma_start3A_301] : memref<32768x128xf32, #tpu.memory_space<hbm>> -> memref<128x128xf32, #tpu.memory_space<hbm>>
    tpu.enqueue_dma source(%arg8 : memref<128x128xf32, #tpu.memory_space<vmem>>) target(%dma_start3A_302 : memref<128x128xf32, #tpu.memory_space<hbm>>) target_semaphore(%arg18 : memref<!tpu.dma_semaphore, #tpu.memory_space<semaphore_mem>>)
    %dma_wait3A_303 = arith.constant 0 : i32
    %dma_wait3A_304 = arith.constant 0 : i32
    %dma_wait3A_305 = tpu.memref_slice %arg3[%dma_wait3A_303, %dma_wait3A_304] : memref<200000x128xf32, #tpu.memory_space<hbm>> -> memref<128x128xf32, #tpu.memory_space<hbm>>
    %dma_wait3A_306 = arith.constant 0 : i32
    %dma_wait3A_307 = arith.constant 0 : i32
    %dma_wait3A_308 = tpu.memref_slice %arg3[%dma_wait3A_306, %dma_wait3A_307] : memref<200000x128xf32, #tpu.memory_space<hbm>> -> memref<128x128xf32, #tpu.memory_space<hbm>>
    tpu.wait_dma2 semaphore(%arg16 : memref<!tpu.dma_semaphore, #tpu.memory_space<semaphore_mem>>) src(%dma_wait3A_308 : memref<128x128xf32, #tpu.memory_space<hbm>>) dst(%arg10 : memref<128x128xf32, #tpu.memory_space<vmem>>)
    %dma_start3A_309 = arith.constant 0 : i32
    %dma_start3A_310 = tpu.memref_slice %arg6[%add3A_292, %dma_start3A_309] : memref<32768x128xf32, #tpu.memory_space<hbm>> -> memref<128x128xf32, #tpu.memory_space<hbm>>
    %dma_start3A_311 = arith.constant 0 : i32
    %dma_start3A_312 = tpu.memref_slice %arg6[%add3A_292, %dma_start3A_311] : memref<32768x128xf32, #tpu.memory_space<hbm>> -> memref<128x128xf32, #tpu.memory_space<hbm>>
    tpu.enqueue_dma source(%arg10 : memref<128x128xf32, #tpu.memory_space<vmem>>) target(%dma_start3A_312 : memref<128x128xf32, #tpu.memory_space<hbm>>) target_semaphore(%arg20 : memref<!tpu.dma_semaphore, #tpu.memory_space<semaphore_mem>>)
    %dma_wait3A_313 = arith.constant 0 : i32
    %dma_wait3A_314 = arith.constant 0 : i32
    %dma_wait3A_315 = tpu.memref_slice %arg5[%dma_wait3A_313, %dma_wait3A_314] : memref<32768x128xf32, #tpu.memory_space<hbm>> -> memref<128x128xf32, #tpu.memory_space<hbm>>
    %dma_wait3A_316 = arith.constant 0 : i32
    %dma_wait3A_317 = arith.constant 0 : i32
    %dma_wait3A_318 = tpu.memref_slice %arg5[%dma_wait3A_316, %dma_wait3A_317] : memref<32768x128xf32, #tpu.memory_space<hbm>> -> memref<128x128xf32, #tpu.memory_space<hbm>>
    tpu.wait_dma2 semaphore(%arg17 : memref<!tpu.dma_semaphore, #tpu.memory_space<semaphore_mem>>) src(%arg7 : memref<128x128xf32, #tpu.memory_space<vmem>>) dst(%dma_wait3A_318 : memref<128x128xf32, #tpu.memory_space<hbm>>)
    %dma_wait3A_319 = arith.constant 0 : i32
    %dma_wait3A_320 = arith.constant 0 : i32
    %dma_wait3A_321 = tpu.memref_slice %arg6[%dma_wait3A_319, %dma_wait3A_320] : memref<32768x128xf32, #tpu.memory_space<hbm>> -> memref<128x128xf32, #tpu.memory_space<hbm>>
    %dma_wait3A_322 = arith.constant 0 : i32
    %dma_wait3A_323 = arith.constant 0 : i32
    %dma_wait3A_324 = tpu.memref_slice %arg6[%dma_wait3A_322, %dma_wait3A_323] : memref<32768x128xf32, #tpu.memory_space<hbm>> -> memref<128x128xf32, #tpu.memory_space<hbm>>
    tpu.wait_dma2 semaphore(%arg19 : memref<!tpu.dma_semaphore, #tpu.memory_space<semaphore_mem>>) src(%arg9 : memref<128x128xf32, #tpu.memory_space<vmem>>) dst(%dma_wait3A_324 : memref<128x128xf32, #tpu.memory_space<hbm>>)
    %dma_wait3A_325 = arith.constant 0 : i32
    %dma_wait3A_326 = arith.constant 0 : i32
    %dma_wait3A_327 = tpu.memref_slice %arg5[%dma_wait3A_325, %dma_wait3A_326] : memref<32768x128xf32, #tpu.memory_space<hbm>> -> memref<128x128xf32, #tpu.memory_space<hbm>>
    %dma_wait3A_328 = arith.constant 0 : i32
    %dma_wait3A_329 = arith.constant 0 : i32
    %dma_wait3A_330 = tpu.memref_slice %arg5[%dma_wait3A_328, %dma_wait3A_329] : memref<32768x128xf32, #tpu.memory_space<hbm>> -> memref<128x128xf32, #tpu.memory_space<hbm>>
    tpu.wait_dma2 semaphore(%arg18 : memref<!tpu.dma_semaphore, #tpu.memory_space<semaphore_mem>>) src(%arg8 : memref<128x128xf32, #tpu.memory_space<vmem>>) dst(%dma_wait3A_330 : memref<128x128xf32, #tpu.memory_space<hbm>>)
    %dma_wait3A_331 = arith.constant 0 : i32
    %dma_wait3A_332 = arith.constant 0 : i32
    %dma_wait3A_333 = tpu.memref_slice %arg6[%dma_wait3A_331, %dma_wait3A_332] : memref<32768x128xf32, #tpu.memory_space<hbm>> -> memref<128x128xf32, #tpu.memory_space<hbm>>
    %dma_wait3A_334 = arith.constant 0 : i32
    %dma_wait3A_335 = arith.constant 0 : i32
    %dma_wait3A_336 = tpu.memref_slice %arg6[%dma_wait3A_334, %dma_wait3A_335] : memref<32768x128xf32, #tpu.memory_space<hbm>> -> memref<128x128xf32, #tpu.memory_space<hbm>>
    tpu.wait_dma2 semaphore(%arg20 : memref<!tpu.dma_semaphore, #tpu.memory_space<semaphore_mem>>) src(%arg10 : memref<128x128xf32, #tpu.memory_space<vmem>>) dst(%dma_wait3A_336 : memref<128x128xf32, #tpu.memory_space<hbm>>)
    return
  }
}

#map = affine_map<(d0, d1) -> (0, 0)>
#map1 = affine_map<(d0, d1) -> (0)>
module attributes {stable_mosaic.version = 14 : i64} {
  func.func @new_body(%arg0: i32, %arg1: i32, %arg2: memref<32768x128xf32, #tpu.memory_space<hbm>>, %arg3: memref<32768x128xf32, #tpu.memory_space<hbm>>, %arg4: memref<32768xi32, #tpu.memory_space<hbm>>, %arg5: memref<32768xi32, #tpu.memory_space<hbm>>, %arg6: memref<200000x128xf32, #tpu.memory_space<hbm>>, %arg7: memref<200000x128xf32, #tpu.memory_space<hbm>>, %arg8: memref<200000x128xf32, #tpu.memory_space<hbm>>, %arg9: memref<200000x128xf32, #tpu.memory_space<hbm>>, %arg10: memref<128x128xf32, #tpu.memory_space<vmem>>, %arg11: memref<128x128xf32, #tpu.memory_space<vmem>>, %arg12: memref<128x128xf32, #tpu.memory_space<vmem>>, %arg13: memref<128x128xf32, #tpu.memory_space<vmem>>, %arg14: memref<128xi32, #tpu.memory_space<vmem>>, %arg15: memref<128xi32, #tpu.memory_space<vmem>>, %arg16: memref<128xi32, #tpu.memory_space<vmem>>, %arg17: memref<128xi32, #tpu.memory_space<vmem>>, %arg18: memref<!tpu.dma_semaphore, #tpu.memory_space<semaphore_mem>>, %arg19: memref<!tpu.dma_semaphore, #tpu.memory_space<semaphore_mem>>, %arg20: memref<!tpu.dma_semaphore, #tpu.memory_space<semaphore_mem>>, %arg21: memref<!tpu.dma_semaphore, #tpu.memory_space<semaphore_mem>>, %arg22: memref<!tpu.dma_semaphore, #tpu.memory_space<semaphore_mem>>, %arg23: memref<!tpu.dma_semaphore, #tpu.memory_space<semaphore_mem>>, %arg24: memref<!tpu.dma_semaphore, #tpu.memory_space<semaphore_mem>>, %arg25: memref<!tpu.dma_semaphore, #tpu.memory_space<semaphore_mem>>) attributes {dimension_semantics = [#tpu.dimension_semantics<core_parallel>, #tpu.dimension_semantics<subcore_parallel>], iteration_bounds = array<i64: 2, 16>, scalar_prefetch = 0 : i64, scratch_operands = 16 : i64, tpu.core_type = #tpu.core_type<sc_vector_subcore>, window_params = [{transform_indices = #map}, {transform_indices = #map}, {transform_indices = #map1}, {transform_indices = #map1}, {transform_indices = #map}, {transform_indices = #map}, {transform_indices = #map}, {transform_indices = #map}]} {
    %mul3A = arith.constant 16 : i32
    %mul3A_0 = arith.muli %arg0, %mul3A : i32
    %add3A = arith.addi %mul3A_0, %arg1 : i32
    %mul3A_1 = arith.constant 1024 : i32
    %mul3A_2 = arith.muli %add3A, %mul3A_1 : i32
    %add3A_3 = arith.constant 0 : i32
    %add3A_4 = arith.addi %mul3A_2, %add3A_3 : i32
    "tpu.region"() ({
      %run_scoped3A = tpu.sem_alloc : memref<!tpu.dma_semaphore, #tpu.memory_space<semaphore_mem>>
      %dma_start3A_305 = tpu.memref_slice %arg4[%add3A_4] : memref<32768xi32, #tpu.memory_space<hbm>> -> memref<128xi32, #tpu.memory_space<hbm>>
      %dma_start3A_306 = tpu.memref_slice %arg4[%add3A_4] : memref<32768xi32, #tpu.memory_space<hbm>> -> memref<128xi32, #tpu.memory_space<hbm>>
      tpu.enqueue_dma source(%dma_start3A_306 : memref<128xi32, #tpu.memory_space<hbm>>) target(%arg14 : memref<128xi32, #tpu.memory_space<vmem>>) target_semaphore(%run_scoped3A : memref<!tpu.dma_semaphore, #tpu.memory_space<semaphore_mem>>)
      %dma_wait3A_307 = tpu.memref_slice %arg4[%add3A_4] : memref<32768xi32, #tpu.memory_space<hbm>> -> memref<128xi32, #tpu.memory_space<hbm>>
      %dma_wait3A_308 = tpu.memref_slice %arg4[%add3A_4] : memref<32768xi32, #tpu.memory_space<hbm>> -> memref<128xi32, #tpu.memory_space<hbm>>
      tpu.wait_dma2 semaphore(%run_scoped3A : memref<!tpu.dma_semaphore, #tpu.memory_space<semaphore_mem>>) src(%dma_wait3A_308 : memref<128xi32, #tpu.memory_space<hbm>>) dst(%arg14 : memref<128xi32, #tpu.memory_space<vmem>>)
      tpu.yield
    }) : () -> ()
    "tpu.region"() ({
      %run_scoped3A = tpu.sem_alloc : memref<!tpu.dma_semaphore, #tpu.memory_space<semaphore_mem>>
      %dma_start3A_305 = tpu.memref_slice %arg5[%add3A_4] : memref<32768xi32, #tpu.memory_space<hbm>> -> memref<128xi32, #tpu.memory_space<hbm>>
      %dma_start3A_306 = tpu.memref_slice %arg5[%add3A_4] : memref<32768xi32, #tpu.memory_space<hbm>> -> memref<128xi32, #tpu.memory_space<hbm>>
      tpu.enqueue_dma source(%dma_start3A_306 : memref<128xi32, #tpu.memory_space<hbm>>) target(%arg16 : memref<128xi32, #tpu.memory_space<vmem>>) target_semaphore(%run_scoped3A : memref<!tpu.dma_semaphore, #tpu.memory_space<semaphore_mem>>)
      %dma_wait3A_307 = tpu.memref_slice %arg5[%add3A_4] : memref<32768xi32, #tpu.memory_space<hbm>> -> memref<128xi32, #tpu.memory_space<hbm>>
      %dma_wait3A_308 = tpu.memref_slice %arg5[%add3A_4] : memref<32768xi32, #tpu.memory_space<hbm>> -> memref<128xi32, #tpu.memory_space<hbm>>
      tpu.wait_dma2 semaphore(%run_scoped3A : memref<!tpu.dma_semaphore, #tpu.memory_space<semaphore_mem>>) src(%dma_wait3A_308 : memref<128xi32, #tpu.memory_space<hbm>>) dst(%arg16 : memref<128xi32, #tpu.memory_space<vmem>>)
      tpu.yield
    }) : () -> ()
    %dma_start3A = arith.constant 0 : i32
    %dma_start3A_5 = arith.constant 0 : i32
    %dma_start3A_6 = tpu.memref_slice %arg2[%dma_start3A, %dma_start3A_5] : memref<32768x128xf32, #tpu.memory_space<hbm>> -> memref<32768x128xf32, #tpu.memory_space<hbm>>
    tpu.enqueue_indirect_dma source(%dma_start3A_6 : memref<32768x128xf32, #tpu.memory_space<hbm>>) target(%arg10 : memref<128x128xf32, #tpu.memory_space<vmem>>) offsets(%arg16 : memref<128xi32, #tpu.memory_space<vmem>>) semaphore(%arg18 : memref<!tpu.dma_semaphore, #tpu.memory_space<semaphore_mem>>)
    %dma_start3A_7 = arith.constant 0 : i32
    %dma_start3A_8 = arith.constant 0 : i32
    %dma_start3A_9 = tpu.memref_slice %arg3[%dma_start3A_7, %dma_start3A_8] : memref<32768x128xf32, #tpu.memory_space<hbm>> -> memref<32768x128xf32, #tpu.memory_space<hbm>>
    tpu.enqueue_indirect_dma source(%dma_start3A_9 : memref<32768x128xf32, #tpu.memory_space<hbm>>) target(%arg12 : memref<128x128xf32, #tpu.memory_space<vmem>>) offsets(%arg16 : memref<128xi32, #tpu.memory_space<vmem>>) semaphore(%arg20 : memref<!tpu.dma_semaphore, #tpu.memory_space<semaphore_mem>>)
    %add3A_10 = arith.constant 128 : i32
    %add3A_11 = arith.addi %mul3A_2, %add3A_10 : i32
    "tpu.region"() ({
      %run_scoped3A = tpu.sem_alloc : memref<!tpu.dma_semaphore, #tpu.memory_space<semaphore_mem>>
      %dma_start3A_305 = tpu.memref_slice %arg4[%add3A_11] : memref<32768xi32, #tpu.memory_space<hbm>> -> memref<128xi32, #tpu.memory_space<hbm>>
      %dma_start3A_306 = tpu.memref_slice %arg4[%add3A_11] : memref<32768xi32, #tpu.memory_space<hbm>> -> memref<128xi32, #tpu.memory_space<hbm>>
      tpu.enqueue_dma source(%dma_start3A_306 : memref<128xi32, #tpu.memory_space<hbm>>) target(%arg15 : memref<128xi32, #tpu.memory_space<vmem>>) target_semaphore(%run_scoped3A : memref<!tpu.dma_semaphore, #tpu.memory_space<semaphore_mem>>)
      %dma_wait3A_307 = tpu.memref_slice %arg4[%add3A_11] : memref<32768xi32, #tpu.memory_space<hbm>> -> memref<128xi32, #tpu.memory_space<hbm>>
      %dma_wait3A_308 = tpu.memref_slice %arg4[%add3A_11] : memref<32768xi32, #tpu.memory_space<hbm>> -> memref<128xi32, #tpu.memory_space<hbm>>
      tpu.wait_dma2 semaphore(%run_scoped3A : memref<!tpu.dma_semaphore, #tpu.memory_space<semaphore_mem>>) src(%dma_wait3A_308 : memref<128xi32, #tpu.memory_space<hbm>>) dst(%arg15 : memref<128xi32, #tpu.memory_space<vmem>>)
      tpu.yield
    }) : () -> ()
    "tpu.region"() ({
      %run_scoped3A = tpu.sem_alloc : memref<!tpu.dma_semaphore, #tpu.memory_space<semaphore_mem>>
      %dma_start3A_305 = tpu.memref_slice %arg5[%add3A_11] : memref<32768xi32, #tpu.memory_space<hbm>> -> memref<128xi32, #tpu.memory_space<hbm>>
      %dma_start3A_306 = tpu.memref_slice %arg5[%add3A_11] : memref<32768xi32, #tpu.memory_space<hbm>> -> memref<128xi32, #tpu.memory_space<hbm>>
      tpu.enqueue_dma source(%dma_start3A_306 : memref<128xi32, #tpu.memory_space<hbm>>) target(%arg17 : memref<128xi32, #tpu.memory_space<vmem>>) target_semaphore(%run_scoped3A : memref<!tpu.dma_semaphore, #tpu.memory_space<semaphore_mem>>)
      %dma_wait3A_307 = tpu.memref_slice %arg5[%add3A_11] : memref<32768xi32, #tpu.memory_space<hbm>> -> memref<128xi32, #tpu.memory_space<hbm>>
      %dma_wait3A_308 = tpu.memref_slice %arg5[%add3A_11] : memref<32768xi32, #tpu.memory_space<hbm>> -> memref<128xi32, #tpu.memory_space<hbm>>
      tpu.wait_dma2 semaphore(%run_scoped3A : memref<!tpu.dma_semaphore, #tpu.memory_space<semaphore_mem>>) src(%dma_wait3A_308 : memref<128xi32, #tpu.memory_space<hbm>>) dst(%arg17 : memref<128xi32, #tpu.memory_space<vmem>>)
      tpu.yield
    }) : () -> ()
    %dma_start3A_12 = arith.constant 0 : i32
    %dma_start3A_13 = arith.constant 0 : i32
    %dma_start3A_14 = tpu.memref_slice %arg2[%dma_start3A_12, %dma_start3A_13] : memref<32768x128xf32, #tpu.memory_space<hbm>> -> memref<32768x128xf32, #tpu.memory_space<hbm>>
    tpu.enqueue_indirect_dma source(%dma_start3A_14 : memref<32768x128xf32, #tpu.memory_space<hbm>>) target(%arg11 : memref<128x128xf32, #tpu.memory_space<vmem>>) offsets(%arg17 : memref<128xi32, #tpu.memory_space<vmem>>) semaphore(%arg19 : memref<!tpu.dma_semaphore, #tpu.memory_space<semaphore_mem>>)
    %dma_start3A_15 = arith.constant 0 : i32
    %dma_start3A_16 = arith.constant 0 : i32
    %dma_start3A_17 = tpu.memref_slice %arg3[%dma_start3A_15, %dma_start3A_16] : memref<32768x128xf32, #tpu.memory_space<hbm>> -> memref<32768x128xf32, #tpu.memory_space<hbm>>
    tpu.enqueue_indirect_dma source(%dma_start3A_17 : memref<32768x128xf32, #tpu.memory_space<hbm>>) target(%arg13 : memref<128x128xf32, #tpu.memory_space<vmem>>) offsets(%arg17 : memref<128xi32, #tpu.memory_space<vmem>>) semaphore(%arg21 : memref<!tpu.dma_semaphore, #tpu.memory_space<semaphore_mem>>)
    %dma_wait3A = arith.constant 0 : i32
    %dma_wait3A_18 = arith.constant 0 : i32
    %dma_wait3A_19 = tpu.memref_slice %arg2[%dma_wait3A, %dma_wait3A_18] : memref<32768x128xf32, #tpu.memory_space<hbm>> -> memref<128x128xf32, #tpu.memory_space<hbm>>
    %dma_wait3A_20 = arith.constant 0 : i32
    %dma_wait3A_21 = arith.constant 0 : i32
    %dma_wait3A_22 = tpu.memref_slice %arg2[%dma_wait3A_20, %dma_wait3A_21] : memref<32768x128xf32, #tpu.memory_space<hbm>> -> memref<128x128xf32, #tpu.memory_space<hbm>>
    tpu.wait_dma2 semaphore(%arg18 : memref<!tpu.dma_semaphore, #tpu.memory_space<semaphore_mem>>) src(%dma_wait3A_22 : memref<128x128xf32, #tpu.memory_space<hbm>>) dst(%arg10 : memref<128x128xf32, #tpu.memory_space<vmem>>)
    %dma_start3A_23 = arith.constant 0 : i32
    %dma_start3A_24 = arith.constant 0 : i32
    %dma_start3A_25 = tpu.memref_slice %arg6[%dma_start3A_23, %dma_start3A_24] : memref<200000x128xf32, #tpu.memory_space<hbm>> -> memref<200000x128xf32, #tpu.memory_space<hbm>>
    tpu.enqueue_indirect_dma source(%arg10 : memref<128x128xf32, #tpu.memory_space<vmem>>) target(%dma_start3A_25 : memref<200000x128xf32, #tpu.memory_space<hbm>>) offsets(%arg14 : memref<128xi32, #tpu.memory_space<vmem>>) semaphore(%arg22 : memref<!tpu.dma_semaphore, #tpu.memory_space<semaphore_mem>>)
    %dma_wait3A_26 = arith.constant 0 : i32
    %dma_wait3A_27 = arith.constant 0 : i32
    %dma_wait3A_28 = tpu.memref_slice %arg3[%dma_wait3A_26, %dma_wait3A_27] : memref<32768x128xf32, #tpu.memory_space<hbm>> -> memref<128x128xf32, #tpu.memory_space<hbm>>
    %dma_wait3A_29 = arith.constant 0 : i32
    %dma_wait3A_30 = arith.constant 0 : i32
    %dma_wait3A_31 = tpu.memref_slice %arg3[%dma_wait3A_29, %dma_wait3A_30] : memref<32768x128xf32, #tpu.memory_space<hbm>> -> memref<128x128xf32, #tpu.memory_space<hbm>>
    tpu.wait_dma2 semaphore(%arg20 : memref<!tpu.dma_semaphore, #tpu.memory_space<semaphore_mem>>) src(%dma_wait3A_31 : memref<128x128xf32, #tpu.memory_space<hbm>>) dst(%arg12 : memref<128x128xf32, #tpu.memory_space<vmem>>)
    %dma_start3A_32 = arith.constant 0 : i32
    %dma_start3A_33 = arith.constant 0 : i32
    %dma_start3A_34 = tpu.memref_slice %arg7[%dma_start3A_32, %dma_start3A_33] : memref<200000x128xf32, #tpu.memory_space<hbm>> -> memref<200000x128xf32, #tpu.memory_space<hbm>>
    tpu.enqueue_indirect_dma source(%arg12 : memref<128x128xf32, #tpu.memory_space<vmem>>) target(%dma_start3A_34 : memref<200000x128xf32, #tpu.memory_space<hbm>>) offsets(%arg14 : memref<128xi32, #tpu.memory_space<vmem>>) semaphore(%arg24 : memref<!tpu.dma_semaphore, #tpu.memory_space<semaphore_mem>>)
    %dma_wait3A_35 = arith.constant 0 : i32
    %dma_wait3A_36 = arith.constant 0 : i32
    %dma_wait3A_37 = tpu.memref_slice %arg6[%dma_wait3A_35, %dma_wait3A_36] : memref<200000x128xf32, #tpu.memory_space<hbm>> -> memref<128x128xf32, #tpu.memory_space<hbm>>
    %dma_wait3A_38 = arith.constant 0 : i32
    %dma_wait3A_39 = arith.constant 0 : i32
    %dma_wait3A_40 = tpu.memref_slice %arg6[%dma_wait3A_38, %dma_wait3A_39] : memref<200000x128xf32, #tpu.memory_space<hbm>> -> memref<128x128xf32, #tpu.memory_space<hbm>>
    tpu.wait_dma2 semaphore(%arg22 : memref<!tpu.dma_semaphore, #tpu.memory_space<semaphore_mem>>) src(%arg10 : memref<128x128xf32, #tpu.memory_space<vmem>>) dst(%dma_wait3A_40 : memref<128x128xf32, #tpu.memory_space<hbm>>)
    %dma_wait3A_41 = arith.constant 0 : i32
    %dma_wait3A_42 = arith.constant 0 : i32
    %dma_wait3A_43 = tpu.memref_slice %arg7[%dma_wait3A_41, %dma_wait3A_42] : memref<200000x128xf32, #tpu.memory_space<hbm>> -> memref<128x128xf32, #tpu.memory_space<hbm>>
    %dma_wait3A_44 = arith.constant 0 : i32
    %dma_wait3A_45 = arith.constant 0 : i32
    %dma_wait3A_46 = tpu.memref_slice %arg7[%dma_wait3A_44, %dma_wait3A_45] : memref<200000x128xf32, #tpu.memory_space<hbm>> -> memref<128x128xf32, #tpu.memory_space<hbm>>
    tpu.wait_dma2 semaphore(%arg24 : memref<!tpu.dma_semaphore, #tpu.memory_space<semaphore_mem>>) src(%arg12 : memref<128x128xf32, #tpu.memory_space<vmem>>) dst(%dma_wait3A_46 : memref<128x128xf32, #tpu.memory_space<hbm>>)
    %add3A_47 = arith.constant 256 : i32
    %add3A_48 = arith.addi %mul3A_2, %add3A_47 : i32
    "tpu.region"() ({
      %run_scoped3A = tpu.sem_alloc : memref<!tpu.dma_semaphore, #tpu.memory_space<semaphore_mem>>
      %dma_start3A_305 = tpu.memref_slice %arg4[%add3A_48] : memref<32768xi32, #tpu.memory_space<hbm>> -> memref<128xi32, #tpu.memory_space<hbm>>
      %dma_start3A_306 = tpu.memref_slice %arg4[%add3A_48] : memref<32768xi32, #tpu.memory_space<hbm>> -> memref<128xi32, #tpu.memory_space<hbm>>
      tpu.enqueue_dma source(%dma_start3A_306 : memref<128xi32, #tpu.memory_space<hbm>>) target(%arg14 : memref<128xi32, #tpu.memory_space<vmem>>) target_semaphore(%run_scoped3A : memref<!tpu.dma_semaphore, #tpu.memory_space<semaphore_mem>>)
      %dma_wait3A_307 = tpu.memref_slice %arg4[%add3A_48] : memref<32768xi32, #tpu.memory_space<hbm>> -> memref<128xi32, #tpu.memory_space<hbm>>
      %dma_wait3A_308 = tpu.memref_slice %arg4[%add3A_48] : memref<32768xi32, #tpu.memory_space<hbm>> -> memref<128xi32, #tpu.memory_space<hbm>>
      tpu.wait_dma2 semaphore(%run_scoped3A : memref<!tpu.dma_semaphore, #tpu.memory_space<semaphore_mem>>) src(%dma_wait3A_308 : memref<128xi32, #tpu.memory_space<hbm>>) dst(%arg14 : memref<128xi32, #tpu.memory_space<vmem>>)
      tpu.yield
    }) : () -> ()
    "tpu.region"() ({
      %run_scoped3A = tpu.sem_alloc : memref<!tpu.dma_semaphore, #tpu.memory_space<semaphore_mem>>
      %dma_start3A_305 = tpu.memref_slice %arg5[%add3A_48] : memref<32768xi32, #tpu.memory_space<hbm>> -> memref<128xi32, #tpu.memory_space<hbm>>
      %dma_start3A_306 = tpu.memref_slice %arg5[%add3A_48] : memref<32768xi32, #tpu.memory_space<hbm>> -> memref<128xi32, #tpu.memory_space<hbm>>
      tpu.enqueue_dma source(%dma_start3A_306 : memref<128xi32, #tpu.memory_space<hbm>>) target(%arg16 : memref<128xi32, #tpu.memory_space<vmem>>) target_semaphore(%run_scoped3A : memref<!tpu.dma_semaphore, #tpu.memory_space<semaphore_mem>>)
      %dma_wait3A_307 = tpu.memref_slice %arg5[%add3A_48] : memref<32768xi32, #tpu.memory_space<hbm>> -> memref<128xi32, #tpu.memory_space<hbm>>
      %dma_wait3A_308 = tpu.memref_slice %arg5[%add3A_48] : memref<32768xi32, #tpu.memory_space<hbm>> -> memref<128xi32, #tpu.memory_space<hbm>>
      tpu.wait_dma2 semaphore(%run_scoped3A : memref<!tpu.dma_semaphore, #tpu.memory_space<semaphore_mem>>) src(%dma_wait3A_308 : memref<128xi32, #tpu.memory_space<hbm>>) dst(%arg16 : memref<128xi32, #tpu.memory_space<vmem>>)
      tpu.yield
    }) : () -> ()
    %dma_start3A_49 = arith.constant 0 : i32
    %dma_start3A_50 = arith.constant 0 : i32
    %dma_start3A_51 = tpu.memref_slice %arg2[%dma_start3A_49, %dma_start3A_50] : memref<32768x128xf32, #tpu.memory_space<hbm>> -> memref<32768x128xf32, #tpu.memory_space<hbm>>
    tpu.enqueue_indirect_dma source(%dma_start3A_51 : memref<32768x128xf32, #tpu.memory_space<hbm>>) target(%arg10 : memref<128x128xf32, #tpu.memory_space<vmem>>) offsets(%arg16 : memref<128xi32, #tpu.memory_space<vmem>>) semaphore(%arg18 : memref<!tpu.dma_semaphore, #tpu.memory_space<semaphore_mem>>)
    %dma_start3A_52 = arith.constant 0 : i32
    %dma_start3A_53 = arith.constant 0 : i32
    %dma_start3A_54 = tpu.memref_slice %arg3[%dma_start3A_52, %dma_start3A_53] : memref<32768x128xf32, #tpu.memory_space<hbm>> -> memref<32768x128xf32, #tpu.memory_space<hbm>>
    tpu.enqueue_indirect_dma source(%dma_start3A_54 : memref<32768x128xf32, #tpu.memory_space<hbm>>) target(%arg12 : memref<128x128xf32, #tpu.memory_space<vmem>>) offsets(%arg16 : memref<128xi32, #tpu.memory_space<vmem>>) semaphore(%arg20 : memref<!tpu.dma_semaphore, #tpu.memory_space<semaphore_mem>>)
    %dma_wait3A_55 = arith.constant 0 : i32
    %dma_wait3A_56 = arith.constant 0 : i32
    %dma_wait3A_57 = tpu.memref_slice %arg2[%dma_wait3A_55, %dma_wait3A_56] : memref<32768x128xf32, #tpu.memory_space<hbm>> -> memref<128x128xf32, #tpu.memory_space<hbm>>
    %dma_wait3A_58 = arith.constant 0 : i32
    %dma_wait3A_59 = arith.constant 0 : i32
    %dma_wait3A_60 = tpu.memref_slice %arg2[%dma_wait3A_58, %dma_wait3A_59] : memref<32768x128xf32, #tpu.memory_space<hbm>> -> memref<128x128xf32, #tpu.memory_space<hbm>>
    tpu.wait_dma2 semaphore(%arg19 : memref<!tpu.dma_semaphore, #tpu.memory_space<semaphore_mem>>) src(%dma_wait3A_60 : memref<128x128xf32, #tpu.memory_space<hbm>>) dst(%arg11 : memref<128x128xf32, #tpu.memory_space<vmem>>)
    %dma_start3A_61 = arith.constant 0 : i32
    %dma_start3A_62 = arith.constant 0 : i32
    %dma_start3A_63 = tpu.memref_slice %arg6[%dma_start3A_61, %dma_start3A_62] : memref<200000x128xf32, #tpu.memory_space<hbm>> -> memref<200000x128xf32, #tpu.memory_space<hbm>>
    tpu.enqueue_indirect_dma source(%arg11 : memref<128x128xf32, #tpu.memory_space<vmem>>) target(%dma_start3A_63 : memref<200000x128xf32, #tpu.memory_space<hbm>>) offsets(%arg15 : memref<128xi32, #tpu.memory_space<vmem>>) semaphore(%arg23 : memref<!tpu.dma_semaphore, #tpu.memory_space<semaphore_mem>>)
    %dma_wait3A_64 = arith.constant 0 : i32
    %dma_wait3A_65 = arith.constant 0 : i32
    %dma_wait3A_66 = tpu.memref_slice %arg3[%dma_wait3A_64, %dma_wait3A_65] : memref<32768x128xf32, #tpu.memory_space<hbm>> -> memref<128x128xf32, #tpu.memory_space<hbm>>
    %dma_wait3A_67 = arith.constant 0 : i32
    %dma_wait3A_68 = arith.constant 0 : i32
    %dma_wait3A_69 = tpu.memref_slice %arg3[%dma_wait3A_67, %dma_wait3A_68] : memref<32768x128xf32, #tpu.memory_space<hbm>> -> memref<128x128xf32, #tpu.memory_space<hbm>>
    tpu.wait_dma2 semaphore(%arg21 : memref<!tpu.dma_semaphore, #tpu.memory_space<semaphore_mem>>) src(%dma_wait3A_69 : memref<128x128xf32, #tpu.memory_space<hbm>>) dst(%arg13 : memref<128x128xf32, #tpu.memory_space<vmem>>)
    %dma_start3A_70 = arith.constant 0 : i32
    %dma_start3A_71 = arith.constant 0 : i32
    %dma_start3A_72 = tpu.memref_slice %arg7[%dma_start3A_70, %dma_start3A_71] : memref<200000x128xf32, #tpu.memory_space<hbm>> -> memref<200000x128xf32, #tpu.memory_space<hbm>>
    tpu.enqueue_indirect_dma source(%arg13 : memref<128x128xf32, #tpu.memory_space<vmem>>) target(%dma_start3A_72 : memref<200000x128xf32, #tpu.memory_space<hbm>>) offsets(%arg15 : memref<128xi32, #tpu.memory_space<vmem>>) semaphore(%arg25 : memref<!tpu.dma_semaphore, #tpu.memory_space<semaphore_mem>>)
    %dma_wait3A_73 = arith.constant 0 : i32
    %dma_wait3A_74 = arith.constant 0 : i32
    %dma_wait3A_75 = tpu.memref_slice %arg6[%dma_wait3A_73, %dma_wait3A_74] : memref<200000x128xf32, #tpu.memory_space<hbm>> -> memref<128x128xf32, #tpu.memory_space<hbm>>
    %dma_wait3A_76 = arith.constant 0 : i32
    %dma_wait3A_77 = arith.constant 0 : i32
    %dma_wait3A_78 = tpu.memref_slice %arg6[%dma_wait3A_76, %dma_wait3A_77] : memref<200000x128xf32, #tpu.memory_space<hbm>> -> memref<128x128xf32, #tpu.memory_space<hbm>>
    tpu.wait_dma2 semaphore(%arg23 : memref<!tpu.dma_semaphore, #tpu.memory_space<semaphore_mem>>) src(%arg11 : memref<128x128xf32, #tpu.memory_space<vmem>>) dst(%dma_wait3A_78 : memref<128x128xf32, #tpu.memory_space<hbm>>)
    %dma_wait3A_79 = arith.constant 0 : i32
    %dma_wait3A_80 = arith.constant 0 : i32
    %dma_wait3A_81 = tpu.memref_slice %arg7[%dma_wait3A_79, %dma_wait3A_80] : memref<200000x128xf32, #tpu.memory_space<hbm>> -> memref<128x128xf32, #tpu.memory_space<hbm>>
    %dma_wait3A_82 = arith.constant 0 : i32
    %dma_wait3A_83 = arith.constant 0 : i32
    %dma_wait3A_84 = tpu.memref_slice %arg7[%dma_wait3A_82, %dma_wait3A_83] : memref<200000x128xf32, #tpu.memory_space<hbm>> -> memref<128x128xf32, #tpu.memory_space<hbm>>
    tpu.wait_dma2 semaphore(%arg25 : memref<!tpu.dma_semaphore, #tpu.memory_space<semaphore_mem>>) src(%arg13 : memref<128x128xf32, #tpu.memory_space<vmem>>) dst(%dma_wait3A_84 : memref<128x128xf32, #tpu.memory_space<hbm>>)
    %add3A_85 = arith.constant 384 : i32
    %add3A_86 = arith.addi %mul3A_2, %add3A_85 : i32
    "tpu.region"() ({
      %run_scoped3A = tpu.sem_alloc : memref<!tpu.dma_semaphore, #tpu.memory_space<semaphore_mem>>
      %dma_start3A_305 = tpu.memref_slice %arg4[%add3A_86] : memref<32768xi32, #tpu.memory_space<hbm>> -> memref<128xi32, #tpu.memory_space<hbm>>
      %dma_start3A_306 = tpu.memref_slice %arg4[%add3A_86] : memref<32768xi32, #tpu.memory_space<hbm>> -> memref<128xi32, #tpu.memory_space<hbm>>
      tpu.enqueue_dma source(%dma_start3A_306 : memref<128xi32, #tpu.memory_space<hbm>>) target(%arg15 : memref<128xi32, #tpu.memory_space<vmem>>) target_semaphore(%run_scoped3A : memref<!tpu.dma_semaphore, #tpu.memory_space<semaphore_mem>>)
      %dma_wait3A_307 = tpu.memref_slice %arg4[%add3A_86] : memref<32768xi32, #tpu.memory_space<hbm>> -> memref<128xi32, #tpu.memory_space<hbm>>
      %dma_wait3A_308 = tpu.memref_slice %arg4[%add3A_86] : memref<32768xi32, #tpu.memory_space<hbm>> -> memref<128xi32, #tpu.memory_space<hbm>>
      tpu.wait_dma2 semaphore(%run_scoped3A : memref<!tpu.dma_semaphore, #tpu.memory_space<semaphore_mem>>) src(%dma_wait3A_308 : memref<128xi32, #tpu.memory_space<hbm>>) dst(%arg15 : memref<128xi32, #tpu.memory_space<vmem>>)
      tpu.yield
    }) : () -> ()
    "tpu.region"() ({
      %run_scoped3A = tpu.sem_alloc : memref<!tpu.dma_semaphore, #tpu.memory_space<semaphore_mem>>
      %dma_start3A_305 = tpu.memref_slice %arg5[%add3A_86] : memref<32768xi32, #tpu.memory_space<hbm>> -> memref<128xi32, #tpu.memory_space<hbm>>
      %dma_start3A_306 = tpu.memref_slice %arg5[%add3A_86] : memref<32768xi32, #tpu.memory_space<hbm>> -> memref<128xi32, #tpu.memory_space<hbm>>
      tpu.enqueue_dma source(%dma_start3A_306 : memref<128xi32, #tpu.memory_space<hbm>>) target(%arg17 : memref<128xi32, #tpu.memory_space<vmem>>) target_semaphore(%run_scoped3A : memref<!tpu.dma_semaphore, #tpu.memory_space<semaphore_mem>>)
      %dma_wait3A_307 = tpu.memref_slice %arg5[%add3A_86] : memref<32768xi32, #tpu.memory_space<hbm>> -> memref<128xi32, #tpu.memory_space<hbm>>
      %dma_wait3A_308 = tpu.memref_slice %arg5[%add3A_86] : memref<32768xi32, #tpu.memory_space<hbm>> -> memref<128xi32, #tpu.memory_space<hbm>>
      tpu.wait_dma2 semaphore(%run_scoped3A : memref<!tpu.dma_semaphore, #tpu.memory_space<semaphore_mem>>) src(%dma_wait3A_308 : memref<128xi32, #tpu.memory_space<hbm>>) dst(%arg17 : memref<128xi32, #tpu.memory_space<vmem>>)
      tpu.yield
    }) : () -> ()
    %dma_start3A_87 = arith.constant 0 : i32
    %dma_start3A_88 = arith.constant 0 : i32
    %dma_start3A_89 = tpu.memref_slice %arg2[%dma_start3A_87, %dma_start3A_88] : memref<32768x128xf32, #tpu.memory_space<hbm>> -> memref<32768x128xf32, #tpu.memory_space<hbm>>
    tpu.enqueue_indirect_dma source(%dma_start3A_89 : memref<32768x128xf32, #tpu.memory_space<hbm>>) target(%arg11 : memref<128x128xf32, #tpu.memory_space<vmem>>) offsets(%arg17 : memref<128xi32, #tpu.memory_space<vmem>>) semaphore(%arg19 : memref<!tpu.dma_semaphore, #tpu.memory_space<semaphore_mem>>)
    %dma_start3A_90 = arith.constant 0 : i32
    %dma_start3A_91 = arith.constant 0 : i32
    %dma_start3A_92 = tpu.memref_slice %arg3[%dma_start3A_90, %dma_start3A_91] : memref<32768x128xf32, #tpu.memory_space<hbm>> -> memref<32768x128xf32, #tpu.memory_space<hbm>>
    tpu.enqueue_indirect_dma source(%dma_start3A_92 : memref<32768x128xf32, #tpu.memory_space<hbm>>) target(%arg13 : memref<128x128xf32, #tpu.memory_space<vmem>>) offsets(%arg17 : memref<128xi32, #tpu.memory_space<vmem>>) semaphore(%arg21 : memref<!tpu.dma_semaphore, #tpu.memory_space<semaphore_mem>>)
    %dma_wait3A_93 = arith.constant 0 : i32
    %dma_wait3A_94 = arith.constant 0 : i32
    %dma_wait3A_95 = tpu.memref_slice %arg2[%dma_wait3A_93, %dma_wait3A_94] : memref<32768x128xf32, #tpu.memory_space<hbm>> -> memref<128x128xf32, #tpu.memory_space<hbm>>
    %dma_wait3A_96 = arith.constant 0 : i32
    %dma_wait3A_97 = arith.constant 0 : i32
    %dma_wait3A_98 = tpu.memref_slice %arg2[%dma_wait3A_96, %dma_wait3A_97] : memref<32768x128xf32, #tpu.memory_space<hbm>> -> memref<128x128xf32, #tpu.memory_space<hbm>>
    tpu.wait_dma2 semaphore(%arg18 : memref<!tpu.dma_semaphore, #tpu.memory_space<semaphore_mem>>) src(%dma_wait3A_98 : memref<128x128xf32, #tpu.memory_space<hbm>>) dst(%arg10 : memref<128x128xf32, #tpu.memory_space<vmem>>)
    %dma_start3A_99 = arith.constant 0 : i32
    %dma_start3A_100 = arith.constant 0 : i32
    %dma_start3A_101 = tpu.memref_slice %arg6[%dma_start3A_99, %dma_start3A_100] : memref<200000x128xf32, #tpu.memory_space<hbm>> -> memref<200000x128xf32, #tpu.memory_space<hbm>>
    tpu.enqueue_indirect_dma source(%arg10 : memref<128x128xf32, #tpu.memory_space<vmem>>) target(%dma_start3A_101 : memref<200000x128xf32, #tpu.memory_space<hbm>>) offsets(%arg14 : memref<128xi32, #tpu.memory_space<vmem>>) semaphore(%arg22 : memref<!tpu.dma_semaphore, #tpu.memory_space<semaphore_mem>>)
    %dma_wait3A_102 = arith.constant 0 : i32
    %dma_wait3A_103 = arith.constant 0 : i32
    %dma_wait3A_104 = tpu.memref_slice %arg3[%dma_wait3A_102, %dma_wait3A_103] : memref<32768x128xf32, #tpu.memory_space<hbm>> -> memref<128x128xf32, #tpu.memory_space<hbm>>
    %dma_wait3A_105 = arith.constant 0 : i32
    %dma_wait3A_106 = arith.constant 0 : i32
    %dma_wait3A_107 = tpu.memref_slice %arg3[%dma_wait3A_105, %dma_wait3A_106] : memref<32768x128xf32, #tpu.memory_space<hbm>> -> memref<128x128xf32, #tpu.memory_space<hbm>>
    tpu.wait_dma2 semaphore(%arg20 : memref<!tpu.dma_semaphore, #tpu.memory_space<semaphore_mem>>) src(%dma_wait3A_107 : memref<128x128xf32, #tpu.memory_space<hbm>>) dst(%arg12 : memref<128x128xf32, #tpu.memory_space<vmem>>)
    %dma_start3A_108 = arith.constant 0 : i32
    %dma_start3A_109 = arith.constant 0 : i32
    %dma_start3A_110 = tpu.memref_slice %arg7[%dma_start3A_108, %dma_start3A_109] : memref<200000x128xf32, #tpu.memory_space<hbm>> -> memref<200000x128xf32, #tpu.memory_space<hbm>>
    tpu.enqueue_indirect_dma source(%arg12 : memref<128x128xf32, #tpu.memory_space<vmem>>) target(%dma_start3A_110 : memref<200000x128xf32, #tpu.memory_space<hbm>>) offsets(%arg14 : memref<128xi32, #tpu.memory_space<vmem>>) semaphore(%arg24 : memref<!tpu.dma_semaphore, #tpu.memory_space<semaphore_mem>>)
    %dma_wait3A_111 = arith.constant 0 : i32
    %dma_wait3A_112 = arith.constant 0 : i32
    %dma_wait3A_113 = tpu.memref_slice %arg6[%dma_wait3A_111, %dma_wait3A_112] : memref<200000x128xf32, #tpu.memory_space<hbm>> -> memref<128x128xf32, #tpu.memory_space<hbm>>
    %dma_wait3A_114 = arith.constant 0 : i32
    %dma_wait3A_115 = arith.constant 0 : i32
    %dma_wait3A_116 = tpu.memref_slice %arg6[%dma_wait3A_114, %dma_wait3A_115] : memref<200000x128xf32, #tpu.memory_space<hbm>> -> memref<128x128xf32, #tpu.memory_space<hbm>>
    tpu.wait_dma2 semaphore(%arg22 : memref<!tpu.dma_semaphore, #tpu.memory_space<semaphore_mem>>) src(%arg10 : memref<128x128xf32, #tpu.memory_space<vmem>>) dst(%dma_wait3A_116 : memref<128x128xf32, #tpu.memory_space<hbm>>)
    %dma_wait3A_117 = arith.constant 0 : i32
    %dma_wait3A_118 = arith.constant 0 : i32
    %dma_wait3A_119 = tpu.memref_slice %arg7[%dma_wait3A_117, %dma_wait3A_118] : memref<200000x128xf32, #tpu.memory_space<hbm>> -> memref<128x128xf32, #tpu.memory_space<hbm>>
    %dma_wait3A_120 = arith.constant 0 : i32
    %dma_wait3A_121 = arith.constant 0 : i32
    %dma_wait3A_122 = tpu.memref_slice %arg7[%dma_wait3A_120, %dma_wait3A_121] : memref<200000x128xf32, #tpu.memory_space<hbm>> -> memref<128x128xf32, #tpu.memory_space<hbm>>
    tpu.wait_dma2 semaphore(%arg24 : memref<!tpu.dma_semaphore, #tpu.memory_space<semaphore_mem>>) src(%arg12 : memref<128x128xf32, #tpu.memory_space<vmem>>) dst(%dma_wait3A_122 : memref<128x128xf32, #tpu.memory_space<hbm>>)
    %add3A_123 = arith.constant 512 : i32
    %add3A_124 = arith.addi %mul3A_2, %add3A_123 : i32
    "tpu.region"() ({
      %run_scoped3A = tpu.sem_alloc : memref<!tpu.dma_semaphore, #tpu.memory_space<semaphore_mem>>
      %dma_start3A_305 = tpu.memref_slice %arg4[%add3A_124] : memref<32768xi32, #tpu.memory_space<hbm>> -> memref<128xi32, #tpu.memory_space<hbm>>
      %dma_start3A_306 = tpu.memref_slice %arg4[%add3A_124] : memref<32768xi32, #tpu.memory_space<hbm>> -> memref<128xi32, #tpu.memory_space<hbm>>
      tpu.enqueue_dma source(%dma_start3A_306 : memref<128xi32, #tpu.memory_space<hbm>>) target(%arg14 : memref<128xi32, #tpu.memory_space<vmem>>) target_semaphore(%run_scoped3A : memref<!tpu.dma_semaphore, #tpu.memory_space<semaphore_mem>>)
      %dma_wait3A_307 = tpu.memref_slice %arg4[%add3A_124] : memref<32768xi32, #tpu.memory_space<hbm>> -> memref<128xi32, #tpu.memory_space<hbm>>
      %dma_wait3A_308 = tpu.memref_slice %arg4[%add3A_124] : memref<32768xi32, #tpu.memory_space<hbm>> -> memref<128xi32, #tpu.memory_space<hbm>>
      tpu.wait_dma2 semaphore(%run_scoped3A : memref<!tpu.dma_semaphore, #tpu.memory_space<semaphore_mem>>) src(%dma_wait3A_308 : memref<128xi32, #tpu.memory_space<hbm>>) dst(%arg14 : memref<128xi32, #tpu.memory_space<vmem>>)
      tpu.yield
    }) : () -> ()
    "tpu.region"() ({
      %run_scoped3A = tpu.sem_alloc : memref<!tpu.dma_semaphore, #tpu.memory_space<semaphore_mem>>
      %dma_start3A_305 = tpu.memref_slice %arg5[%add3A_124] : memref<32768xi32, #tpu.memory_space<hbm>> -> memref<128xi32, #tpu.memory_space<hbm>>
      %dma_start3A_306 = tpu.memref_slice %arg5[%add3A_124] : memref<32768xi32, #tpu.memory_space<hbm>> -> memref<128xi32, #tpu.memory_space<hbm>>
      tpu.enqueue_dma source(%dma_start3A_306 : memref<128xi32, #tpu.memory_space<hbm>>) target(%arg16 : memref<128xi32, #tpu.memory_space<vmem>>) target_semaphore(%run_scoped3A : memref<!tpu.dma_semaphore, #tpu.memory_space<semaphore_mem>>)
      %dma_wait3A_307 = tpu.memref_slice %arg5[%add3A_124] : memref<32768xi32, #tpu.memory_space<hbm>> -> memref<128xi32, #tpu.memory_space<hbm>>
      %dma_wait3A_308 = tpu.memref_slice %arg5[%add3A_124] : memref<32768xi32, #tpu.memory_space<hbm>> -> memref<128xi32, #tpu.memory_space<hbm>>
      tpu.wait_dma2 semaphore(%run_scoped3A : memref<!tpu.dma_semaphore, #tpu.memory_space<semaphore_mem>>) src(%dma_wait3A_308 : memref<128xi32, #tpu.memory_space<hbm>>) dst(%arg16 : memref<128xi32, #tpu.memory_space<vmem>>)
      tpu.yield
    }) : () -> ()
    %dma_start3A_125 = arith.constant 0 : i32
    %dma_start3A_126 = arith.constant 0 : i32
    %dma_start3A_127 = tpu.memref_slice %arg2[%dma_start3A_125, %dma_start3A_126] : memref<32768x128xf32, #tpu.memory_space<hbm>> -> memref<32768x128xf32, #tpu.memory_space<hbm>>
    tpu.enqueue_indirect_dma source(%dma_start3A_127 : memref<32768x128xf32, #tpu.memory_space<hbm>>) target(%arg10 : memref<128x128xf32, #tpu.memory_space<vmem>>) offsets(%arg16 : memref<128xi32, #tpu.memory_space<vmem>>) semaphore(%arg18 : memref<!tpu.dma_semaphore, #tpu.memory_space<semaphore_mem>>)
    %dma_start3A_128 = arith.constant 0 : i32
    %dma_start3A_129 = arith.constant 0 : i32
    %dma_start3A_130 = tpu.memref_slice %arg3[%dma_start3A_128, %dma_start3A_129] : memref<32768x128xf32, #tpu.memory_space<hbm>> -> memref<32768x128xf32, #tpu.memory_space<hbm>>
    tpu.enqueue_indirect_dma source(%dma_start3A_130 : memref<32768x128xf32, #tpu.memory_space<hbm>>) target(%arg12 : memref<128x128xf32, #tpu.memory_space<vmem>>) offsets(%arg16 : memref<128xi32, #tpu.memory_space<vmem>>) semaphore(%arg20 : memref<!tpu.dma_semaphore, #tpu.memory_space<semaphore_mem>>)
    %dma_wait3A_131 = arith.constant 0 : i32
    %dma_wait3A_132 = arith.constant 0 : i32
    %dma_wait3A_133 = tpu.memref_slice %arg2[%dma_wait3A_131, %dma_wait3A_132] : memref<32768x128xf32, #tpu.memory_space<hbm>> -> memref<128x128xf32, #tpu.memory_space<hbm>>
    %dma_wait3A_134 = arith.constant 0 : i32
    %dma_wait3A_135 = arith.constant 0 : i32
    %dma_wait3A_136 = tpu.memref_slice %arg2[%dma_wait3A_134, %dma_wait3A_135] : memref<32768x128xf32, #tpu.memory_space<hbm>> -> memref<128x128xf32, #tpu.memory_space<hbm>>
    tpu.wait_dma2 semaphore(%arg19 : memref<!tpu.dma_semaphore, #tpu.memory_space<semaphore_mem>>) src(%dma_wait3A_136 : memref<128x128xf32, #tpu.memory_space<hbm>>) dst(%arg11 : memref<128x128xf32, #tpu.memory_space<vmem>>)
    %dma_start3A_137 = arith.constant 0 : i32
    %dma_start3A_138 = arith.constant 0 : i32
    %dma_start3A_139 = tpu.memref_slice %arg6[%dma_start3A_137, %dma_start3A_138] : memref<200000x128xf32, #tpu.memory_space<hbm>> -> memref<200000x128xf32, #tpu.memory_space<hbm>>
    tpu.enqueue_indirect_dma source(%arg11 : memref<128x128xf32, #tpu.memory_space<vmem>>) target(%dma_start3A_139 : memref<200000x128xf32, #tpu.memory_space<hbm>>) offsets(%arg15 : memref<128xi32, #tpu.memory_space<vmem>>) semaphore(%arg23 : memref<!tpu.dma_semaphore, #tpu.memory_space<semaphore_mem>>)
    %dma_wait3A_140 = arith.constant 0 : i32
    %dma_wait3A_141 = arith.constant 0 : i32
    %dma_wait3A_142 = tpu.memref_slice %arg3[%dma_wait3A_140, %dma_wait3A_141] : memref<32768x128xf32, #tpu.memory_space<hbm>> -> memref<128x128xf32, #tpu.memory_space<hbm>>
    %dma_wait3A_143 = arith.constant 0 : i32
    %dma_wait3A_144 = arith.constant 0 : i32
    %dma_wait3A_145 = tpu.memref_slice %arg3[%dma_wait3A_143, %dma_wait3A_144] : memref<32768x128xf32, #tpu.memory_space<hbm>> -> memref<128x128xf32, #tpu.memory_space<hbm>>
    tpu.wait_dma2 semaphore(%arg21 : memref<!tpu.dma_semaphore, #tpu.memory_space<semaphore_mem>>) src(%dma_wait3A_145 : memref<128x128xf32, #tpu.memory_space<hbm>>) dst(%arg13 : memref<128x128xf32, #tpu.memory_space<vmem>>)
    %dma_start3A_146 = arith.constant 0 : i32
    %dma_start3A_147 = arith.constant 0 : i32
    %dma_start3A_148 = tpu.memref_slice %arg7[%dma_start3A_146, %dma_start3A_147] : memref<200000x128xf32, #tpu.memory_space<hbm>> -> memref<200000x128xf32, #tpu.memory_space<hbm>>
    tpu.enqueue_indirect_dma source(%arg13 : memref<128x128xf32, #tpu.memory_space<vmem>>) target(%dma_start3A_148 : memref<200000x128xf32, #tpu.memory_space<hbm>>) offsets(%arg15 : memref<128xi32, #tpu.memory_space<vmem>>) semaphore(%arg25 : memref<!tpu.dma_semaphore, #tpu.memory_space<semaphore_mem>>)
    %dma_wait3A_149 = arith.constant 0 : i32
    %dma_wait3A_150 = arith.constant 0 : i32
    %dma_wait3A_151 = tpu.memref_slice %arg6[%dma_wait3A_149, %dma_wait3A_150] : memref<200000x128xf32, #tpu.memory_space<hbm>> -> memref<128x128xf32, #tpu.memory_space<hbm>>
    %dma_wait3A_152 = arith.constant 0 : i32
    %dma_wait3A_153 = arith.constant 0 : i32
    %dma_wait3A_154 = tpu.memref_slice %arg6[%dma_wait3A_152, %dma_wait3A_153] : memref<200000x128xf32, #tpu.memory_space<hbm>> -> memref<128x128xf32, #tpu.memory_space<hbm>>
    tpu.wait_dma2 semaphore(%arg23 : memref<!tpu.dma_semaphore, #tpu.memory_space<semaphore_mem>>) src(%arg11 : memref<128x128xf32, #tpu.memory_space<vmem>>) dst(%dma_wait3A_154 : memref<128x128xf32, #tpu.memory_space<hbm>>)
    %dma_wait3A_155 = arith.constant 0 : i32
    %dma_wait3A_156 = arith.constant 0 : i32
    %dma_wait3A_157 = tpu.memref_slice %arg7[%dma_wait3A_155, %dma_wait3A_156] : memref<200000x128xf32, #tpu.memory_space<hbm>> -> memref<128x128xf32, #tpu.memory_space<hbm>>
    %dma_wait3A_158 = arith.constant 0 : i32
    %dma_wait3A_159 = arith.constant 0 : i32
    %dma_wait3A_160 = tpu.memref_slice %arg7[%dma_wait3A_158, %dma_wait3A_159] : memref<200000x128xf32, #tpu.memory_space<hbm>> -> memref<128x128xf32, #tpu.memory_space<hbm>>
    tpu.wait_dma2 semaphore(%arg25 : memref<!tpu.dma_semaphore, #tpu.memory_space<semaphore_mem>>) src(%arg13 : memref<128x128xf32, #tpu.memory_space<vmem>>) dst(%dma_wait3A_160 : memref<128x128xf32, #tpu.memory_space<hbm>>)
    %add3A_161 = arith.constant 640 : i32
    %add3A_162 = arith.addi %mul3A_2, %add3A_161 : i32
    "tpu.region"() ({
      %run_scoped3A = tpu.sem_alloc : memref<!tpu.dma_semaphore, #tpu.memory_space<semaphore_mem>>
      %dma_start3A_305 = tpu.memref_slice %arg4[%add3A_162] : memref<32768xi32, #tpu.memory_space<hbm>> -> memref<128xi32, #tpu.memory_space<hbm>>
      %dma_start3A_306 = tpu.memref_slice %arg4[%add3A_162] : memref<32768xi32, #tpu.memory_space<hbm>> -> memref<128xi32, #tpu.memory_space<hbm>>
      tpu.enqueue_dma source(%dma_start3A_306 : memref<128xi32, #tpu.memory_space<hbm>>) target(%arg15 : memref<128xi32, #tpu.memory_space<vmem>>) target_semaphore(%run_scoped3A : memref<!tpu.dma_semaphore, #tpu.memory_space<semaphore_mem>>)
      %dma_wait3A_307 = tpu.memref_slice %arg4[%add3A_162] : memref<32768xi32, #tpu.memory_space<hbm>> -> memref<128xi32, #tpu.memory_space<hbm>>
      %dma_wait3A_308 = tpu.memref_slice %arg4[%add3A_162] : memref<32768xi32, #tpu.memory_space<hbm>> -> memref<128xi32, #tpu.memory_space<hbm>>
      tpu.wait_dma2 semaphore(%run_scoped3A : memref<!tpu.dma_semaphore, #tpu.memory_space<semaphore_mem>>) src(%dma_wait3A_308 : memref<128xi32, #tpu.memory_space<hbm>>) dst(%arg15 : memref<128xi32, #tpu.memory_space<vmem>>)
      tpu.yield
    }) : () -> ()
    "tpu.region"() ({
      %run_scoped3A = tpu.sem_alloc : memref<!tpu.dma_semaphore, #tpu.memory_space<semaphore_mem>>
      %dma_start3A_305 = tpu.memref_slice %arg5[%add3A_162] : memref<32768xi32, #tpu.memory_space<hbm>> -> memref<128xi32, #tpu.memory_space<hbm>>
      %dma_start3A_306 = tpu.memref_slice %arg5[%add3A_162] : memref<32768xi32, #tpu.memory_space<hbm>> -> memref<128xi32, #tpu.memory_space<hbm>>
      tpu.enqueue_dma source(%dma_start3A_306 : memref<128xi32, #tpu.memory_space<hbm>>) target(%arg17 : memref<128xi32, #tpu.memory_space<vmem>>) target_semaphore(%run_scoped3A : memref<!tpu.dma_semaphore, #tpu.memory_space<semaphore_mem>>)
      %dma_wait3A_307 = tpu.memref_slice %arg5[%add3A_162] : memref<32768xi32, #tpu.memory_space<hbm>> -> memref<128xi32, #tpu.memory_space<hbm>>
      %dma_wait3A_308 = tpu.memref_slice %arg5[%add3A_162] : memref<32768xi32, #tpu.memory_space<hbm>> -> memref<128xi32, #tpu.memory_space<hbm>>
      tpu.wait_dma2 semaphore(%run_scoped3A : memref<!tpu.dma_semaphore, #tpu.memory_space<semaphore_mem>>) src(%dma_wait3A_308 : memref<128xi32, #tpu.memory_space<hbm>>) dst(%arg17 : memref<128xi32, #tpu.memory_space<vmem>>)
      tpu.yield
    }) : () -> ()
    %dma_start3A_163 = arith.constant 0 : i32
    %dma_start3A_164 = arith.constant 0 : i32
    %dma_start3A_165 = tpu.memref_slice %arg2[%dma_start3A_163, %dma_start3A_164] : memref<32768x128xf32, #tpu.memory_space<hbm>> -> memref<32768x128xf32, #tpu.memory_space<hbm>>
    tpu.enqueue_indirect_dma source(%dma_start3A_165 : memref<32768x128xf32, #tpu.memory_space<hbm>>) target(%arg11 : memref<128x128xf32, #tpu.memory_space<vmem>>) offsets(%arg17 : memref<128xi32, #tpu.memory_space<vmem>>) semaphore(%arg19 : memref<!tpu.dma_semaphore, #tpu.memory_space<semaphore_mem>>)
    %dma_start3A_166 = arith.constant 0 : i32
    %dma_start3A_167 = arith.constant 0 : i32
    %dma_start3A_168 = tpu.memref_slice %arg3[%dma_start3A_166, %dma_start3A_167] : memref<32768x128xf32, #tpu.memory_space<hbm>> -> memref<32768x128xf32, #tpu.memory_space<hbm>>
    tpu.enqueue_indirect_dma source(%dma_start3A_168 : memref<32768x128xf32, #tpu.memory_space<hbm>>) target(%arg13 : memref<128x128xf32, #tpu.memory_space<vmem>>) offsets(%arg17 : memref<128xi32, #tpu.memory_space<vmem>>) semaphore(%arg21 : memref<!tpu.dma_semaphore, #tpu.memory_space<semaphore_mem>>)
    %dma_wait3A_169 = arith.constant 0 : i32
    %dma_wait3A_170 = arith.constant 0 : i32
    %dma_wait3A_171 = tpu.memref_slice %arg2[%dma_wait3A_169, %dma_wait3A_170] : memref<32768x128xf32, #tpu.memory_space<hbm>> -> memref<128x128xf32, #tpu.memory_space<hbm>>
    %dma_wait3A_172 = arith.constant 0 : i32
    %dma_wait3A_173 = arith.constant 0 : i32
    %dma_wait3A_174 = tpu.memref_slice %arg2[%dma_wait3A_172, %dma_wait3A_173] : memref<32768x128xf32, #tpu.memory_space<hbm>> -> memref<128x128xf32, #tpu.memory_space<hbm>>
    tpu.wait_dma2 semaphore(%arg18 : memref<!tpu.dma_semaphore, #tpu.memory_space<semaphore_mem>>) src(%dma_wait3A_174 : memref<128x128xf32, #tpu.memory_space<hbm>>) dst(%arg10 : memref<128x128xf32, #tpu.memory_space<vmem>>)
    %dma_start3A_175 = arith.constant 0 : i32
    %dma_start3A_176 = arith.constant 0 : i32
    %dma_start3A_177 = tpu.memref_slice %arg6[%dma_start3A_175, %dma_start3A_176] : memref<200000x128xf32, #tpu.memory_space<hbm>> -> memref<200000x128xf32, #tpu.memory_space<hbm>>
    tpu.enqueue_indirect_dma source(%arg10 : memref<128x128xf32, #tpu.memory_space<vmem>>) target(%dma_start3A_177 : memref<200000x128xf32, #tpu.memory_space<hbm>>) offsets(%arg14 : memref<128xi32, #tpu.memory_space<vmem>>) semaphore(%arg22 : memref<!tpu.dma_semaphore, #tpu.memory_space<semaphore_mem>>)
    %dma_wait3A_178 = arith.constant 0 : i32
    %dma_wait3A_179 = arith.constant 0 : i32
    %dma_wait3A_180 = tpu.memref_slice %arg3[%dma_wait3A_178, %dma_wait3A_179] : memref<32768x128xf32, #tpu.memory_space<hbm>> -> memref<128x128xf32, #tpu.memory_space<hbm>>
    %dma_wait3A_181 = arith.constant 0 : i32
    %dma_wait3A_182 = arith.constant 0 : i32
    %dma_wait3A_183 = tpu.memref_slice %arg3[%dma_wait3A_181, %dma_wait3A_182] : memref<32768x128xf32, #tpu.memory_space<hbm>> -> memref<128x128xf32, #tpu.memory_space<hbm>>
    tpu.wait_dma2 semaphore(%arg20 : memref<!tpu.dma_semaphore, #tpu.memory_space<semaphore_mem>>) src(%dma_wait3A_183 : memref<128x128xf32, #tpu.memory_space<hbm>>) dst(%arg12 : memref<128x128xf32, #tpu.memory_space<vmem>>)
    %dma_start3A_184 = arith.constant 0 : i32
    %dma_start3A_185 = arith.constant 0 : i32
    %dma_start3A_186 = tpu.memref_slice %arg7[%dma_start3A_184, %dma_start3A_185] : memref<200000x128xf32, #tpu.memory_space<hbm>> -> memref<200000x128xf32, #tpu.memory_space<hbm>>
    tpu.enqueue_indirect_dma source(%arg12 : memref<128x128xf32, #tpu.memory_space<vmem>>) target(%dma_start3A_186 : memref<200000x128xf32, #tpu.memory_space<hbm>>) offsets(%arg14 : memref<128xi32, #tpu.memory_space<vmem>>) semaphore(%arg24 : memref<!tpu.dma_semaphore, #tpu.memory_space<semaphore_mem>>)
    %dma_wait3A_187 = arith.constant 0 : i32
    %dma_wait3A_188 = arith.constant 0 : i32
    %dma_wait3A_189 = tpu.memref_slice %arg6[%dma_wait3A_187, %dma_wait3A_188] : memref<200000x128xf32, #tpu.memory_space<hbm>> -> memref<128x128xf32, #tpu.memory_space<hbm>>
    %dma_wait3A_190 = arith.constant 0 : i32
    %dma_wait3A_191 = arith.constant 0 : i32
    %dma_wait3A_192 = tpu.memref_slice %arg6[%dma_wait3A_190, %dma_wait3A_191] : memref<200000x128xf32, #tpu.memory_space<hbm>> -> memref<128x128xf32, #tpu.memory_space<hbm>>
    tpu.wait_dma2 semaphore(%arg22 : memref<!tpu.dma_semaphore, #tpu.memory_space<semaphore_mem>>) src(%arg10 : memref<128x128xf32, #tpu.memory_space<vmem>>) dst(%dma_wait3A_192 : memref<128x128xf32, #tpu.memory_space<hbm>>)
    %dma_wait3A_193 = arith.constant 0 : i32
    %dma_wait3A_194 = arith.constant 0 : i32
    %dma_wait3A_195 = tpu.memref_slice %arg7[%dma_wait3A_193, %dma_wait3A_194] : memref<200000x128xf32, #tpu.memory_space<hbm>> -> memref<128x128xf32, #tpu.memory_space<hbm>>
    %dma_wait3A_196 = arith.constant 0 : i32
    %dma_wait3A_197 = arith.constant 0 : i32
    %dma_wait3A_198 = tpu.memref_slice %arg7[%dma_wait3A_196, %dma_wait3A_197] : memref<200000x128xf32, #tpu.memory_space<hbm>> -> memref<128x128xf32, #tpu.memory_space<hbm>>
    tpu.wait_dma2 semaphore(%arg24 : memref<!tpu.dma_semaphore, #tpu.memory_space<semaphore_mem>>) src(%arg12 : memref<128x128xf32, #tpu.memory_space<vmem>>) dst(%dma_wait3A_198 : memref<128x128xf32, #tpu.memory_space<hbm>>)
    %add3A_199 = arith.constant 768 : i32
    %add3A_200 = arith.addi %mul3A_2, %add3A_199 : i32
    "tpu.region"() ({
      %run_scoped3A = tpu.sem_alloc : memref<!tpu.dma_semaphore, #tpu.memory_space<semaphore_mem>>
      %dma_start3A_305 = tpu.memref_slice %arg4[%add3A_200] : memref<32768xi32, #tpu.memory_space<hbm>> -> memref<128xi32, #tpu.memory_space<hbm>>
      %dma_start3A_306 = tpu.memref_slice %arg4[%add3A_200] : memref<32768xi32, #tpu.memory_space<hbm>> -> memref<128xi32, #tpu.memory_space<hbm>>
      tpu.enqueue_dma source(%dma_start3A_306 : memref<128xi32, #tpu.memory_space<hbm>>) target(%arg14 : memref<128xi32, #tpu.memory_space<vmem>>) target_semaphore(%run_scoped3A : memref<!tpu.dma_semaphore, #tpu.memory_space<semaphore_mem>>)
      %dma_wait3A_307 = tpu.memref_slice %arg4[%add3A_200] : memref<32768xi32, #tpu.memory_space<hbm>> -> memref<128xi32, #tpu.memory_space<hbm>>
      %dma_wait3A_308 = tpu.memref_slice %arg4[%add3A_200] : memref<32768xi32, #tpu.memory_space<hbm>> -> memref<128xi32, #tpu.memory_space<hbm>>
      tpu.wait_dma2 semaphore(%run_scoped3A : memref<!tpu.dma_semaphore, #tpu.memory_space<semaphore_mem>>) src(%dma_wait3A_308 : memref<128xi32, #tpu.memory_space<hbm>>) dst(%arg14 : memref<128xi32, #tpu.memory_space<vmem>>)
      tpu.yield
    }) : () -> ()
    "tpu.region"() ({
      %run_scoped3A = tpu.sem_alloc : memref<!tpu.dma_semaphore, #tpu.memory_space<semaphore_mem>>
      %dma_start3A_305 = tpu.memref_slice %arg5[%add3A_200] : memref<32768xi32, #tpu.memory_space<hbm>> -> memref<128xi32, #tpu.memory_space<hbm>>
      %dma_start3A_306 = tpu.memref_slice %arg5[%add3A_200] : memref<32768xi32, #tpu.memory_space<hbm>> -> memref<128xi32, #tpu.memory_space<hbm>>
      tpu.enqueue_dma source(%dma_start3A_306 : memref<128xi32, #tpu.memory_space<hbm>>) target(%arg16 : memref<128xi32, #tpu.memory_space<vmem>>) target_semaphore(%run_scoped3A : memref<!tpu.dma_semaphore, #tpu.memory_space<semaphore_mem>>)
      %dma_wait3A_307 = tpu.memref_slice %arg5[%add3A_200] : memref<32768xi32, #tpu.memory_space<hbm>> -> memref<128xi32, #tpu.memory_space<hbm>>
      %dma_wait3A_308 = tpu.memref_slice %arg5[%add3A_200] : memref<32768xi32, #tpu.memory_space<hbm>> -> memref<128xi32, #tpu.memory_space<hbm>>
      tpu.wait_dma2 semaphore(%run_scoped3A : memref<!tpu.dma_semaphore, #tpu.memory_space<semaphore_mem>>) src(%dma_wait3A_308 : memref<128xi32, #tpu.memory_space<hbm>>) dst(%arg16 : memref<128xi32, #tpu.memory_space<vmem>>)
      tpu.yield
    }) : () -> ()
    %dma_start3A_201 = arith.constant 0 : i32
    %dma_start3A_202 = arith.constant 0 : i32
    %dma_start3A_203 = tpu.memref_slice %arg2[%dma_start3A_201, %dma_start3A_202] : memref<32768x128xf32, #tpu.memory_space<hbm>> -> memref<32768x128xf32, #tpu.memory_space<hbm>>
    tpu.enqueue_indirect_dma source(%dma_start3A_203 : memref<32768x128xf32, #tpu.memory_space<hbm>>) target(%arg10 : memref<128x128xf32, #tpu.memory_space<vmem>>) offsets(%arg16 : memref<128xi32, #tpu.memory_space<vmem>>) semaphore(%arg18 : memref<!tpu.dma_semaphore, #tpu.memory_space<semaphore_mem>>)
    %dma_start3A_204 = arith.constant 0 : i32
    %dma_start3A_205 = arith.constant 0 : i32
    %dma_start3A_206 = tpu.memref_slice %arg3[%dma_start3A_204, %dma_start3A_205] : memref<32768x128xf32, #tpu.memory_space<hbm>> -> memref<32768x128xf32, #tpu.memory_space<hbm>>
    tpu.enqueue_indirect_dma source(%dma_start3A_206 : memref<32768x128xf32, #tpu.memory_space<hbm>>) target(%arg12 : memref<128x128xf32, #tpu.memory_space<vmem>>) offsets(%arg16 : memref<128xi32, #tpu.memory_space<vmem>>) semaphore(%arg20 : memref<!tpu.dma_semaphore, #tpu.memory_space<semaphore_mem>>)
    %dma_wait3A_207 = arith.constant 0 : i32
    %dma_wait3A_208 = arith.constant 0 : i32
    %dma_wait3A_209 = tpu.memref_slice %arg2[%dma_wait3A_207, %dma_wait3A_208] : memref<32768x128xf32, #tpu.memory_space<hbm>> -> memref<128x128xf32, #tpu.memory_space<hbm>>
    %dma_wait3A_210 = arith.constant 0 : i32
    %dma_wait3A_211 = arith.constant 0 : i32
    %dma_wait3A_212 = tpu.memref_slice %arg2[%dma_wait3A_210, %dma_wait3A_211] : memref<32768x128xf32, #tpu.memory_space<hbm>> -> memref<128x128xf32, #tpu.memory_space<hbm>>
    tpu.wait_dma2 semaphore(%arg19 : memref<!tpu.dma_semaphore, #tpu.memory_space<semaphore_mem>>) src(%dma_wait3A_212 : memref<128x128xf32, #tpu.memory_space<hbm>>) dst(%arg11 : memref<128x128xf32, #tpu.memory_space<vmem>>)
    %dma_start3A_213 = arith.constant 0 : i32
    %dma_start3A_214 = arith.constant 0 : i32
    %dma_start3A_215 = tpu.memref_slice %arg6[%dma_start3A_213, %dma_start3A_214] : memref<200000x128xf32, #tpu.memory_space<hbm>> -> memref<200000x128xf32, #tpu.memory_space<hbm>>
    tpu.enqueue_indirect_dma source(%arg11 : memref<128x128xf32, #tpu.memory_space<vmem>>) target(%dma_start3A_215 : memref<200000x128xf32, #tpu.memory_space<hbm>>) offsets(%arg15 : memref<128xi32, #tpu.memory_space<vmem>>) semaphore(%arg23 : memref<!tpu.dma_semaphore, #tpu.memory_space<semaphore_mem>>)
    %dma_wait3A_216 = arith.constant 0 : i32
    %dma_wait3A_217 = arith.constant 0 : i32
    %dma_wait3A_218 = tpu.memref_slice %arg3[%dma_wait3A_216, %dma_wait3A_217] : memref<32768x128xf32, #tpu.memory_space<hbm>> -> memref<128x128xf32, #tpu.memory_space<hbm>>
    %dma_wait3A_219 = arith.constant 0 : i32
    %dma_wait3A_220 = arith.constant 0 : i32
    %dma_wait3A_221 = tpu.memref_slice %arg3[%dma_wait3A_219, %dma_wait3A_220] : memref<32768x128xf32, #tpu.memory_space<hbm>> -> memref<128x128xf32, #tpu.memory_space<hbm>>
    tpu.wait_dma2 semaphore(%arg21 : memref<!tpu.dma_semaphore, #tpu.memory_space<semaphore_mem>>) src(%dma_wait3A_221 : memref<128x128xf32, #tpu.memory_space<hbm>>) dst(%arg13 : memref<128x128xf32, #tpu.memory_space<vmem>>)
    %dma_start3A_222 = arith.constant 0 : i32
    %dma_start3A_223 = arith.constant 0 : i32
    %dma_start3A_224 = tpu.memref_slice %arg7[%dma_start3A_222, %dma_start3A_223] : memref<200000x128xf32, #tpu.memory_space<hbm>> -> memref<200000x128xf32, #tpu.memory_space<hbm>>
    tpu.enqueue_indirect_dma source(%arg13 : memref<128x128xf32, #tpu.memory_space<vmem>>) target(%dma_start3A_224 : memref<200000x128xf32, #tpu.memory_space<hbm>>) offsets(%arg15 : memref<128xi32, #tpu.memory_space<vmem>>) semaphore(%arg25 : memref<!tpu.dma_semaphore, #tpu.memory_space<semaphore_mem>>)
    %dma_wait3A_225 = arith.constant 0 : i32
    %dma_wait3A_226 = arith.constant 0 : i32
    %dma_wait3A_227 = tpu.memref_slice %arg6[%dma_wait3A_225, %dma_wait3A_226] : memref<200000x128xf32, #tpu.memory_space<hbm>> -> memref<128x128xf32, #tpu.memory_space<hbm>>
    %dma_wait3A_228 = arith.constant 0 : i32
    %dma_wait3A_229 = arith.constant 0 : i32
    %dma_wait3A_230 = tpu.memref_slice %arg6[%dma_wait3A_228, %dma_wait3A_229] : memref<200000x128xf32, #tpu.memory_space<hbm>> -> memref<128x128xf32, #tpu.memory_space<hbm>>
    tpu.wait_dma2 semaphore(%arg23 : memref<!tpu.dma_semaphore, #tpu.memory_space<semaphore_mem>>) src(%arg11 : memref<128x128xf32, #tpu.memory_space<vmem>>) dst(%dma_wait3A_230 : memref<128x128xf32, #tpu.memory_space<hbm>>)
    %dma_wait3A_231 = arith.constant 0 : i32
    %dma_wait3A_232 = arith.constant 0 : i32
    %dma_wait3A_233 = tpu.memref_slice %arg7[%dma_wait3A_231, %dma_wait3A_232] : memref<200000x128xf32, #tpu.memory_space<hbm>> -> memref<128x128xf32, #tpu.memory_space<hbm>>
    %dma_wait3A_234 = arith.constant 0 : i32
    %dma_wait3A_235 = arith.constant 0 : i32
    %dma_wait3A_236 = tpu.memref_slice %arg7[%dma_wait3A_234, %dma_wait3A_235] : memref<200000x128xf32, #tpu.memory_space<hbm>> -> memref<128x128xf32, #tpu.memory_space<hbm>>
    tpu.wait_dma2 semaphore(%arg25 : memref<!tpu.dma_semaphore, #tpu.memory_space<semaphore_mem>>) src(%arg13 : memref<128x128xf32, #tpu.memory_space<vmem>>) dst(%dma_wait3A_236 : memref<128x128xf32, #tpu.memory_space<hbm>>)
    %add3A_237 = arith.constant 896 : i32
    %add3A_238 = arith.addi %mul3A_2, %add3A_237 : i32
    "tpu.region"() ({
      %run_scoped3A = tpu.sem_alloc : memref<!tpu.dma_semaphore, #tpu.memory_space<semaphore_mem>>
      %dma_start3A_305 = tpu.memref_slice %arg4[%add3A_238] : memref<32768xi32, #tpu.memory_space<hbm>> -> memref<128xi32, #tpu.memory_space<hbm>>
      %dma_start3A_306 = tpu.memref_slice %arg4[%add3A_238] : memref<32768xi32, #tpu.memory_space<hbm>> -> memref<128xi32, #tpu.memory_space<hbm>>
      tpu.enqueue_dma source(%dma_start3A_306 : memref<128xi32, #tpu.memory_space<hbm>>) target(%arg15 : memref<128xi32, #tpu.memory_space<vmem>>) target_semaphore(%run_scoped3A : memref<!tpu.dma_semaphore, #tpu.memory_space<semaphore_mem>>)
      %dma_wait3A_307 = tpu.memref_slice %arg4[%add3A_238] : memref<32768xi32, #tpu.memory_space<hbm>> -> memref<128xi32, #tpu.memory_space<hbm>>
      %dma_wait3A_308 = tpu.memref_slice %arg4[%add3A_238] : memref<32768xi32, #tpu.memory_space<hbm>> -> memref<128xi32, #tpu.memory_space<hbm>>
      tpu.wait_dma2 semaphore(%run_scoped3A : memref<!tpu.dma_semaphore, #tpu.memory_space<semaphore_mem>>) src(%dma_wait3A_308 : memref<128xi32, #tpu.memory_space<hbm>>) dst(%arg15 : memref<128xi32, #tpu.memory_space<vmem>>)
      tpu.yield
    }) : () -> ()
    "tpu.region"() ({
      %run_scoped3A = tpu.sem_alloc : memref<!tpu.dma_semaphore, #tpu.memory_space<semaphore_mem>>
      %dma_start3A_305 = tpu.memref_slice %arg5[%add3A_238] : memref<32768xi32, #tpu.memory_space<hbm>> -> memref<128xi32, #tpu.memory_space<hbm>>
      %dma_start3A_306 = tpu.memref_slice %arg5[%add3A_238] : memref<32768xi32, #tpu.memory_space<hbm>> -> memref<128xi32, #tpu.memory_space<hbm>>
      tpu.enqueue_dma source(%dma_start3A_306 : memref<128xi32, #tpu.memory_space<hbm>>) target(%arg17 : memref<128xi32, #tpu.memory_space<vmem>>) target_semaphore(%run_scoped3A : memref<!tpu.dma_semaphore, #tpu.memory_space<semaphore_mem>>)
      %dma_wait3A_307 = tpu.memref_slice %arg5[%add3A_238] : memref<32768xi32, #tpu.memory_space<hbm>> -> memref<128xi32, #tpu.memory_space<hbm>>
      %dma_wait3A_308 = tpu.memref_slice %arg5[%add3A_238] : memref<32768xi32, #tpu.memory_space<hbm>> -> memref<128xi32, #tpu.memory_space<hbm>>
      tpu.wait_dma2 semaphore(%run_scoped3A : memref<!tpu.dma_semaphore, #tpu.memory_space<semaphore_mem>>) src(%dma_wait3A_308 : memref<128xi32, #tpu.memory_space<hbm>>) dst(%arg17 : memref<128xi32, #tpu.memory_space<vmem>>)
      tpu.yield
    }) : () -> ()
    %dma_start3A_239 = arith.constant 0 : i32
    %dma_start3A_240 = arith.constant 0 : i32
    %dma_start3A_241 = tpu.memref_slice %arg2[%dma_start3A_239, %dma_start3A_240] : memref<32768x128xf32, #tpu.memory_space<hbm>> -> memref<32768x128xf32, #tpu.memory_space<hbm>>
    tpu.enqueue_indirect_dma source(%dma_start3A_241 : memref<32768x128xf32, #tpu.memory_space<hbm>>) target(%arg11 : memref<128x128xf32, #tpu.memory_space<vmem>>) offsets(%arg17 : memref<128xi32, #tpu.memory_space<vmem>>) semaphore(%arg19 : memref<!tpu.dma_semaphore, #tpu.memory_space<semaphore_mem>>)
    %dma_start3A_242 = arith.constant 0 : i32
    %dma_start3A_243 = arith.constant 0 : i32
    %dma_start3A_244 = tpu.memref_slice %arg3[%dma_start3A_242, %dma_start3A_243] : memref<32768x128xf32, #tpu.memory_space<hbm>> -> memref<32768x128xf32, #tpu.memory_space<hbm>>
    tpu.enqueue_indirect_dma source(%dma_start3A_244 : memref<32768x128xf32, #tpu.memory_space<hbm>>) target(%arg13 : memref<128x128xf32, #tpu.memory_space<vmem>>) offsets(%arg17 : memref<128xi32, #tpu.memory_space<vmem>>) semaphore(%arg21 : memref<!tpu.dma_semaphore, #tpu.memory_space<semaphore_mem>>)
    %dma_wait3A_245 = arith.constant 0 : i32
    %dma_wait3A_246 = arith.constant 0 : i32
    %dma_wait3A_247 = tpu.memref_slice %arg2[%dma_wait3A_245, %dma_wait3A_246] : memref<32768x128xf32, #tpu.memory_space<hbm>> -> memref<128x128xf32, #tpu.memory_space<hbm>>
    %dma_wait3A_248 = arith.constant 0 : i32
    %dma_wait3A_249 = arith.constant 0 : i32
    %dma_wait3A_250 = tpu.memref_slice %arg2[%dma_wait3A_248, %dma_wait3A_249] : memref<32768x128xf32, #tpu.memory_space<hbm>> -> memref<128x128xf32, #tpu.memory_space<hbm>>
    tpu.wait_dma2 semaphore(%arg18 : memref<!tpu.dma_semaphore, #tpu.memory_space<semaphore_mem>>) src(%dma_wait3A_250 : memref<128x128xf32, #tpu.memory_space<hbm>>) dst(%arg10 : memref<128x128xf32, #tpu.memory_space<vmem>>)
    %dma_start3A_251 = arith.constant 0 : i32
    %dma_start3A_252 = arith.constant 0 : i32
    %dma_start3A_253 = tpu.memref_slice %arg6[%dma_start3A_251, %dma_start3A_252] : memref<200000x128xf32, #tpu.memory_space<hbm>> -> memref<200000x128xf32, #tpu.memory_space<hbm>>
    tpu.enqueue_indirect_dma source(%arg10 : memref<128x128xf32, #tpu.memory_space<vmem>>) target(%dma_start3A_253 : memref<200000x128xf32, #tpu.memory_space<hbm>>) offsets(%arg14 : memref<128xi32, #tpu.memory_space<vmem>>) semaphore(%arg22 : memref<!tpu.dma_semaphore, #tpu.memory_space<semaphore_mem>>)
    %dma_wait3A_254 = arith.constant 0 : i32
    %dma_wait3A_255 = arith.constant 0 : i32
    %dma_wait3A_256 = tpu.memref_slice %arg3[%dma_wait3A_254, %dma_wait3A_255] : memref<32768x128xf32, #tpu.memory_space<hbm>> -> memref<128x128xf32, #tpu.memory_space<hbm>>
    %dma_wait3A_257 = arith.constant 0 : i32
    %dma_wait3A_258 = arith.constant 0 : i32
    %dma_wait3A_259 = tpu.memref_slice %arg3[%dma_wait3A_257, %dma_wait3A_258] : memref<32768x128xf32, #tpu.memory_space<hbm>> -> memref<128x128xf32, #tpu.memory_space<hbm>>
    tpu.wait_dma2 semaphore(%arg20 : memref<!tpu.dma_semaphore, #tpu.memory_space<semaphore_mem>>) src(%dma_wait3A_259 : memref<128x128xf32, #tpu.memory_space<hbm>>) dst(%arg12 : memref<128x128xf32, #tpu.memory_space<vmem>>)
    %dma_start3A_260 = arith.constant 0 : i32
    %dma_start3A_261 = arith.constant 0 : i32
    %dma_start3A_262 = tpu.memref_slice %arg7[%dma_start3A_260, %dma_start3A_261] : memref<200000x128xf32, #tpu.memory_space<hbm>> -> memref<200000x128xf32, #tpu.memory_space<hbm>>
    tpu.enqueue_indirect_dma source(%arg12 : memref<128x128xf32, #tpu.memory_space<vmem>>) target(%dma_start3A_262 : memref<200000x128xf32, #tpu.memory_space<hbm>>) offsets(%arg14 : memref<128xi32, #tpu.memory_space<vmem>>) semaphore(%arg24 : memref<!tpu.dma_semaphore, #tpu.memory_space<semaphore_mem>>)
    %dma_wait3A_263 = arith.constant 0 : i32
    %dma_wait3A_264 = arith.constant 0 : i32
    %dma_wait3A_265 = tpu.memref_slice %arg2[%dma_wait3A_263, %dma_wait3A_264] : memref<32768x128xf32, #tpu.memory_space<hbm>> -> memref<128x128xf32, #tpu.memory_space<hbm>>
    %dma_wait3A_266 = arith.constant 0 : i32
    %dma_wait3A_267 = arith.constant 0 : i32
    %dma_wait3A_268 = tpu.memref_slice %arg2[%dma_wait3A_266, %dma_wait3A_267] : memref<32768x128xf32, #tpu.memory_space<hbm>> -> memref<128x128xf32, #tpu.memory_space<hbm>>
    tpu.wait_dma2 semaphore(%arg19 : memref<!tpu.dma_semaphore, #tpu.memory_space<semaphore_mem>>) src(%dma_wait3A_268 : memref<128x128xf32, #tpu.memory_space<hbm>>) dst(%arg11 : memref<128x128xf32, #tpu.memory_space<vmem>>)
    %dma_start3A_269 = arith.constant 0 : i32
    %dma_start3A_270 = arith.constant 0 : i32
    %dma_start3A_271 = tpu.memref_slice %arg6[%dma_start3A_269, %dma_start3A_270] : memref<200000x128xf32, #tpu.memory_space<hbm>> -> memref<200000x128xf32, #tpu.memory_space<hbm>>
    tpu.enqueue_indirect_dma source(%arg11 : memref<128x128xf32, #tpu.memory_space<vmem>>) target(%dma_start3A_271 : memref<200000x128xf32, #tpu.memory_space<hbm>>) offsets(%arg15 : memref<128xi32, #tpu.memory_space<vmem>>) semaphore(%arg23 : memref<!tpu.dma_semaphore, #tpu.memory_space<semaphore_mem>>)
    %dma_wait3A_272 = arith.constant 0 : i32
    %dma_wait3A_273 = arith.constant 0 : i32
    %dma_wait3A_274 = tpu.memref_slice %arg3[%dma_wait3A_272, %dma_wait3A_273] : memref<32768x128xf32, #tpu.memory_space<hbm>> -> memref<128x128xf32, #tpu.memory_space<hbm>>
    %dma_wait3A_275 = arith.constant 0 : i32
    %dma_wait3A_276 = arith.constant 0 : i32
    %dma_wait3A_277 = tpu.memref_slice %arg3[%dma_wait3A_275, %dma_wait3A_276] : memref<32768x128xf32, #tpu.memory_space<hbm>> -> memref<128x128xf32, #tpu.memory_space<hbm>>
    tpu.wait_dma2 semaphore(%arg21 : memref<!tpu.dma_semaphore, #tpu.memory_space<semaphore_mem>>) src(%dma_wait3A_277 : memref<128x128xf32, #tpu.memory_space<hbm>>) dst(%arg13 : memref<128x128xf32, #tpu.memory_space<vmem>>)
    %dma_start3A_278 = arith.constant 0 : i32
    %dma_start3A_279 = arith.constant 0 : i32
    %dma_start3A_280 = tpu.memref_slice %arg7[%dma_start3A_278, %dma_start3A_279] : memref<200000x128xf32, #tpu.memory_space<hbm>> -> memref<200000x128xf32, #tpu.memory_space<hbm>>
    tpu.enqueue_indirect_dma source(%arg13 : memref<128x128xf32, #tpu.memory_space<vmem>>) target(%dma_start3A_280 : memref<200000x128xf32, #tpu.memory_space<hbm>>) offsets(%arg15 : memref<128xi32, #tpu.memory_space<vmem>>) semaphore(%arg25 : memref<!tpu.dma_semaphore, #tpu.memory_space<semaphore_mem>>)
    %dma_wait3A_281 = arith.constant 0 : i32
    %dma_wait3A_282 = arith.constant 0 : i32
    %dma_wait3A_283 = tpu.memref_slice %arg6[%dma_wait3A_281, %dma_wait3A_282] : memref<200000x128xf32, #tpu.memory_space<hbm>> -> memref<128x128xf32, #tpu.memory_space<hbm>>
    %dma_wait3A_284 = arith.constant 0 : i32
    %dma_wait3A_285 = arith.constant 0 : i32
    %dma_wait3A_286 = tpu.memref_slice %arg6[%dma_wait3A_284, %dma_wait3A_285] : memref<200000x128xf32, #tpu.memory_space<hbm>> -> memref<128x128xf32, #tpu.memory_space<hbm>>
    tpu.wait_dma2 semaphore(%arg22 : memref<!tpu.dma_semaphore, #tpu.memory_space<semaphore_mem>>) src(%arg10 : memref<128x128xf32, #tpu.memory_space<vmem>>) dst(%dma_wait3A_286 : memref<128x128xf32, #tpu.memory_space<hbm>>)
    %dma_wait3A_287 = arith.constant 0 : i32
    %dma_wait3A_288 = arith.constant 0 : i32
    %dma_wait3A_289 = tpu.memref_slice %arg7[%dma_wait3A_287, %dma_wait3A_288] : memref<200000x128xf32, #tpu.memory_space<hbm>> -> memref<128x128xf32, #tpu.memory_space<hbm>>
    %dma_wait3A_290 = arith.constant 0 : i32
    %dma_wait3A_291 = arith.constant 0 : i32
    %dma_wait3A_292 = tpu.memref_slice %arg7[%dma_wait3A_290, %dma_wait3A_291] : memref<200000x128xf32, #tpu.memory_space<hbm>> -> memref<128x128xf32, #tpu.memory_space<hbm>>
    tpu.wait_dma2 semaphore(%arg24 : memref<!tpu.dma_semaphore, #tpu.memory_space<semaphore_mem>>) src(%arg12 : memref<128x128xf32, #tpu.memory_space<vmem>>) dst(%dma_wait3A_292 : memref<128x128xf32, #tpu.memory_space<hbm>>)
    %dma_wait3A_293 = arith.constant 0 : i32
    %dma_wait3A_294 = arith.constant 0 : i32
    %dma_wait3A_295 = tpu.memref_slice %arg6[%dma_wait3A_293, %dma_wait3A_294] : memref<200000x128xf32, #tpu.memory_space<hbm>> -> memref<128x128xf32, #tpu.memory_space<hbm>>
    %dma_wait3A_296 = arith.constant 0 : i32
    %dma_wait3A_297 = arith.constant 0 : i32
    %dma_wait3A_298 = tpu.memref_slice %arg6[%dma_wait3A_296, %dma_wait3A_297] : memref<200000x128xf32, #tpu.memory_space<hbm>> -> memref<128x128xf32, #tpu.memory_space<hbm>>
    tpu.wait_dma2 semaphore(%arg23 : memref<!tpu.dma_semaphore, #tpu.memory_space<semaphore_mem>>) src(%arg11 : memref<128x128xf32, #tpu.memory_space<vmem>>) dst(%dma_wait3A_298 : memref<128x128xf32, #tpu.memory_space<hbm>>)
    %dma_wait3A_299 = arith.constant 0 : i32
    %dma_wait3A_300 = arith.constant 0 : i32
    %dma_wait3A_301 = tpu.memref_slice %arg7[%dma_wait3A_299, %dma_wait3A_300] : memref<200000x128xf32, #tpu.memory_space<hbm>> -> memref<128x128xf32, #tpu.memory_space<hbm>>
    %dma_wait3A_302 = arith.constant 0 : i32
    %dma_wait3A_303 = arith.constant 0 : i32
    %dma_wait3A_304 = tpu.memref_slice %arg7[%dma_wait3A_302, %dma_wait3A_303] : memref<200000x128xf32, #tpu.memory_space<hbm>> -> memref<128x128xf32, #tpu.memory_space<hbm>>
    tpu.wait_dma2 semaphore(%arg25 : memref<!tpu.dma_semaphore, #tpu.memory_space<semaphore_mem>>) src(%arg13 : memref<128x128xf32, #tpu.memory_space<vmem>>) dst(%dma_wait3A_304 : memref<128x128xf32, #tpu.memory_space<hbm>>)
    return
  }
}

module attributes {stable_mosaic.version = 14 : i64} {
  func.func @_tc_copy_body(%arg0: i32, %arg1: memref<2000x128xf32, #tpu.memory_space<vmem>>, %arg2: memref<2000x128xf32, #tpu.memory_space<vmem>>, %arg3: memref<2000x128xf32, #tpu.memory_space<vmem>>, %arg4: memref<2000x128xf32, #tpu.memory_space<vmem>>) attributes {dimension_semantics = [#tpu.dimension_semantics<arbitrary>], iteration_bounds = array<i64: 100>, scalar_prefetch = 0 : i64, scratch_operands = 0 : i64, tpu.core_type = #tpu.core_type<tc>, window_params = [{transform_indices = @transform_0, window_bounds = array<i64: 2000, 128>}, {transform_indices = @transform_1, window_bounds = array<i64: 2000, 128>}, {transform_indices = @transform_2, window_bounds = array<i64: 2000, 128>}, {transform_indices = @transform_3, window_bounds = array<i64: 2000, 128>}]} {
    %get3A = arith.constant 0 : index
    %get3A_0 = arith.constant 0 : index
    %get3A_1 = vector.load %arg1[%get3A, %get3A_0] : memref<2000x128xf32, #tpu.memory_space<vmem>>, vector<2000x128xf32>
    %swap3A = arith.constant 0 : index
    %swap3A_2 = arith.constant 0 : index
    %swap3A_3 = vector.load %arg3[%swap3A, %swap3A_2] : memref<2000x128xf32, #tpu.memory_space<vmem>>, vector<2000x128xf32>
    tpu.vector_store %arg3[%swap3A, %swap3A_2], %get3A_1 {strides = array<i32>} : memref<2000x128xf32, #tpu.memory_space<vmem>>, vector<2000x128xf32>,
    %get3A_4 = arith.constant 0 : index
    %get3A_5 = arith.constant 0 : index
    %get3A_6 = vector.load %arg2[%get3A_4, %get3A_5] : memref<2000x128xf32, #tpu.memory_space<vmem>>, vector<2000x128xf32>
    %swap3A_7 = arith.constant 0 : index
    %swap3A_8 = arith.constant 0 : index
    %swap3A_9 = vector.load %arg4[%swap3A_7, %swap3A_8] : memref<2000x128xf32, #tpu.memory_space<vmem>>, vector<2000x128xf32>
    tpu.vector_store %arg4[%swap3A_7, %swap3A_8], %get3A_6 {strides = array<i32>} : memref<2000x128xf32, #tpu.memory_space<vmem>>, vector<2000x128xf32>,
    return
  }
  func.func @transform_0(%arg0: i32) -> (i32, i32) {
    %c0_i32 = arith.constant 0 : i32
    %c0_i32_0 = arith.constant 0 : i32
    return %arg0, %c0_i32 : i32, i32
  }
  func.func @transform_1(%arg0: i32) -> (i32, i32) {
    %c0_i32 = arith.constant 0 : i32
    %c0_i32_0 = arith.constant 0 : i32
    return %arg0, %c0_i32 : i32, i32
  }
  func.func @transform_2(%arg0: i32) -> (i32, i32) {
    %c0_i32 = arith.constant 0 : i32
    %c0_i32_0 = arith.constant 0 : i32
    return %arg0, %c0_i32 : i32, i32
  }
  func.func @transform_3(%arg0: i32) -> (i32, i32) {
    %c0_i32 = arith.constant 0 : i32
    %c0_i32_0 = arith.constant 0 : i32
    return %arg0, %c0_i32 : i32, i32
  }
}

</mosaic_0001>

<sc_bundles>
// kernel: gather_offload_async_start
scs
__scs_entry_jumppad:
0x0: {  	(pc) =	sbr.rel $0x88, $3  }
0x1: {  	(tag) =	ssettag $0x0;
	lr =	simm.s32 $0x1  }
0x2: {  	[smem:$0x3F9C] =	sst lr;
	_ =	strace $0xD0000000  }
0x3: {  	_ = 	snop  }
0x4: {  	_ = 	snop  }
0x5: {  	_ = 	snop  }
0x6: {  	_ = 	snop  }
0x7: {  	_ = 	snop  }
__scs_overlays_trampoline_lowered:
0x8: {  	[smem:$0x3FAB] =	sst s0  }
0x9: {  	[smem:$0x3FAC] =	sst s1  }
0xa: {  	[smem:$0x3FAD] =	sst s2  }
0xb: {  	[smem:$0x3FAE] =	sst s3  }
0xc: {  	[smem:$0x3FAF] =	sst s4  }
0xd: {  	[smem:$0x3FB0] =	sst s5  }
0xe: {  	[smem:$0x3FB1] =	sst s6  }
0xf: {  	[smem:$0x3FB2] =	sst s7  }
0x10: {  	[smem:$0x3FB3] =	sst s8  }
0x11: {  	[smem:$0x3FB4] =	sst s9;
	s0 =	simm.s32 @!p0 $0x0  }
0x12: {  	s1 =	sld [smem:$0x3F9A];
	s0 =	simm.s32 @p0 $0x1  }
0x13: {  	[smem:$0x3FB5] =	sst s0;
	s0 =	simm.s32 @!p1 $0x0  }
0x14: {  	s2 =	sld [smem:$0x3F99];
	s0 =	simm.s32 @p1 $0x1  }
0x15: {  	[smem:$0x3FB6] =	sst s0;
	s0 =	simm.s32 @!p2 $0x0  }
0x16: {  	s3 =	sld [smem:$0x3FDB];
	s0 =	simm.s32 @p2 $0x1  }
0x17: {  	s4 =	simm.s32 $0x1BF5;
	[smem:$0x3FB8] =	sst s0  }
0x18: {  	s0 =	sld [smem:$0x3F9B];
	_ =	swait.ge [sflag:s4], $0x0  }
0x19: {  	s7 =	sld [smem:$0x3F9C]  }
0x1a: {  	s8 =	sadd.s32 $0xFFFFE003, lr  }
0x1b: {  	s9 =	sadd.s32 $0xFFFFFEF7, lr;
	s5 =	simm.s32 $0xFFFFFFFF;
	p2 =	slt.u32 s8, $0xFFFFF086  }
0x1c: {  	p1 =	slt.u32 s9, $0xF7A;
	s5 =	simm.s32 @!p2 $0x0  }
0x1d: {  	s5 =	simm.s32 @p1 $0x1;
	p0 =	seq.s32 s7, s2  }
0x1e: {  	s7 =	smul.u32 @!p0 $0xF7A, s2;
	p2 =	seq.s32 @!p0 s5, $0x0  }
0x1f: {  	s9 =	smul.u32 $0xF7A, s1;
	s8 =	simm.s32 @!p0 $0x1BF5;
	p2 =	por !p2, p0  }
0x20: {  	[sflag:s8] =	ssyncset.s32 @!p0 $0xFFFFF086;
	s6 =	sadd.s32 @!p0 s3, s7;
	s7 =	simm.s32 @!p0 $0x108  }
0x21: {  	s3 =	sadd.s32 s3, s9;
	s6 =	sadd.s32 @!p0 $0x88, s6;
	s7 =	simm.s32 @p2 $0x1082  }
0x22: {  	[simem:s7], [sflag:s8] =	dma.local @!p0 [hbm:s6], $0xF7A  }
0x23: {  	s9 =	sor.u32 $0xD0000000, s2;
	s6 =	simm.s32 $0x108;
	_ =	swait.ge @!p0 [sflag:s8], $0x0  }
0x24: {  	s3 =	sadd.s32 $0x88, s3;
	s6 =	simm.s32 @!p1 $0x1082;
	[sflag:s4] =	ssyncset.s32 $0xFFFFF086  }
0x25: {  	[simem:s6], [sflag:s4] =	dma.local [hbm:s3], $0xF7A  }
0x26: {  	[smem:$0x3F9C] =	sst s1;
	(tag) =	ssettag s2;
	_ =	strace s9  }
0x27: {  	s1 =	sld [smem:$0x3FAC]  }
0x28: {  	s2 =	sld [smem:$0x3FAD]  }
0x29: {  	s4 =	sld [smem:$0x3FAF]  }
0x2a: {  	p0 =	seq.s32 s5, $0x0;
	s5 =	sld [smem:$0x3FB0]  }
0x2b: {  	s6 =	sld [smem:$0x3FB1]  }
0x2c: {  	s7 =	sld [smem:$0x3FB2]  }
0x2d: {  	s3 =	simm.s32 $0x108;
	s8 =	sld [smem:$0x3FB3]  }
0x2e: {  	s3 =	simm.s32 @!p0 $0x1082;
	s9 =	sld [smem:$0x3FB4]  }
0x2f: {  	lr =	sadd.s32 s0, s3;
	s0 =	sld [smem:$0x3FAB]  }
0x30: {  	s3 =	sld [smem:$0x3FAE]  }
0x31: {  	[smem:$0x3FB7] =	sst s10  }
0x32: {  	s10 =	sld [smem:$0x3FB5];
	_ =	sdelay $0x3  }
0x33: {  	p0 =	seq.s32 s10, $0x1;
	s10 =	sld [smem:$0x3FB7];
	_ =	sdelay $0x3  }
0x34: {  	[smem:$0x3FB7] =	sst s10  }
0x35: {  	s10 =	sld [smem:$0x3FB6];
	_ =	sdelay $0x3  }
0x36: {  	p1 =	seq.s32 s10, $0x1;
	s10 =	sld [smem:$0x3FB7];
	_ =	sdelay $0x3  }
0x37: {  	[smem:$0x3FB7] =	sst s10  }
0x38: {  	s10 =	sld [smem:$0x3FB8]  }
0x39: {  	_ = 	snop;
	(pc) =	sbr.ind lr, $3  }
0x3a: {  	_ = 	snop  }
0x3b: {  	_ = 	snop  }
0x3c: {  	p2 =	seq.s32 s10, $0x1;
	s10 =	sld [smem:$0x3FB7]  }
0x3d: {  	_ =	shalt  }
0x3e: {  	_ =	shalt  }
0x3f: {  	_ =	shalt  }
0x40: {  	_ =	shalt  }
0x41: {  	_ =	shalt  }
0x42: {  	_ =	shalt  }
0x43: {  	_ =	shalt  }
0x44: {  	_ =	shalt  }
0x45: {  	_ =	shalt  }
0x46: {  	_ =	shalt  }
0x47: {  	_ =	shalt  }
0x48: {  	_ =	shalt  }
0x49: {  	_ =	shalt  }
0x4a: {  	_ =	shalt  }
0x4b: {  	_ =	shalt  }
0x4c: {  	_ =	shalt  }
0x4d: {  	_ =	shalt  }
0x4e: {  	_ =	shalt  }
0x4f: {  	_ =	shalt  }
0x50: {  	_ =	shalt  }
0x51: {  	_ =	shalt  }
0x52: {  	_ =	shalt  }
0x53: {  	_ =	shalt  }
0x54: {  	_ =	shalt  }
0x55: {  	_ =	shalt  }
0x56: {  	_ =	shalt  }
0x57: {  	_ =	shalt  }
0x58: {  	_ =	shalt  }
0x59: {  	_ =	shalt  }
0x5a: {  	_ =	shalt  }
0x5b: {  	_ =	shalt  }
0x5c: {  	_ =	shalt  }
0x5d: {  	_ =	shalt  }
0x5e: {  	_ =	shalt  }
0x5f: {  	_ =	shalt  }
0x60: {  	_ =	shalt  }
0x61: {  	_ =	shalt  }
0x62: {  	_ =	shalt  }
0x63: {  	_ =	shalt  }
0x64: {  	_ =	shalt  }
0x65: {  	_ =	shalt  }
0x66: {  	_ =	shalt  }
0x67: {  	_ =	shalt  }
0x68: {  	_ =	shalt  }
0x69: {  	_ =	shalt  }
0x6a: {  	_ =	shalt  }
0x6b: {  	_ =	shalt  }
0x6c: {  	_ =	shalt  }
0x6d: {  	_ =	shalt  }
0x6e: {  	_ =	shalt  }
0x6f: {  	_ =	shalt  }
0x70: {  	_ =	shalt  }
0x71: {  	_ =	shalt  }
0x72: {  	_ =	shalt  }
0x73: {  	_ =	shalt  }
0x74: {  	_ =	shalt  }
0x75: {  	_ =	shalt  }
0x76: {  	_ =	shalt  }
0x77: {  	_ =	shalt  }
0x78: {  	_ =	shalt  }
0x79: {  	_ =	shalt  }
0x7a: {  	_ =	shalt  }
0x7b: {  	_ =	shalt  }
0x7c: {  	_ =	shalt  }
0x7d: {  	_ =	shalt  }
0x7e: {  	_ =	shalt  }
0x7f: {  	_ =	shalt  }
0x80: {  	_ =	shalt  }
0x81: {  	_ =	shalt  }
0x82: {  	_ =	shalt  }
0x83: {  	_ =	shalt  }
0x84: {  	_ =	shalt  }
0x85: {  	_ =	shalt  }
0x86: {  	_ =	shalt  }
0x87: {  	_ =	shalt  }
.Lfunc_end0:
.L_simem_size_0:
called_computation_lowered:
.L_overlay_start_0:
0x88: {  	s2 =	sld [smem:$0x3FD9]  }
0x89: {  	s3 =	sld [smem:$0x3FFE];
	_ =	sdelay $0x1  }
0x8a: {  	s1 =	srdreg.scid  }
0x8b: {  	s0 =	sand.u32 $0x1, s1  }
0x8c: {  	s16 =	sshll.u32 s0, $0xA;
	s2 =	sadd.s32 s3, s2  }
0x8d: {  	s2 =	sadd.s32 s2, s16  }
0x8e: {  	[smem:$0x3FC3] =	sst s2  }
0x8f: {  	_ = 	snop  }
0x90: {  	(tm) =	ssettm $0x1  }
0x91: {  	s17 =	sld [smem:$0x3FFB];
	_ =	sdelay $0x3  }
0x92: {  	_ =	strace s17  }
0x93: {  	s2 =	sld [smem:$0x3FFC];
	_ =	sdelay $0x3  }
0x94: {  	_ =	strace s2  }
0x95: {  	s2 =	sld [smem:$0x3FFD];
	_ =	sdelay $0x3  }
0x96: {  	_ =	strace s2  }
0x97: {  	_ =	strace $0x8FFFFFFF  }
0x98: {  	s18 =	sld [smem:$0x3FDB];
	_ =	sdelay $0x1  }
0x99: {  	s19 =	simm.s32 $_scs_section_size  }
0x9a: {  	s4 =	simm.s32 $_size__tile_overlayer_lowered;
	s5 =	simm.s32 $_tile_overlayer_lowered  }
0x9b: {  	s22 =	simm.s32 $0x1BFF;
	s21 =	sshll.u32 s5, $0x1;
	s2 =	sadd.s32 s19, s18  }
0x9c: {  	s6 =	simm.s32 $0x0;
	s20 =	sshll.u32 s4, $0x1;
	s4 =	sadd.s32 s21, s2  }
0x9d: {  	[timem:s6], [sflag:s22] =	dma.local [hbm:s4], s20  }
0x9e: {  	_ =	swait.ge [sflag:s22], s20  }
0x9f: {  	s3 =	ssub.s32 $0x0, s20;
	[sflag:s22] =	ssyncset.done $0x0  }
0xa0: {  	[sflag:s22] =	ssyncadd.s32 s3;
	_ =	sdelay $0x1  }
0xa1: {  	s23 =	simm.s32 $0x1B8B  }
0xa2: {  	_ =	swait.ge [sflag:s23], $0x1  }
0xa3: {  	[sflag:s23] =	ssyncset.done $0x0  }
0xa4: {  	s25 =	simm.s32 $0x1B8E;
	s24 =	sld [smem:$0x3FFE];
	[sflag:s23] =	ssyncadd.s32 $0xFFFFFFFF  }
0xa5: {  	s26 =	simm.s32 $execute0_lowered;
	[smem:$0x3FD2] =	sst s25  }
0xa6: {  	s4 =	sshll.u32 s26, $0x1;
	_ =	strace $0x80000046;
	[dreg:$0x1] =	wrdreg $0xFFFFFFFF  }
0xa7: {  	s28 =	simm.s32 $_size_execute0_lowered;
	s2 =	sadd.s32 s2, s4;
	[dreg:$0x0] =	wrdreg $0x0  }
0xa8: {  	s4 =	sshll.u32 s28, $0x1;
	[dreg:$0x2] =	wrdreg s2  }
0xa9: {  	[dreg:$0x3] =	wrdreg s4  }
0xaa: {  	[dreg:$0x4] =	wrdreg $0xC0  }
0xab: {  	_ =	task [dreg:s6], $0x5FFFF  }
0xac: {  	[dreg:$0x1] =	wrdreg $0xFFFFFFFF  }
0xad: {  	[dreg:$0x0] =	wrdreg $0x60  }
0xae: {  	[dreg:$0x2] =	wrdreg s24  }
0xaf: {  	[dreg:$0x3] =	wrdreg $0xA  }
0xb0: {  	_ =	task.clear_ibuf [dreg:s6], $0x4FFFF;
	_ =	strace $0x90000046  }
0xb1: {  	s29 =	simm.s32 $0xA;
	_ =	strace $0x80000048  }
0xb2: {  	_ =	swait.ge [sflag:s29], $0x1  }
0xb3: {  	[sflag:s29] =	ssyncadd.s32 $0xFFFFFFFF  }
0xb4: {  	_ =	strace $0x90000048  }
0xb5: {  	_ =	sfence  }
0xb6: {  	s30 =	sld [smem:$0x0];
	_ =	sdelay $0x2  }
0xb7: {  	s31 =	sshll.u32 s1, $0xD;
	s1 =	sshrl.u32 s1, $0x2  }
0xb8: {  	s3 =	sand.u32 $0x4000, s31;
	s1 =	sadd.s32 s1, s30  }
0xb9: {  	s0 =	sor.u32 s3, s0;
	s1 =	sshll.u32 s1, $0x11  }
0xba: {  	s0 =	sor.u32 s1, s0  }
0xbb: {  	s0 =	sadd.s32 $0x8F2B, s0  }
0xbc: {  	[sflag:s0] =	ssyncadd.remote.s32 $0x1  }
0xbd: {  	_ =	sfence.sel $0xFFFF  }
0xbe: {  	[dreg:$0x0] =	wrdreg $0xFFFFFFFF;
	(pc) =	sbr.abs _section_cstart, $3  }
0xbf: {  	[dreg:$0x1] =	wrdreg $0xFFFFFFFF  }
0xc0: {  	_ =	task.clear_ibuf [dreg:s6], $0x2FFFF;
	_ =	strace $0x9FFFFFFF  }
0xc1: {  	(tm) =	ssettm $0x7FFFFFFF  }
tec
execute0_lowered:
.L_overlay_start_1:
0x0: {  	(tag) =	ssettag $0x1  }
0x1: {  	s0 =	srdreg.scid;
	s5 =	rddreg [dreg:$0x0]  }
0x2: {  	s1 =	stileid.u32;
	s6 =	simm.s32 $0x1;
	s9 =	simm.s32 $0x1  }
0x3: {  	s10 =	simm.s32 $0x3;
	s13 =	simm.s32 $0x0;
	s2 =	sshll.u32 s0, $0x8  }
0x4: {  	s12 =	simm.s32 $0x0;
	s3 =	sshll.u32 s1, $0x9;
	s2 =	sand.u32 $0x100, s2  }
0x5: {  	s0 =	rddreg [dreg:$0x1];
	_ =	strace $0x80000047;
	s2 =	sor.u32 s3, s2  }
0x6: {  	s4 =	sadd.s32 $0x800, s5;
	[sflag:s6] =	ssyncpa.u1 $0x0;
	s8 =	ssub.s32 $0x4000, s2  }
.Ltmp0:
0x7: {  	s3 =	sadd.s32 $0x1000, s5;
	s7 =	sand.u32 $0x1F00, s8;
	(pc) =	sbr.rel .LBB2_1-.Ltmp0, $4  }
0x8: {  	s5 =	sadd.s32 $0x2800, s5;
	s11 =	smov.u32 s2;
	p0 =	sne.s32 s7, $0x0  }
0x9: {  	s8 =	sshrl.u32 s8, $0xD;
	s7 =	simm.s32 $0x2;
	s9 =	simm.s32 @!p0 $0x0  }
0xa: {  	[sflag:s7] =	ssyncpa.u1 $0x0;
	p0 =	por $0x0, $0x0;
	s8 =	sadd.s32 s9, s8  }
0xb: {  	vm0 =	vmmov $0xffff;
	[sflag:s10] =	ssyncpa.u1 $0x0;
	s10 =	simm.s32 $0x0;
	s9 =	sadd.s32 $0x1, s8  }
.LBB2_4:
0xc: {  	v2 =	vnsel vm1, $0x0, v2  }
0xd: {  	vm1 =	vgt.s32 v0, $0x0;
	v2 =	vmin.u32 v2, $0x3FFF  }
0xe: {  	v0 =	vnsel vm1, $0x0, v0  }
0xf: {  	v0 =	vmin.u32 v0, $0x3FFF  }
0x10: {  	[tilespmem:s15], [sflag:$0x1] =	stream.indirect_vreg.gather [hbm4b:s3+s10], $0x1, v1, vm0, $0x4038;
	[tilespmem:$0x400] =	vst v63  }
0x11: {  	(ifvalue) =	ssetifvalue $0x7FFFFFFF  }
0x12: {  	[tilespmem:s16], [sflag:$0x1] =	stream.indirect_vreg.gather [hbm4b:s3+s10], $0x1, v2, vm0, $0x4038;
	[tilespmem:$0x400] =	vst v63  }
0x13: {  	s29 =	sadd.s32 $0x10, s16;
	(ifvalue) =	ssetifvalue $0x7FFFFFFF  }
0x14: {  	[tilespmem:s29], [sflag:$0x1] =	stream.indirect_vreg.gather [hbm4b:s3+s10], $0x1, v0, vm0, $0x4038;
	[tilespmem:$0x400] =	vst v63  }
0x15: {  	_ =	swait.ge [sflag:s6], $0x100  }
0x16: {  	s30 =	sshrl.u32 s13, $0x3;
	[sflag:s6] =	ssyncset.done $0x0  }
0x17: {  	s31 =	sand.u32 $0x7, s13;
	s15 =	sadd.s32 s5, s30;
	[sflag:s6] =	ssyncadd.s32 $0xFFFFFF00  }
0x18: {  	[hbm4b:s15+s31] =	stream.linear.scatter [tilespmem:s14], [sflag:$0x3], $0x100, $0x38;
	[tilespmem:$0x400] =	vst v63  }
.LBB2_5:
0x19: {  	s15 =	sadd.s32 $0x2000, s11  }
0x1a: {  	p2 =	sgt.s32 s15, $0x3FFF  }
0x1b: {  	s15 =	smov.u32 @p2 s2;
	p2 =	sne.s32 s12, s9  }
.Ltmp1:
0x1c: {  	p1 =	slt.u32 s12, $0x2;
	(pc) =	sbr.rel @!p2 .LBB2_6-.Ltmp1, $4  }
0x1d: {  	s14 =	simm.s32 @!p1 $0x3  }
0x1e: {  	s16 =	sadd.s32 $0x1, s12;
	_ =	swait.ge @!p1 [sflag:s14], $0x100  }
0x1f: {  	s13 =	smov.u32 s11;
	p0 =	por !p0, !p0;
	[sflag:s14] =	ssyncset.done @!p1 $0x0  }
0x20: {  	s12 =	smov.u32 s16;
	s11 =	smov.u32 s15;
	[sflag:s14] =	ssyncadd.s32 @!p1 $0xFFFFFF00  }
.LBB2_1:
0x21: {  	p1 =	sge.u32 s12, s8  }
0x22: {  	s14 =	sxor.u32 @!p1 $0xFFFFFFFF, s12  }
0x23: {  	s31 =	sadd.s32 $0xFFFFFFFF, s12;
	s15 =	sshrl.u32 @!p1 s11, $0x3;
	s14 =	sshll.u32 @!p1 s14, $0x8  }
0x24: {  	s16 =	sand.u32 @!p1 $0x7, s11;
	s15 =	sadd.s32 @!p1 s4, s15;
	s14 =	sand.u32 @!p1 $0x100, s14  }
0x25: {  	[tilespmem:s14], [sflag:$0x2] =	stream.linear.gather @!p1 [hbm4b:s15+s16], $0x100, $0x38;
	[tilespmem:$0x400] =	vst v63  }
0x26: {  	p1 =	sge.u32 s31, s8  }
.Ltmp2:
0x27: {  	_ = 	snop;
	(pc) =	sbr.rel @p1 .LBB2_5-.Ltmp2, $1  }
0x28: {  	_ =	sdelay $0x3  }
0x29: {  	s14 =	simm.s32 $0x1  }
0x2a: {  	_ =	swait.ge [sflag:s7], $0x100;
	s14 =	simm.s32 @!p0 $0x0  }
0x2b: {  	[sflag:s7] =	ssyncset.done $0x0;
	s14 =	sshll.u32 s14, $0x8  }
0x2c: {  	[sflag:s7] =	ssyncadd.s32 $0xFFFFFF00;
	(ifvalue) =	ssetifvalue $0x7FFFFFFF;
	v0 =	vld.msk [tilespmem:s14+$0x0 ss:$0x1], $0xffff;
	_ =	sdelay $0x4  }
0x2d: {  	s15 =	sadd.s32 $0x10, s14;
	vm1 =	vgt.s32 v0, $0x0  }
0x2e: {  	v2 =	vld.msk [tilespmem:s15+$0x0 ss:$0x1], $0xffff;
	v1 =	vnsel vm1, $0x0, v0  }
0x2f: {  	v1 =	vmin.u32 v1, $0x3FFF;
	_ =	sdelay $0x1  }
0x30: {  	s16 =	sshll.u32 s12, $0x8;
	s18 =	simm.s32 $0x20  }
0x31: {  	s16 =	sand.u32 $0x100, s16;
	s17 =	sadd.s32 $0x10, s15;
	s15 =	sor.u32 $0x200, s14  }
0x32: {  	s14 =	sor.u32 $0x200, s16;
	s16 =	sadd.s32 $0x10, s15;
	v0 =	vld.msk [tilespmem:s17+$0x0 ss:$0x1], $0xffff;
	vm1 =	vgt.s32 v2, $0x0;
	(ifvalue) =	ssetifvalue $0x7FFFFFFF  }
.LBB2_3:
0x33: {  	[tilespmem:s15], [sflag:$0x1] =	stream.indirect_vreg.gather [hbm4b:s3+s10], $0x1, v1, vm0, $0x4038;
	[tilespmem:$0x400] =	vst v63  }
0x34: {  	s18 =	sadd.s32 $0x10, s18  }
0x35: {  	v2 =	vnsel vm1, $0x0, v2;
	p1 =	slt.u32 s18, $0xF0  }
.Ltmp3:
0x36: {  	s15 =	smov.u32 s16;
	v1 =	vmin.u32 v2, $0x3FFF;
	(pc) =	sbr.rel @p1 .LBB2_3-.Ltmp3, $3  }
0x37: {  	_ =	sdelay $0x1  }
0x38: {  	s17 =	sadd.s32 $0x10, s17  }
0x39: {  	vm1 =	vgt.s32 v0, $0x0;
	s16 =	sadd.s32 $0x10, s16;
	v2 =	vmov v0;
	(ifvalue) =	ssetifvalue $0x7FFFFFFF;
	v0 =	vld.msk [tilespmem:s17+$0x0 ss:$0x1], $0xffff  }
.Ltmp4:
0x3a: {  	_ = 	snop;
	(pc) =	sbr.rel .LBB2_4-.Ltmp4, $1  }
0x3b: {  	_ =	sdelay $0x3  }
.LBB2_6:
0x3c: {  	_ =	sfence.sel $0x180000  }
0x3d: {  	s2 =	simm.s32 $0x2;
	[bflag:$0x0] =	sbarrier.arrive $0xFFFF  }
0x3e: {  	s30 =	simm.s32 $0x3;
	[sflag:s2] =	ssyncpa.u1 $0x1  }
0x3f: {  	s31 =	simm.s32 $0x1;
	[sflag:s30] =	ssyncpa.u1 $0x1  }
0x40: {  	[sflag:s31] =	ssyncpa.u1 $0x1  }
0x41: {  	p0 =	sne.s32 s1, $0x0;
	_ =	strace $0x90000047  }
0x42: {  	s0 =	sadd.s32 @!p0 $0x100000, s0;
	[bflag:$0x2] =	sbarrier.arrive $0xFFFF  }
0x43: {  	[sflag:s0] =	ssyncadd.tile.s32 @!p0 $0x1;
	_ =	shalt  }
.Lfunc_end2:
_tile_overlayer_lowered:
.L_overlay_start_2:
0x44: {  	(tag) =	ssettag $0x2  }
0x45: {  	s0 =	rddreg [dreg:$0x0];
	s2 =	stileid.u32  }
0x46: {  	s1 =	rddreg [dreg:$0x1];
	p0 =	sne.s32 s2, $0x0  }
0x47: {  	s3 =	rddreg [dreg:$0x2];
	[bflag:$0x3] =	sbarrier.arrive $0xFFFF;
	s2 =	simm.s32 @!p0 $0x1C01  }
0x48: {  	[timem:s3], [sflag:s2] =	dma.local @!p0 [hbm:s0], s1  }
0x49: {  	s0 =	simm.s32 @!p0 $0x1  }
0x4a: {  	_ =	swait.ge @!p0 [sflag:s0], s1  }
0x4b: {  	s1 =	ssub.s32 @!p0 $0x0, s1;
	[sflag:s0] =	ssyncset.done @!p0 $0x0  }
0x4c: {  	[sflag:s0] =	ssyncadd.s32 @!p0 s1  }
0x4d: {  	[bflag:$0x3] =	sbarrier.arrive $0xFFFF  }
0x4e: {  	_ =	shalt  }

// kernel: kernel.5.cloned.1.call-start
scs
__scs_entry_jumppad:
0x0: {  	(pc) =	sbr.rel $0x88, $3  }
0x1: {  	(tag) =	ssettag $0x0;
	lr =	simm.s32 $0x1  }
0x2: {  	[smem:$0x3F9C] =	sst lr;
	_ =	strace $0xD0000000  }
0x3: {  	_ = 	snop  }
0x4: {  	_ = 	snop  }
0x5: {  	_ = 	snop  }
0x6: {  	_ = 	snop  }
0x7: {  	_ = 	snop  }
__scs_overlays_trampoline_lowered:
0x8: {  	[smem:$0x3FAB] =	sst s0  }
0x9: {  	[smem:$0x3FAC] =	sst s1  }
0xa: {  	[smem:$0x3FAD] =	sst s2  }
0xb: {  	[smem:$0x3FAE] =	sst s3  }
0xc: {  	[smem:$0x3FAF] =	sst s4  }
0xd: {  	[smem:$0x3FB0] =	sst s5  }
0xe: {  	[smem:$0x3FB1] =	sst s6  }
0xf: {  	[smem:$0x3FB2] =	sst s7  }
0x10: {  	[smem:$0x3FB3] =	sst s8  }
0x11: {  	[smem:$0x3FB4] =	sst s9;
	s0 =	simm.s32 @!p0 $0x0  }
0x12: {  	s1 =	sld [smem:$0x3F9A];
	s0 =	simm.s32 @p0 $0x1  }
0x13: {  	[smem:$0x3FB5] =	sst s0;
	s0 =	simm.s32 @!p1 $0x0  }
0x14: {  	s2 =	sld [smem:$0x3F99];
	s0 =	simm.s32 @p1 $0x1  }
0x15: {  	[smem:$0x3FB6] =	sst s0;
	s0 =	simm.s32 @!p2 $0x0  }
0x16: {  	s3 =	sld [smem:$0x3FDB];
	s0 =	simm.s32 @p2 $0x1  }
0x17: {  	s4 =	simm.s32 $0x1BF5;
	[smem:$0x3FB8] =	sst s0  }
0x18: {  	s0 =	sld [smem:$0x3F9B];
	_ =	swait.ge [sflag:s4], $0x0  }
0x19: {  	s7 =	sld [smem:$0x3F9C]  }
0x1a: {  	s8 =	sadd.s32 $0xFFFFE003, lr  }
0x1b: {  	s9 =	sadd.s32 $0xFFFFFEF7, lr;
	s5 =	simm.s32 $0xFFFFFFFF;
	p2 =	slt.u32 s8, $0xFFFFF086  }
0x1c: {  	p1 =	slt.u32 s9, $0xF7A;
	s5 =	simm.s32 @!p2 $0x0  }
0x1d: {  	s5 =	simm.s32 @p1 $0x1;
	p0 =	seq.s32 s7, s2  }
0x1e: {  	s7 =	smul.u32 @!p0 $0xF7A, s2;
	p2 =	seq.s32 @!p0 s5, $0x0  }
0x1f: {  	s9 =	smul.u32 $0xF7A, s1;
	s8 =	simm.s32 @!p0 $0x1BF5;
	p2 =	por !p2, p0  }
0x20: {  	[sflag:s8] =	ssyncset.s32 @!p0 $0xFFFFF086;
	s6 =	sadd.s32 @!p0 s3, s7;
	s7 =	simm.s32 @!p0 $0x108  }
0x21: {  	s3 =	sadd.s32 s3, s9;
	s6 =	sadd.s32 @!p0 $0x88, s6;
	s7 =	simm.s32 @p2 $0x1082  }
0x22: {  	[simem:s7], [sflag:s8] =	dma.local @!p0 [hbm:s6], $0xF7A  }
0x23: {  	s9 =	sor.u32 $0xD0000000, s2;
	s6 =	simm.s32 $0x108;
	_ =	swait.ge @!p0 [sflag:s8], $0x0  }
0x24: {  	s3 =	sadd.s32 $0x88, s3;
	s6 =	simm.s32 @!p1 $0x1082;
	[sflag:s4] =	ssyncset.s32 $0xFFFFF086  }
0x25: {  	[simem:s6], [sflag:s4] =	dma.local [hbm:s3], $0xF7A  }
0x26: {  	[smem:$0x3F9C] =	sst s1;
	(tag) =	ssettag s2;
	_ =	strace s9  }
0x27: {  	s1 =	sld [smem:$0x3FAC]  }
0x28: {  	s2 =	sld [smem:$0x3FAD]  }
0x29: {  	s4 =	sld [smem:$0x3FAF]  }
0x2a: {  	p0 =	seq.s32 s5, $0x0;
	s5 =	sld [smem:$0x3FB0]  }
0x2b: {  	s6 =	sld [smem:$0x3FB1]  }
0x2c: {  	s7 =	sld [smem:$0x3FB2]  }
0x2d: {  	s3 =	simm.s32 $0x108;
	s8 =	sld [smem:$0x3FB3]  }
0x2e: {  	s3 =	simm.s32 @!p0 $0x1082;
	s9 =	sld [smem:$0x3FB4]  }
0x2f: {  	lr =	sadd.s32 s0, s3;
	s0 =	sld [smem:$0x3FAB]  }
0x30: {  	s3 =	sld [smem:$0x3FAE]  }
0x31: {  	[smem:$0x3FB7] =	sst s10  }
0x32: {  	s10 =	sld [smem:$0x3FB5];
	_ =	sdelay $0x3  }
0x33: {  	p0 =	seq.s32 s10, $0x1;
	s10 =	sld [smem:$0x3FB7];
	_ =	sdelay $0x3  }
0x34: {  	[smem:$0x3FB7] =	sst s10  }
0x35: {  	s10 =	sld [smem:$0x3FB6];
	_ =	sdelay $0x3  }
0x36: {  	p1 =	seq.s32 s10, $0x1;
	s10 =	sld [smem:$0x3FB7];
	_ =	sdelay $0x3  }
0x37: {  	[smem:$0x3FB7] =	sst s10  }
0x38: {  	s10 =	sld [smem:$0x3FB8]  }
0x39: {  	_ = 	snop;
	(pc) =	sbr.ind lr, $3  }
0x3a: {  	_ = 	snop  }
0x3b: {  	_ = 	snop  }
0x3c: {  	p2 =	seq.s32 s10, $0x1;
	s10 =	sld [smem:$0x3FB7]  }
0x3d: {  	_ =	shalt  }
0x3e: {  	_ =	shalt  }
0x3f: {  	_ =	shalt  }
0x40: {  	_ =	shalt  }
0x41: {  	_ =	shalt  }
0x42: {  	_ =	shalt  }
0x43: {  	_ =	shalt  }
0x44: {  	_ =	shalt  }
0x45: {  	_ =	shalt  }
0x46: {  	_ =	shalt  }
0x47: {  	_ =	shalt  }
0x48: {  	_ =	shalt  }
0x49: {  	_ =	shalt  }
0x4a: {  	_ =	shalt  }
0x4b: {  	_ =	shalt  }
0x4c: {  	_ =	shalt  }
0x4d: {  	_ =	shalt  }
0x4e: {  	_ =	shalt  }
0x4f: {  	_ =	shalt  }
0x50: {  	_ =	shalt  }
0x51: {  	_ =	shalt  }
0x52: {  	_ =	shalt  }
0x53: {  	_ =	shalt  }
0x54: {  	_ =	shalt  }
0x55: {  	_ =	shalt  }
0x56: {  	_ =	shalt  }
0x57: {  	_ =	shalt  }
0x58: {  	_ =	shalt  }
0x59: {  	_ =	shalt  }
0x5a: {  	_ =	shalt  }
0x5b: {  	_ =	shalt  }
0x5c: {  	_ =	shalt  }
0x5d: {  	_ =	shalt  }
0x5e: {  	_ =	shalt  }
0x5f: {  	_ =	shalt  }
0x60: {  	_ =	shalt  }
0x61: {  	_ =	shalt  }
0x62: {  	_ =	shalt  }
0x63: {  	_ =	shalt  }
0x64: {  	_ =	shalt  }
0x65: {  	_ =	shalt  }
0x66: {  	_ =	shalt  }
0x67: {  	_ =	shalt  }
0x68: {  	_ =	shalt  }
0x69: {  	_ =	shalt  }
0x6a: {  	_ =	shalt  }
0x6b: {  	_ =	shalt  }
0x6c: {  	_ =	shalt  }
0x6d: {  	_ =	shalt  }
0x6e: {  	_ =	shalt  }
0x6f: {  	_ =	shalt  }
0x70: {  	_ =	shalt  }
0x71: {  	_ =	shalt  }
0x72: {  	_ =	shalt  }
0x73: {  	_ =	shalt  }
0x74: {  	_ =	shalt  }
0x75: {  	_ =	shalt  }
0x76: {  	_ =	shalt  }
0x77: {  	_ =	shalt  }
0x78: {  	_ =	shalt  }
0x79: {  	_ =	shalt  }
0x7a: {  	_ =	shalt  }
0x7b: {  	_ =	shalt  }
0x7c: {  	_ =	shalt  }
0x7d: {  	_ =	shalt  }
0x7e: {  	_ =	shalt  }
0x7f: {  	_ =	shalt  }
0x80: {  	_ =	shalt  }
0x81: {  	_ =	shalt  }
0x82: {  	_ =	shalt  }
0x83: {  	_ =	shalt  }
0x84: {  	_ =	shalt  }
0x85: {  	_ =	shalt  }
0x86: {  	_ =	shalt  }
0x87: {  	_ =	shalt  }
.Lfunc_end0:
.L_simem_size_0:
called_computation.1_lowered:
.L_overlay_start_0:
0x88: {  	s2 =	sld [smem:$0x3FD9]  }
0x89: {  	s3 =	sld [smem:$0x3FFE];
	_ =	sdelay $0x1  }
0x8a: {  	s1 =	srdreg.scid  }
0x8b: {  	s0 =	sand.u32 $0x1, s1  }
0x8c: {  	s15 =	sshll.u32 s0, $0xA;
	s2 =	sadd.s32 s3, s2  }
0x8d: {  	s2 =	sadd.s32 s2, s15  }
0x8e: {  	[smem:$0x3FC3] =	sst s2  }
0x8f: {  	_ = 	snop  }
0x90: {  	s4 =	sld [smem:$0x3FD0];
	_ =	sdelay $0x1  }
0x91: {  	s2 =	sld [smem:$0x3FC9]  }
0x92: {  	s6 =	simm.s32 $0xB;
	s5 =	simm.s32 $0x10;
	s16 =	sld [smem:$0x3FC8]  }
0x93: {  	[smem:s5], [sflag:s6] =	dma.local [hbm:s4], $0x1  }
0x94: {  	_ =	swait.eq [sflag:s6], $0x1  }
0x95: {  	[sflag:s6] =	ssyncset.done $0x0  }
0x96: {  	s17 =	sld [smem:$0x10];
	[sflag:s6] =	ssyncadd.s32 $0xFFFFFFFF  }
0x97: {  	s18 =	sld [smem:$0x11];
	(tm) =	ssettm $0x1  }
0x98: {  	s19 =	sld [smem:$0x3FFB];
	_ =	sdelay $0x3  }
0x99: {  	_ =	strace s19  }
0x9a: {  	s4 =	sld [smem:$0x3FFC];
	_ =	sdelay $0x3  }
0x9b: {  	_ =	strace s4  }
0x9c: {  	s4 =	sld [smem:$0x3FFD];
	_ =	sdelay $0x3  }
0x9d: {  	_ =	strace s4  }
0x9e: {  	_ =	strace $0x8FFFFFFF  }
0x9f: {  	s20 =	sld [smem:$0x3FDB];
	_ =	sdelay $0x1  }
0xa0: {  	s7 =	simm.s32 $_scs_section_size  }
0xa1: {  	s8 =	simm.s32 $_size__tile_overlayer_lowered;
	s9 =	simm.s32 $_tile_overlayer_lowered  }
0xa2: {  	s10 =	simm.s32 $0x1BFF;
	s21 =	sshll.u32 s9, $0x1;
	s7 =	sadd.s32 s7, s20  }
0xa3: {  	s22 =	simm.s32 $0x0;
	s8 =	sshll.u32 s8, $0x1;
	s9 =	sadd.s32 s21, s7  }
0xa4: {  	[timem:s22], [sflag:s10] =	dma.local [hbm:s9], s8  }
0xa5: {  	_ =	swait.ge [sflag:s10], s8  }
0xa6: {  	s8 =	ssub.s32 $0x0, s8;
	[sflag:s10] =	ssyncset.done $0x0  }
0xa7: {  	[sflag:s10] =	ssyncadd.s32 s8;
	_ =	sdelay $0x1  }
0xa8: {  	s23 =	simm.s32 $0x1B8B  }
0xa9: {  	_ =	swait.ge [sflag:s23], $0x1  }
0xaa: {  	[sflag:s23] =	ssyncset.done $0x0  }
0xab: {  	[sflag:s23] =	ssyncadd.s32 $0xFFFFFFFF  }
0xac: {  	s8 =	sld [smem:$0x0]  }
0xad: {  	s9 =	sand.u32 $0xFFFFFFFE, s1  }
0xae: {  	p0 =	sne.s32 s1, s9  }
0xaf: {  	s9 =	sshll.u32 @p0 s9, $0xE  }
0xb0: {  	s9 =	sadd.s32 @p0 $0x11B8D, s9;
	s10 =	sshll.u32 @p0 s8, $0x11  }
0xb1: {  	s9 =	sor.u32 @p0 s10, s9  }
0xb2: {  	[sflag:s9] =	ssyncadd.remote.s32 @p0 $0x1;
	_ =	sdelay $0x1  }
0xb3: {  	s9 =	simm.s32 @p0 $0x1B8D  }
0xb4: {  	_ =	swait.eq @p0 [sflag:s9], $0x1  }
0xb5: {  	[sflag:s9] =	ssyncadd.s32 @p0 $0xFFFFFFFF  }
0xb6: {  	s10 =	sshll.u32 @!p0 s1, $0xE  }
0xb7: {  	s10 =	sor.u32 @!p0 $0x4000, s10;
	s9 =	simm.s32 @!p0 $0x1B8D  }
0xb8: {  	s8 =	sshll.u32 @!p0 s8, $0x11;
	s10 =	sadd.s32 @!p0 $0x11B8D, s10;
	_ =	swait.eq @!p0 [sflag:s9], $0x1  }
0xb9: {  	s8 =	sor.u32 @!p0 s8, s10;
	[sflag:s9] =	ssyncadd.s32 @!p0 $0xFFFFFFFF  }
0xba: {  	s25 =	simm.s32 $0x1B8E;
	s24 =	sld [smem:$0x3FFE];
	[sflag:s8] =	ssyncadd.remote.s32 @!p0 $0x1  }
0xbb: {  	s26 =	simm.s32 $execute0_lowered;
	[smem:$0x3FD2] =	sst s25  }
0xbc: {  	s9 =	sshll.u32 s26, $0x1;
	_ =	strace $0x80000049;
	[dreg:$0x1] =	wrdreg $0xFFFFFFFF  }
0xbd: {  	s28 =	simm.s32 $_size_execute0_lowered;
	s7 =	sadd.s32 s7, s9;
	[dreg:$0x0] =	wrdreg $0x0  }
0xbe: {  	s9 =	sshll.u32 s28, $0x1;
	[dreg:$0x2] =	wrdreg s7  }
0xbf: {  	[dreg:$0x3] =	wrdreg s9  }
0xc0: {  	[dreg:$0x4] =	wrdreg $0xC0  }
0xc1: {  	_ =	task [dreg:s22], $0x5FFFF  }
0xc2: {  	[dreg:$0x1] =	wrdreg $0xFFFFFFFF  }
0xc3: {  	[dreg:$0x0] =	wrdreg $0x60  }
0xc4: {  	[dreg:$0x2] =	wrdreg s2  }
0xc5: {  	[dreg:$0x3] =	wrdreg s16  }
0xc6: {  	[dreg:$0x4] =	wrdreg s24  }
0xc7: {  	[dreg:$0x5] =	wrdreg s17  }
0xc8: {  	[dreg:$0x6] =	wrdreg s18  }
0xc9: {  	[dreg:$0x7] =	wrdreg $0x9  }
0xca: {  	_ =	task.clear_ibuf [dreg:s22], $0x8FFFF;
	_ =	strace $0x90000049  }
0xcb: {  	s29 =	simm.s32 $0x9;
	_ =	strace $0x8000004B  }
0xcc: {  	_ =	swait.ge [sflag:s29], $0x1  }
0xcd: {  	[sflag:s29] =	ssyncadd.s32 $0xFFFFFFFF  }
0xce: {  	_ =	strace $0x9000004B  }
0xcf: {  	_ =	sfence  }
0xd0: {  	s30 =	sld [smem:$0x0];
	_ =	sdelay $0x2  }
0xd1: {  	s31 =	sshll.u32 s1, $0xD;
	s1 =	sshrl.u32 s1, $0x2  }
0xd2: {  	s3 =	sand.u32 $0x4000, s31;
	s1 =	sadd.s32 s1, s30  }
0xd3: {  	s0 =	sor.u32 s3, s0;
	s1 =	sshll.u32 s1, $0x11  }
0xd4: {  	s0 =	sor.u32 s1, s0  }
0xd5: {  	s0 =	sadd.s32 $0x8F2B, s0  }
0xd6: {  	[sflag:s0] =	ssyncadd.remote.s32 $0x1  }
0xd7: {  	_ =	sfence.sel $0xFFFF  }
0xd8: {  	[dreg:$0x0] =	wrdreg $0xFFFFFFFF;
	(pc) =	sbr.abs _section_cstart, $3  }
0xd9: {  	[dreg:$0x1] =	wrdreg $0xFFFFFFFF  }
0xda: {  	_ =	task.clear_ibuf [dreg:s22], $0x2FFFF;
	_ =	strace $0x9FFFFFFF  }
0xdb: {  	(tm) =	ssettm $0x7FFFFFFF  }
tec
execute0_lowered:
.L_overlay_start_1:
0x0: {  	(tag) =	ssettag $0x1  }
0x1: {  	s3 =	rddreg [dreg:$0x0]  }
0x2: {  	s4 =	rddreg [dreg:$0x1]  }
0x3: {  	s1 =	rddreg [dreg:$0x2]  }
0x4: {  	s0 =	rddreg [dreg:$0x3]  }
0x5: {  	s5 =	rddreg [dreg:$0x4];
	s6 =	srdreg.scid  }
0x6: {  	s2 =	simm.s32 $0x0;
	s8 =	stileid.u32;
	s30 =	simm.s32 $0x10000  }
0x7: {  	p0 =	por $0x0, $0x0;
	s6 =	sand.u32 $0x1, s6;
	[smem:$0x7FF] =	sst s2  }
0x8: {  	s8 =	sshll.u32 s8, $0xA;
	s1 =	sadd.s32 $0x1800, s1;
	s7 =	sshll.u32 s6, $0xE  }
0x9: {  	_ =	strace $0x8000004A;
	s6 =	ssub.s32 $0x2, s6;
	s7 =	sor.u32 s8, s7  }
0xa: {  	s8 =	sshrl.u32 s7, $0x3;
	s9 =	sor.u32 $0x80, s7;
	s20 =	sshll.u32 s7, $0x4  }
0xb: {  	s11 =	sor.u32 $0x100, s7;
	s26 =	sor.u32 $0x180, s7;
	s17 =	sor.u32 $0x200, s7  }
0xc: {  	s8 =	sadd.s32 s1, s8;
	s10 =	sshrl.u32 s9, $0x3;
	s21 =	sadd.s32 s0, s20  }
0xd: {  	s22 =	sadd.s32 s5, s20;
	s23 =	sshrl.u32 s11, $0x3;
	[dreg:$0x6] =	wrdreg s8  }
0xe: {  	s9 =	sshll.u32 s9, $0x4;
	s13 =	sshrl.u32 s26, $0x3;
	[dreg:$0x8] =	wrdreg s21  }
0xf: {  	s15 =	sshll.u32 s11, $0x4;
	s19 =	sadd.s32 s1, s10;
	[dreg:$0x9] =	wrdreg s22  }
0x10: {  	s11 =	simm.s32 $0x7;
	s24 =	sadd.s32 s1, s23;
	[dreg:$0x7] =	wrdreg s19  }
0x11: {  	s25 =	sadd.s32 s0, s9;
	s12 =	sadd.s32 s5, s9;
	[dreg:$0xa] =	wrdreg s24  }
0x12: {  	s14 =	sadd.s32 s1, s13;
	s16 =	sadd.s32 s0, s15;
	[dreg:$0xb] =	wrdreg s25  }
0x13: {  	s18 =	sadd.s32 s5, s15;
	s21 =	sshll.u32 s26, $0x4;
	[dreg:$0xc] =	wrdreg s12  }
0x14: {  	s22 =	sshrl.u32 s6, $0x1;
	s15 =	sor.u32 $0x300, s7;
	[dreg:$0xd] =	wrdreg s14  }
0x15: {  	s9 =	simm.s32 $0xC000;
	s8 =	simm.s32 $0x8;
	[dreg:$0xe] =	wrdreg s16  }
0x16: {  	s19 =	sshrl.u32 s17, $0x3;
	[dreg:$0xf] =	wrdreg s18;
	s23 =	sadd.s32 s0, s21  }
0x17: {  	s24 =	sadd.s32 s5, s21;
	s25 =	sor.u32 $0x280, s7;
	s12 =	ssub.s32 s6, s22  }
0x18: {  	s14 =	sshll.u32 s17, $0x4;
	s16 =	sshrl.u32 s15, $0x3;
	[dreg:$0x11] =	wrdreg s23  }
0x19: {  	s7 =	sor.u32 $0x380, s7;
	s20 =	sadd.s32 s1, s19;
	[dreg:$0x12] =	wrdreg s24  }
0x1a: {  	s13 =	sshrl.u32 s25, $0x3;
	s29 =	sadd.s32 s0, s14;
	s28 =	sadd.s32 s5, s14  }
0x1b: {  	s26 =	sadd.s32 s1, s16;
	s17 =	sshll.u32 s25, $0x4;
	s18 =	sshrl.u32 s7, $0x3  }
0x1c: {  	s21 =	sshll.u32 s7, $0x4;
	s22 =	smax.u32 s12, $0x1;
	s23 =	simm.s32 $0x10080  }
0x1d: {  	s24 =	simm.s32 $0x1;
	s14 =	simm.s32 $0x5;
	s12 =	simm.s32 $0x6  }
0x1e: {  	[dreg:$0x10] =	wrdreg s20;
	s31 =	sadd.s32 s1, s13;
	s25 =	sadd.s32 s0, s17  }
0x1f: {  	s19 =	sadd.s32 s5, s17;
	s16 =	sadd.s32 s1, s18;
	p1 =	sne.s32 s22, $0x1  }
.Ltmp0:
0x20: {  	s20 =	sshll.u32 s15, $0x4;
	s6 =	sadd.s32 s0, s21;
	(pc) =	sbr.rel @!p1 .LBB2_3-.Ltmp0, $4  }
0x21: {  	s15 =	simm.s32 $0x8000;
	s13 =	simm.s32 $0x4000;
	s18 =	simm.s32 $0x3  }
0x22: {  	s17 =	simm.s32 $0x4;
	s1 =	rddreg [dreg:$0x6];
	s10 =	sadd.s32 s0, s20  }
0x23: {  	s7 =	sadd.s32 s5, s20;
	s5 =	sadd.s32 s5, s21;
	s21 =	simm.s32 $0x9  }
0x24: {  	s20 =	simm.s32 $0x80;
	s0 =	sadd.s32 $0xFFFFFFFF, s22;
	s22 =	simm.s32 $0x2  }
0x25: {  	[tilespmem:s30], [sflag:$0x9] =	stream.linear.gather [hbm4b:s1+s2], $0x80, $0x38;
	[tilespmem:$0x10100] =	vst v63  }
0x26: {  	_ =	swait.ge [sflag:s21], $0x80  }
0x27: {  	[sflag:s21] =	ssyncset.done $0x0  }
0x28: {  	[sflag:s21] =	ssyncadd.s32 $0xFFFFFF80  }
0x29: {  	[tilespmem:s2], [sflag:$0x1] =	stream.indirect.gather [hbm4b:s3+s20], $0x80, s30, s20, $0xb8;
	[tilespmem:$0x10100] =	vst v63  }
0x2a: {  	_ = 	snop  }
0x2b: {  	[tilespmem:s15], [sflag:$0x3] =	stream.indirect.gather [hbm4b:s4+s20], $0x80, s30, s20, $0xb8;
	[tilespmem:$0x10100] =	vst v63  }
0x2c: {  	s1 =	rddreg [dreg:$0x7]  }
0x2d: {  	[tilespmem:s23], [sflag:$0x9] =	stream.linear.gather [hbm4b:s1+s2], $0x80, $0x38;
	[tilespmem:$0x10100] =	vst v63  }
0x2e: {  	_ =	swait.ge [sflag:s21], $0x80  }
0x2f: {  	[sflag:s21] =	ssyncset.done $0x0  }
0x30: {  	[sflag:s21] =	ssyncadd.s32 $0xFFFFFF80  }
0x31: {  	[tilespmem:s13], [sflag:$0x2] =	stream.indirect.gather [hbm4b:s3+s20], $0x80, s23, s20, $0xb8;
	[tilespmem:$0x10100] =	vst v63  }
0x32: {  	_ = 	snop  }
0x33: {  	[tilespmem:s9], [sflag:$0x4] =	stream.indirect.gather [hbm4b:s4+s20], $0x80, s23, s20, $0xb8;
	[tilespmem:$0x10100] =	vst v63  }
0x34: {  	_ =	swait.ge [sflag:s24], $0x4000  }
0x35: {  	[sflag:s24] =	ssyncset.done $0x0  }
0x36: {  	s1 =	rddreg [dreg:$0x8];
	[sflag:s24] =	ssyncadd.s32 $0xFFFFC000  }
0x37: {  	[hbm4b:s1+s2] =	stream.linear.scatter [tilespmem:s2], [sflag:$0x5], $0x4000, $0x38;
	[tilespmem:$0x10100] =	vst v63  }
0x38: {  	_ =	swait.ge [sflag:s18], $0x4000  }
0x39: {  	[sflag:s18] =	ssyncset.done $0x0  }
0x3a: {  	s1 =	rddreg [dreg:$0x9];
	[sflag:s18] =	ssyncadd.s32 $0xFFFFC000  }
0x3b: {  	[hbm4b:s1+s2] =	stream.linear.scatter [tilespmem:s15], [sflag:$0x7], $0x4000, $0x38;
	[tilespmem:$0x10100] =	vst v63  }
0x3c: {  	_ =	swait.ge [sflag:s14], $0x4000  }
0x3d: {  	[sflag:s14] =	ssyncset.done $0x0  }
0x3e: {  	[sflag:s14] =	ssyncadd.s32 $0xFFFFC000  }
0x3f: {  	_ =	swait.ge [sflag:s11], $0x4000  }
0x40: {  	[sflag:s11] =	ssyncset.done $0x0  }
0x41: {  	s1 =	rddreg [dreg:$0xa];
	[sflag:s11] =	ssyncadd.s32 $0xFFFFC000  }
0x42: {  	[tilespmem:s30], [sflag:$0x9] =	stream.linear.gather [hbm4b:s1+s2], $0x80, $0x38;
	[tilespmem:$0x10100] =	vst v63  }
0x43: {  	_ =	swait.ge [sflag:s21], $0x80  }
0x44: {  	[sflag:s21] =	ssyncset.done $0x0  }
0x45: {  	[sflag:s21] =	ssyncadd.s32 $0xFFFFFF80  }
0x46: {  	[tilespmem:s2], [sflag:$0x1] =	stream.indirect.gather [hbm4b:s3+s20], $0x80, s30, s20, $0xb8;
	[tilespmem:$0x10100] =	vst v63  }
0x47: {  	_ = 	snop  }
0x48: {  	[tilespmem:s15], [sflag:$0x3] =	stream.indirect.gather [hbm4b:s4+s20], $0x80, s30, s20, $0xb8;
	[tilespmem:$0x10100] =	vst v63  }
0x49: {  	_ =	swait.ge [sflag:s22], $0x4000  }
0x4a: {  	[sflag:s22] =	ssyncset.done $0x0  }
0x4b: {  	s1 =	rddreg [dreg:$0xb];
	[sflag:s22] =	ssyncadd.s32 $0xFFFFC000  }
0x4c: {  	[hbm4b:s1+s2] =	stream.linear.scatter [tilespmem:s13], [sflag:$0x6], $0x4000, $0x38;
	[tilespmem:$0x10100] =	vst v63  }
0x4d: {  	_ =	swait.ge [sflag:s17], $0x4000  }
0x4e: {  	[sflag:s17] =	ssyncset.done $0x0  }
0x4f: {  	s1 =	rddreg [dreg:$0xc];
	[sflag:s17] =	ssyncadd.s32 $0xFFFFC000  }
0x50: {  	[hbm4b:s1+s2] =	stream.linear.scatter [tilespmem:s9], [sflag:$0x8], $0x4000, $0x38;
	[tilespmem:$0x10100] =	vst v63  }
0x51: {  	_ =	swait.ge [sflag:s12], $0x4000  }
0x52: {  	[sflag:s12] =	ssyncset.done $0x0  }
0x53: {  	[sflag:s12] =	ssyncadd.s32 $0xFFFFC000  }
0x54: {  	_ =	swait.ge [sflag:s8], $0x4000  }
0x55: {  	[sflag:s8] =	ssyncset.done $0x0  }
0x56: {  	s1 =	rddreg [dreg:$0xd];
	[sflag:s8] =	ssyncadd.s32 $0xFFFFC000  }
0x57: {  	[tilespmem:s23], [sflag:$0x9] =	stream.linear.gather [hbm4b:s1+s2], $0x80, $0x38;
	[tilespmem:$0x10100] =	vst v63  }
0x58: {  	_ =	swait.ge [sflag:s21], $0x80  }
0x59: {  	[sflag:s21] =	ssyncset.done $0x0  }
0x5a: {  	[sflag:s21] =	ssyncadd.s32 $0xFFFFFF80  }
0x5b: {  	[tilespmem:s13], [sflag:$0x2] =	stream.indirect.gather [hbm4b:s3+s20], $0x80, s23, s20, $0xb8;
	[tilespmem:$0x10100] =	vst v63  }
0x5c: {  	_ = 	snop  }
0x5d: {  	[tilespmem:s9], [sflag:$0x4] =	stream.indirect.gather [hbm4b:s4+s20], $0x80, s23, s20, $0xb8;
	[tilespmem:$0x10100] =	vst v63  }
0x5e: {  	_ =	swait.ge [sflag:s24], $0x4000  }
0x5f: {  	[sflag:s24] =	ssyncset.done $0x0  }
0x60: {  	s1 =	rddreg [dreg:$0xe];
	[sflag:s24] =	ssyncadd.s32 $0xFFFFC000  }
0x61: {  	[hbm4b:s1+s2] =	stream.linear.scatter [tilespmem:s2], [sflag:$0x5], $0x4000, $0x38;
	[tilespmem:$0x10100] =	vst v63  }
0x62: {  	_ =	swait.ge [sflag:s18], $0x4000  }
0x63: {  	[sflag:s18] =	ssyncset.done $0x0  }
0x64: {  	s1 =	rddreg [dreg:$0xf];
	[sflag:s18] =	ssyncadd.s32 $0xFFFFC000  }
0x65: {  	[hbm4b:s1+s2] =	stream.linear.scatter [tilespmem:s15], [sflag:$0x7], $0x4000, $0x38;
	[tilespmem:$0x10100] =	vst v63  }
0x66: {  	_ =	swait.ge [sflag:s14], $0x4000  }
0x67: {  	[sflag:s14] =	ssyncset.done $0x0  }
0x68: {  	[sflag:s14] =	ssyncadd.s32 $0xFFFFC000  }
0x69: {  	_ =	swait.ge [sflag:s11], $0x4000  }
0x6a: {  	[sflag:s11] =	ssyncset.done $0x0  }
0x6b: {  	s1 =	rddreg [dreg:$0x10];
	[sflag:s11] =	ssyncadd.s32 $0xFFFFC000  }
0x6c: {  	[tilespmem:s30], [sflag:$0x9] =	stream.linear.gather [hbm4b:s1+s2], $0x80, $0x38;
	[tilespmem:$0x10100] =	vst v63  }
0x6d: {  	_ =	swait.ge [sflag:s21], $0x80  }
0x6e: {  	[sflag:s21] =	ssyncset.done $0x0  }
0x6f: {  	[sflag:s21] =	ssyncadd.s32 $0xFFFFFF80  }
0x70: {  	[tilespmem:s2], [sflag:$0x1] =	stream.indirect.gather [hbm4b:s3+s20], $0x80, s30, s20, $0xb8;
	[tilespmem:$0x10100] =	vst v63  }
0x71: {  	_ = 	snop  }
0x72: {  	[tilespmem:s15], [sflag:$0x3] =	stream.indirect.gather [hbm4b:s4+s20], $0x80, s30, s20, $0xb8;
	[tilespmem:$0x10100] =	vst v63  }
0x73: {  	_ =	swait.ge [sflag:s22], $0x4000  }
0x74: {  	[sflag:s22] =	ssyncset.done $0x0  }
0x75: {  	s1 =	rddreg [dreg:$0x11];
	[sflag:s22] =	ssyncadd.s32 $0xFFFFC000  }
0x76: {  	[hbm4b:s1+s2] =	stream.linear.scatter [tilespmem:s13], [sflag:$0x6], $0x4000, $0x38;
	[tilespmem:$0x10100] =	vst v63  }
0x77: {  	_ =	swait.ge [sflag:s17], $0x4000  }
0x78: {  	[sflag:s17] =	ssyncset.done $0x0  }
0x79: {  	s1 =	rddreg [dreg:$0x12];
	[sflag:s17] =	ssyncadd.s32 $0xFFFFC000  }
0x7a: {  	[hbm4b:s1+s2] =	stream.linear.scatter [tilespmem:s9], [sflag:$0x8], $0x4000, $0x38;
	[tilespmem:$0x10100] =	vst v63  }
0x7b: {  	_ =	swait.ge [sflag:s12], $0x4000  }
0x7c: {  	[sflag:s12] =	ssyncset.done $0x0  }
0x7d: {  	[sflag:s12] =	ssyncadd.s32 $0xFFFFC000  }
0x7e: {  	_ =	swait.ge [sflag:s8], $0x4000  }
0x7f: {  	[sflag:s8] =	ssyncset.done $0x0  }
0x80: {  	[sflag:s8] =	ssyncadd.s32 $0xFFFFC000  }
0x81: {  	[tilespmem:s23], [sflag:$0x9] =	stream.linear.gather [hbm4b:s31+s2], $0x80, $0x38;
	[tilespmem:$0x10100] =	vst v63  }
0x82: {  	_ =	swait.ge [sflag:s21], $0x80  }
0x83: {  	[sflag:s21] =	ssyncset.done $0x0  }
0x84: {  	[sflag:s21] =	ssyncadd.s32 $0xFFFFFF80  }
0x85: {  	[tilespmem:s13], [sflag:$0x2] =	stream.indirect.gather [hbm4b:s3+s20], $0x80, s23, s20, $0xb8;
	[tilespmem:$0x10100] =	vst v63  }
0x86: {  	_ = 	snop  }
0x87: {  	[tilespmem:s9], [sflag:$0x4] =	stream.indirect.gather [hbm4b:s4+s20], $0x80, s23, s20, $0xb8;
	[tilespmem:$0x10100] =	vst v63  }
0x88: {  	_ =	swait.ge [sflag:s24], $0x4000  }
0x89: {  	[sflag:s24] =	ssyncset.done $0x0  }
0x8a: {  	[sflag:s24] =	ssyncadd.s32 $0xFFFFC000  }
0x8b: {  	[hbm4b:s29+s2] =	stream.linear.scatter [tilespmem:s2], [sflag:$0x5], $0x4000, $0x38;
	[tilespmem:$0x10100] =	vst v63  }
0x8c: {  	_ =	swait.ge [sflag:s18], $0x4000  }
0x8d: {  	[sflag:s18] =	ssyncset.done $0x0  }
0x8e: {  	[sflag:s18] =	ssyncadd.s32 $0xFFFFC000  }
0x8f: {  	[hbm4b:s28+s2] =	stream.linear.scatter [tilespmem:s15], [sflag:$0x7], $0x4000, $0x38;
	[tilespmem:$0x10100] =	vst v63  }
0x90: {  	_ =	swait.ge [sflag:s14], $0x4000  }
0x91: {  	[sflag:s14] =	ssyncset.done $0x0  }
0x92: {  	[sflag:s14] =	ssyncadd.s32 $0xFFFFC000  }
0x93: {  	_ =	swait.ge [sflag:s11], $0x4000  }
0x94: {  	[sflag:s11] =	ssyncset.done $0x0  }
0x95: {  	[sflag:s11] =	ssyncadd.s32 $0xFFFFC000  }
0x96: {  	[tilespmem:s30], [sflag:$0x9] =	stream.linear.gather [hbm4b:s26+s2], $0x80, $0x38;
	[tilespmem:$0x10100] =	vst v63  }
0x97: {  	_ =	swait.ge [sflag:s21], $0x80  }
0x98: {  	[sflag:s21] =	ssyncset.done $0x0  }
0x99: {  	[sflag:s21] =	ssyncadd.s32 $0xFFFFFF80  }
0x9a: {  	[tilespmem:s2], [sflag:$0x1] =	stream.indirect.gather [hbm4b:s3+s20], $0x80, s30, s20, $0xb8;
	[tilespmem:$0x10100] =	vst v63  }
0x9b: {  	_ = 	snop  }
0x9c: {  	[tilespmem:s15], [sflag:$0x3] =	stream.indirect.gather [hbm4b:s4+s20], $0x80, s30, s20, $0xb8;
	[tilespmem:$0x10100] =	vst v63  }
0x9d: {  	_ =	swait.ge [sflag:s22], $0x4000  }
0x9e: {  	[sflag:s22] =	ssyncset.done $0x0  }
0x9f: {  	[sflag:s22] =	ssyncadd.s32 $0xFFFFC000  }
0xa0: {  	[hbm4b:s25+s2] =	stream.linear.scatter [tilespmem:s13], [sflag:$0x6], $0x4000, $0x38;
	[tilespmem:$0x10100] =	vst v63  }
0xa1: {  	_ =	swait.ge [sflag:s17], $0x4000  }
0xa2: {  	[sflag:s17] =	ssyncset.done $0x0  }
0xa3: {  	[sflag:s17] =	ssyncadd.s32 $0xFFFFC000  }
0xa4: {  	[hbm4b:s19+s2] =	stream.linear.scatter [tilespmem:s9], [sflag:$0x8], $0x4000, $0x38;
	[tilespmem:$0x10100] =	vst v63  }
0xa5: {  	_ =	swait.ge [sflag:s12], $0x4000  }
0xa6: {  	[sflag:s12] =	ssyncset.done $0x0  }
0xa7: {  	[sflag:s12] =	ssyncadd.s32 $0xFFFFC000  }
0xa8: {  	_ =	swait.ge [sflag:s8], $0x4000  }
0xa9: {  	[sflag:s8] =	ssyncset.done $0x0  }
0xaa: {  	[sflag:s8] =	ssyncadd.s32 $0xFFFFC000  }
0xab: {  	[tilespmem:s23], [sflag:$0x9] =	stream.linear.gather [hbm4b:s16+s2], $0x80, $0x38;
	[tilespmem:$0x10100] =	vst v63  }
0xac: {  	_ =	swait.ge [sflag:s21], $0x80  }
0xad: {  	[sflag:s21] =	ssyncset.done $0x0  }
0xae: {  	[sflag:s21] =	ssyncadd.s32 $0xFFFFFF80  }
0xaf: {  	[tilespmem:s13], [sflag:$0x2] =	stream.indirect.gather [hbm4b:s3+s20], $0x80, s23, s20, $0xb8;
	[tilespmem:$0x10100] =	vst v63  }
0xb0: {  	_ = 	snop  }
0xb1: {  	[tilespmem:s9], [sflag:$0x4] =	stream.indirect.gather [hbm4b:s4+s20], $0x80, s23, s20, $0xb8;
	[tilespmem:$0x10100] =	vst v63  }
0xb2: {  	_ =	swait.ge [sflag:s24], $0x4000  }
0xb3: {  	[sflag:s24] =	ssyncset.done $0x0  }
0xb4: {  	[sflag:s24] =	ssyncadd.s32 $0xFFFFC000  }
0xb5: {  	[hbm4b:s10+s2] =	stream.linear.scatter [tilespmem:s2], [sflag:$0x5], $0x4000, $0x38;
	[tilespmem:$0x10100] =	vst v63  }
0xb6: {  	_ =	swait.ge [sflag:s18], $0x4000  }
0xb7: {  	[sflag:s18] =	ssyncset.done $0x0  }
0xb8: {  	[sflag:s18] =	ssyncadd.s32 $0xFFFFC000  }
0xb9: {  	[hbm4b:s7+s2] =	stream.linear.scatter [tilespmem:s15], [sflag:$0x7], $0x4000, $0x38;
	[tilespmem:$0x10100] =	vst v63  }
0xba: {  	_ =	swait.ge [sflag:s22], $0x4000  }
0xbb: {  	[sflag:s22] =	ssyncset.done $0x0  }
0xbc: {  	[sflag:s22] =	ssyncadd.s32 $0xFFFFC000  }
0xbd: {  	[hbm4b:s6+s2] =	stream.linear.scatter [tilespmem:s13], [sflag:$0x6], $0x4000, $0x38;
	[tilespmem:$0x10100] =	vst v63  }
0xbe: {  	_ =	swait.ge [sflag:s17], $0x4000  }
0xbf: {  	[sflag:s17] =	ssyncset.done $0x0  }
0xc0: {  	[sflag:s17] =	ssyncadd.s32 $0xFFFFC000  }
0xc1: {  	[hbm4b:s5+s2] =	stream.linear.scatter [tilespmem:s9], [sflag:$0x8], $0x4000, $0x38;
	[tilespmem:$0x10100] =	vst v63  }
0xc2: {  	_ =	swait.ge [sflag:s14], $0x4000  }
0xc3: {  	[sflag:s14] =	ssyncset.done $0x0  }
0xc4: {  	[sflag:s14] =	ssyncadd.s32 $0xFFFFC000  }
0xc5: {  	_ =	swait.ge [sflag:s11], $0x4000  }
0xc6: {  	[sflag:s11] =	ssyncset.done $0x0  }
0xc7: {  	p1 =	sne.s32 s0, $0x1;
	[sflag:s11] =	ssyncadd.s32 $0xFFFFC000  }
.Ltmp1:
0xc8: {  	_ =	swait.ge [sflag:s12], $0x4000;
	(pc) =	sbr.rel @!p1 .LBB2_3-.Ltmp1, $4  }
0xc9: {  	[sflag:s12] =	ssyncset.done $0x0  }
0xca: {  	[sflag:s12] =	ssyncadd.s32 $0xFFFFC000  }
0xcb: {  	s0 =	sadd.s32 $0xFFFFFFFF, s0;
	_ =	swait.ge [sflag:s8], $0x4000  }
0xcc: {  	p0 =	por $0x1, $0x1;
	s1 =	rddreg [dreg:$0x6];
	[sflag:s8] =	ssyncset.done $0x0  }
.LBB2_2:
0xcd: {  	[sflag:s8] =	ssyncadd.s32 $0xFFFFC000  }
0xce: {  	[tilespmem:s30], [sflag:$0x9] =	stream.linear.gather [hbm4b:s1+s2], $0x80, $0x38;
	[tilespmem:$0x10100] =	vst v63  }
0xcf: {  	_ =	swait.ge [sflag:s21], $0x80  }
0xd0: {  	[sflag:s21] =	ssyncset.done $0x0  }
0xd1: {  	[sflag:s21] =	ssyncadd.s32 $0xFFFFFF80  }
0xd2: {  	[tilespmem:s2], [sflag:$0x1] =	stream.indirect.gather [hbm4b:s3+s20], $0x80, s30, s20, $0xb8;
	[tilespmem:$0x10100] =	vst v63  }
0xd3: {  	_ = 	snop  }
0xd4: {  	[tilespmem:s15], [sflag:$0x3] =	stream.indirect.gather [hbm4b:s4+s20], $0x80, s30, s20, $0xb8;
	[tilespmem:$0x10100] =	vst v63  }
0xd5: {  	s1 =	rddreg [dreg:$0x7]  }
0xd6: {  	[tilespmem:s23], [sflag:$0x9] =	stream.linear.gather [hbm4b:s1+s2], $0x80, $0x38;
	[tilespmem:$0x10100] =	vst v63  }
0xd7: {  	_ =	swait.ge [sflag:s21], $0x80  }
0xd8: {  	[sflag:s21] =	ssyncset.done $0x0  }
0xd9: {  	[sflag:s21] =	ssyncadd.s32 $0xFFFFFF80  }
0xda: {  	[tilespmem:s13], [sflag:$0x2] =	stream.indirect.gather [hbm4b:s3+s20], $0x80, s23, s20, $0xb8;
	[tilespmem:$0x10100] =	vst v63  }
0xdb: {  	_ = 	snop  }
0xdc: {  	[tilespmem:s9], [sflag:$0x4] =	stream.indirect.gather [hbm4b:s4+s20], $0x80, s23, s20, $0xb8;
	[tilespmem:$0x10100] =	vst v63  }
0xdd: {  	_ =	swait.ge [sflag:s24], $0x4000  }
0xde: {  	[sflag:s24] =	ssyncset.done $0x0  }
0xdf: {  	s1 =	rddreg [dreg:$0x8];
	[sflag:s24] =	ssyncadd.s32 $0xFFFFC000  }
0xe0: {  	[hbm4b:s1+s2] =	stream.linear.scatter [tilespmem:s2], [sflag:$0x5], $0x4000, $0x38;
	[tilespmem:$0x10100] =	vst v63  }
0xe1: {  	_ =	swait.ge [sflag:s18], $0x4000  }
0xe2: {  	[sflag:s18] =	ssyncset.done $0x0  }
0xe3: {  	s1 =	rddreg [dreg:$0x9];
	[sflag:s18] =	ssyncadd.s32 $0xFFFFC000  }
0xe4: {  	[hbm4b:s1+s2] =	stream.linear.scatter [tilespmem:s15], [sflag:$0x7], $0x4000, $0x38;
	[tilespmem:$0x10100] =	vst v63  }
0xe5: {  	_ =	swait.ge [sflag:s14], $0x4000  }
0xe6: {  	[sflag:s14] =	ssyncset.done $0x0  }
0xe7: {  	[sflag:s14] =	ssyncadd.s32 $0xFFFFC000  }
0xe8: {  	_ =	swait.ge [sflag:s11], $0x4000  }
0xe9: {  	[sflag:s11] =	ssyncset.done $0x0  }
0xea: {  	s1 =	rddreg [dreg:$0xa];
	[sflag:s11] =	ssyncadd.s32 $0xFFFFC000  }
0xeb: {  	[tilespmem:s30], [sflag:$0x9] =	stream.linear.gather [hbm4b:s1+s2], $0x80, $0x38;
	[tilespmem:$0x10100] =	vst v63  }
0xec: {  	_ =	swait.ge [sflag:s21], $0x80  }
0xed: {  	[sflag:s21] =	ssyncset.done $0x0  }
0xee: {  	[sflag:s21] =	ssyncadd.s32 $0xFFFFFF80  }
0xef: {  	[tilespmem:s2], [sflag:$0x1] =	stream.indirect.gather [hbm4b:s3+s20], $0x80, s30, s20, $0xb8;
	[tilespmem:$0x10100] =	vst v63  }
0xf0: {  	_ = 	snop  }
0xf1: {  	[tilespmem:s15], [sflag:$0x3] =	stream.indirect.gather [hbm4b:s4+s20], $0x80, s30, s20, $0xb8;
	[tilespmem:$0x10100] =	vst v63  }
0xf2: {  	_ =	swait.ge [sflag:s22], $0x4000  }
0xf3: {  	[sflag:s22] =	ssyncset.done $0x0  }
0xf4: {  	s1 =	rddreg [dreg:$0xb];
	[sflag:s22] =	ssyncadd.s32 $0xFFFFC000  }
0xf5: {  	[hbm4b:s1+s2] =	stream.linear.scatter [tilespmem:s13], [sflag:$0x6], $0x4000, $0x38;
	[tilespmem:$0x10100] =	vst v63  }
0xf6: {  	_ =	swait.ge [sflag:s17], $0x4000  }
0xf7: {  	[sflag:s17] =	ssyncset.done $0x0  }
0xf8: {  	s1 =	rddreg [dreg:$0xc];
	[sflag:s17] =	ssyncadd.s32 $0xFFFFC000  }
0xf9: {  	[hbm4b:s1+s2] =	stream.linear.scatter [tilespmem:s9], [sflag:$0x8], $0x4000, $0x38;
	[tilespmem:$0x10100] =	vst v63  }
0xfa: {  	_ =	swait.ge [sflag:s12], $0x4000  }
0xfb: {  	[sflag:s12] =	ssyncset.done $0x0  }
0xfc: {  	[sflag:s12] =	ssyncadd.s32 $0xFFFFC000  }
0xfd: {  	_ =	swait.ge [sflag:s8], $0x4000  }
0xfe: {  	[sflag:s8] =	ssyncset.done $0x0  }
0xff: {  	s1 =	rddreg [dreg:$0xd];
	[sflag:s8] =	ssyncadd.s32 $0xFFFFC000  }
0x100: {  	[tilespmem:s23], [sflag:$0x9] =	stream.linear.gather [hbm4b:s1+s2], $0x80, $0x38;
	[tilespmem:$0x10100] =	vst v63  }
0x101: {  	_ =	swait.ge [sflag:s21], $0x80  }
0x102: {  	[sflag:s21] =	ssyncset.done $0x0  }
0x103: {  	[sflag:s21] =	ssyncadd.s32 $0xFFFFFF80  }
0x104: {  	[tilespmem:s13], [sflag:$0x2] =	stream.indirect.gather [hbm4b:s3+s20], $0x80, s23, s20, $0xb8;
	[tilespmem:$0x10100] =	vst v63  }
0x105: {  	_ = 	snop  }
0x106: {  	[tilespmem:s9], [sflag:$0x4] =	stream.indirect.gather [hbm4b:s4+s20], $0x80, s23, s20, $0xb8;
	[tilespmem:$0x10100] =	vst v63  }
0x107: {  	_ =	swait.ge [sflag:s24], $0x4000  }
0x108: {  	[sflag:s24] =	ssyncset.done $0x0  }
0x109: {  	s1 =	rddreg [dreg:$0xe];
	[sflag:s24] =	ssyncadd.s32 $0xFFFFC000  }
0x10a: {  	[hbm4b:s1+s2] =	stream.linear.scatter [tilespmem:s2], [sflag:$0x5], $0x4000, $0x38;
	[tilespmem:$0x10100] =	vst v63  }
0x10b: {  	_ =	swait.ge [sflag:s18], $0x4000  }
0x10c: {  	[sflag:s18] =	ssyncset.done $0x0  }
0x10d: {  	s1 =	rddreg [dreg:$0xf];
	[sflag:s18] =	ssyncadd.s32 $0xFFFFC000  }
0x10e: {  	[hbm4b:s1+s2] =	stream.linear.scatter [tilespmem:s15], [sflag:$0x7], $0x4000, $0x38;
	[tilespmem:$0x10100] =	vst v63  }
0x10f: {  	_ =	swait.ge [sflag:s14], $0x4000  }
0x110: {  	[sflag:s14] =	ssyncset.done $0x0  }
0x111: {  	[sflag:s14] =	ssyncadd.s32 $0xFFFFC000  }
0x112: {  	_ =	swait.ge [sflag:s11], $0x4000  }
0x113: {  	[sflag:s11] =	ssyncset.done $0x0  }
0x114: {  	s1 =	rddreg [dreg:$0x10];
	[sflag:s11] =	ssyncadd.s32 $0xFFFFC000  }
0x115: {  	[tilespmem:s30], [sflag:$0x9] =	stream.linear.gather [hbm4b:s1+s2], $0x80, $0x38;
	[tilespmem:$0x10100] =	vst v63  }
0x116: {  	_ =	swait.ge [sflag:s21], $0x80  }
0x117: {  	[sflag:s21] =	ssyncset.done $0x0  }
0x118: {  	[sflag:s21] =	ssyncadd.s32 $0xFFFFFF80  }
0x119: {  	[tilespmem:s2], [sflag:$0x1] =	stream.indirect.gather [hbm4b:s3+s20], $0x80, s30, s20, $0xb8;
	[tilespmem:$0x10100] =	vst v63  }
0x11a: {  	_ = 	snop  }
0x11b: {  	[tilespmem:s15], [sflag:$0x3] =	stream.indirect.gather [hbm4b:s4+s20], $0x80, s30, s20, $0xb8;
	[tilespmem:$0x10100] =	vst v63  }
0x11c: {  	_ =	swait.ge [sflag:s22], $0x4000  }
0x11d: {  	[sflag:s22] =	ssyncset.done $0x0  }
0x11e: {  	s1 =	rddreg [dreg:$0x11];
	[sflag:s22] =	ssyncadd.s32 $0xFFFFC000  }
0x11f: {  	[hbm4b:s1+s2] =	stream.linear.scatter [tilespmem:s13], [sflag:$0x6], $0x4000, $0x38;
	[tilespmem:$0x10100] =	vst v63  }
0x120: {  	_ =	swait.ge [sflag:s17], $0x4000  }
0x121: {  	[sflag:s17] =	ssyncset.done $0x0  }
0x122: {  	s1 =	rddreg [dreg:$0x12];
	[sflag:s17] =	ssyncadd.s32 $0xFFFFC000  }
0x123: {  	[hbm4b:s1+s2] =	stream.linear.scatter [tilespmem:s9], [sflag:$0x8], $0x4000, $0x38;
	[tilespmem:$0x10100] =	vst v63  }
0x124: {  	_ =	swait.ge [sflag:s12], $0x4000  }
0x125: {  	[sflag:s12] =	ssyncset.done $0x0  }
0x126: {  	[sflag:s12] =	ssyncadd.s32 $0xFFFFC000  }
0x127: {  	_ =	swait.ge [sflag:s8], $0x4000  }
0x128: {  	[sflag:s8] =	ssyncset.done $0x0  }
0x129: {  	[sflag:s8] =	ssyncadd.s32 $0xFFFFC000  }
0x12a: {  	[tilespmem:s23], [sflag:$0x9] =	stream.linear.gather [hbm4b:s31+s2], $0x80, $0x38;
	[tilespmem:$0x10100] =	vst v63  }
0x12b: {  	_ =	swait.ge [sflag:s21], $0x80  }
0x12c: {  	[sflag:s21] =	ssyncset.done $0x0  }
0x12d: {  	[sflag:s21] =	ssyncadd.s32 $0xFFFFFF80  }
0x12e: {  	[tilespmem:s13], [sflag:$0x2] =	stream.indirect.gather [hbm4b:s3+s20], $0x80, s23, s20, $0xb8;
	[tilespmem:$0x10100] =	vst v63  }
0x12f: {  	_ = 	snop  }
0x130: {  	[tilespmem:s9], [sflag:$0x4] =	stream.indirect.gather [hbm4b:s4+s20], $0x80, s23, s20, $0xb8;
	[tilespmem:$0x10100] =	vst v63  }
0x131: {  	_ =	swait.ge [sflag:s24], $0x4000  }
0x132: {  	[sflag:s24] =	ssyncset.done $0x0  }
0x133: {  	[sflag:s24] =	ssyncadd.s32 $0xFFFFC000  }
0x134: {  	[hbm4b:s29+s2] =	stream.linear.scatter [tilespmem:s2], [sflag:$0x5], $0x4000, $0x38;
	[tilespmem:$0x10100] =	vst v63  }
0x135: {  	_ =	swait.ge [sflag:s18], $0x4000  }
0x136: {  	[sflag:s18] =	ssyncset.done $0x0  }
0x137: {  	[sflag:s18] =	ssyncadd.s32 $0xFFFFC000  }
0x138: {  	[hbm4b:s28+s2] =	stream.linear.scatter [tilespmem:s15], [sflag:$0x7], $0x4000, $0x38;
	[tilespmem:$0x10100] =	vst v63  }
0x139: {  	_ =	swait.ge [sflag:s14], $0x4000  }
0x13a: {  	[sflag:s14] =	ssyncset.done $0x0  }
0x13b: {  	[sflag:s14] =	ssyncadd.s32 $0xFFFFC000  }
0x13c: {  	_ =	swait.ge [sflag:s11], $0x4000  }
0x13d: {  	[sflag:s11] =	ssyncset.done $0x0  }
0x13e: {  	[sflag:s11] =	ssyncadd.s32 $0xFFFFC000  }
0x13f: {  	[tilespmem:s30], [sflag:$0x9] =	stream.linear.gather [hbm4b:s26+s2], $0x80, $0x38;
	[tilespmem:$0x10100] =	vst v63  }
0x140: {  	_ =	swait.ge [sflag:s21], $0x80  }
0x141: {  	[sflag:s21] =	ssyncset.done $0x0  }
0x142: {  	[sflag:s21] =	ssyncadd.s32 $0xFFFFFF80  }
0x143: {  	[tilespmem:s2], [sflag:$0x1] =	stream.indirect.gather [hbm4b:s3+s20], $0x80, s30, s20, $0xb8;
	[tilespmem:$0x10100] =	vst v63  }
0x144: {  	_ = 	snop  }
0x145: {  	[tilespmem:s15], [sflag:$0x3] =	stream.indirect.gather [hbm4b:s4+s20], $0x80, s30, s20, $0xb8;
	[tilespmem:$0x10100] =	vst v63  }
0x146: {  	_ =	swait.ge [sflag:s22], $0x4000  }
0x147: {  	[sflag:s22] =	ssyncset.done $0x0  }
0x148: {  	[sflag:s22] =	ssyncadd.s32 $0xFFFFC000  }
0x149: {  	[hbm4b:s25+s2] =	stream.linear.scatter [tilespmem:s13], [sflag:$0x6], $0x4000, $0x38;
	[tilespmem:$0x10100] =	vst v63  }
0x14a: {  	_ =	swait.ge [sflag:s17], $0x4000  }
0x14b: {  	[sflag:s17] =	ssyncset.done $0x0  }
0x14c: {  	[sflag:s17] =	ssyncadd.s32 $0xFFFFC000  }
0x14d: {  	[hbm4b:s19+s2] =	stream.linear.scatter [tilespmem:s9], [sflag:$0x8], $0x4000, $0x38;
	[tilespmem:$0x10100] =	vst v63  }
0x14e: {  	_ =	swait.ge [sflag:s12], $0x4000  }
0x14f: {  	[sflag:s12] =	ssyncset.done $0x0  }
0x150: {  	[sflag:s12] =	ssyncadd.s32 $0xFFFFC000  }
0x151: {  	_ =	swait.ge [sflag:s8], $0x4000  }
0x152: {  	[sflag:s8] =	ssyncset.done $0x0  }
0x153: {  	[sflag:s8] =	ssyncadd.s32 $0xFFFFC000  }
0x154: {  	[tilespmem:s23], [sflag:$0x9] =	stream.linear.gather [hbm4b:s16+s2], $0x80, $0x38;
	[tilespmem:$0x10100] =	vst v63  }
0x155: {  	_ =	swait.ge [sflag:s21], $0x80  }
0x156: {  	[sflag:s21] =	ssyncset.done $0x0  }
0x157: {  	[sflag:s21] =	ssyncadd.s32 $0xFFFFFF80  }
0x158: {  	[tilespmem:s13], [sflag:$0x2] =	stream.indirect.gather [hbm4b:s3+s20], $0x80, s23, s20, $0xb8;
	[tilespmem:$0x10100] =	vst v63  }
0x159: {  	_ = 	snop  }
0x15a: {  	[tilespmem:s9], [sflag:$0x4] =	stream.indirect.gather [hbm4b:s4+s20], $0x80, s23, s20, $0xb8;
	[tilespmem:$0x10100] =	vst v63  }
0x15b: {  	_ =	swait.ge [sflag:s24], $0x4000  }
0x15c: {  	[sflag:s24] =	ssyncset.done $0x0  }
0x15d: {  	[sflag:s24] =	ssyncadd.s32 $0xFFFFC000  }
0x15e: {  	[hbm4b:s10+s2] =	stream.linear.scatter [tilespmem:s2], [sflag:$0x5], $0x4000, $0x38;
	[tilespmem:$0x10100] =	vst v63  }
0x15f: {  	_ =	swait.ge [sflag:s18], $0x4000  }
0x160: {  	[sflag:s18] =	ssyncset.done $0x0  }
0x161: {  	[sflag:s18] =	ssyncadd.s32 $0xFFFFC000  }
0x162: {  	[hbm4b:s7+s2] =	stream.linear.scatter [tilespmem:s15], [sflag:$0x7], $0x4000, $0x38;
	[tilespmem:$0x10100] =	vst v63  }
0x163: {  	_ =	swait.ge [sflag:s22], $0x4000  }
0x164: {  	[sflag:s22] =	ssyncset.done $0x0  }
0x165: {  	[sflag:s22] =	ssyncadd.s32 $0xFFFFC000  }
0x166: {  	[hbm4b:s6+s2] =	stream.linear.scatter [tilespmem:s13], [sflag:$0x6], $0x4000, $0x38;
	[tilespmem:$0x10100] =	vst v63  }
0x167: {  	_ =	swait.ge [sflag:s17], $0x4000  }
0x168: {  	[sflag:s17] =	ssyncset.done $0x0  }
0x169: {  	[sflag:s17] =	ssyncadd.s32 $0xFFFFC000  }
0x16a: {  	[hbm4b:s5+s2] =	stream.linear.scatter [tilespmem:s9], [sflag:$0x8], $0x4000, $0x38;
	[tilespmem:$0x10100] =	vst v63  }
0x16b: {  	_ =	swait.ge [sflag:s14], $0x4000  }
0x16c: {  	[sflag:s14] =	ssyncset.done $0x0  }
0x16d: {  	[sflag:s14] =	ssyncadd.s32 $0xFFFFC000  }
0x16e: {  	_ =	swait.ge [sflag:s11], $0x4000  }
0x16f: {  	[sflag:s11] =	ssyncset.done $0x0  }
0x170: {  	p1 =	sne.s32 s0, $0x1;
	[sflag:s11] =	ssyncadd.s32 $0xFFFFC000  }
.Ltmp2:
0x171: {  	_ =	swait.ge [sflag:s12], $0x4000;
	(pc) =	sbr.rel @p1 .LBB2_2-.Ltmp2, $4  }
0x172: {  	[sflag:s12] =	ssyncset.done $0x0  }
0x173: {  	[sflag:s12] =	ssyncadd.s32 $0xFFFFC000  }
0x174: {  	_ =	swait.ge [sflag:s8], $0x4000  }
0x175: {  	s0 =	sadd.s32 $0xFFFFFFFF, s0;
	s1 =	rddreg [dreg:$0x6];
	[sflag:s8] =	ssyncset.done $0x0  }
.LBB2_3:
0x176: {  	[sflag:s8] =	ssyncadd.s32 @p0 $0xFFFFC000  }
0x177: {  	[tilespmem:s30], [sflag:$0x9] =	stream.linear.gather [hbm4b:s1+s2], $0x80, $0x38;
	[tilespmem:$0x10100] =	vst v63  }
0x178: {  	_ =	swait.ge [sflag:s21], $0x80  }
0x179: {  	[sflag:s21] =	ssyncset.done $0x0  }
0x17a: {  	[sflag:s21] =	ssyncadd.s32 $0xFFFFFF80  }
0x17b: {  	[tilespmem:s2], [sflag:$0x1] =	stream.indirect.gather [hbm4b:s3+s20], $0x80, s30, s20, $0xb8;
	[tilespmem:$0x10100] =	vst v63  }
0x17c: {  	_ = 	snop  }
0x17d: {  	[tilespmem:s15], [sflag:$0x3] =	stream.indirect.gather [hbm4b:s4+s20], $0x80, s30, s20, $0xb8;
	[tilespmem:$0x10100] =	vst v63  }
0x17e: {  	s0 =	rddreg [dreg:$0x7]  }
0x17f: {  	[tilespmem:s23], [sflag:$0x9] =	stream.linear.gather [hbm4b:s0+s2], $0x80, $0x38;
	[tilespmem:$0x10100] =	vst v63  }
0x180: {  	_ =	swait.ge [sflag:s21], $0x80  }
0x181: {  	[sflag:s21] =	ssyncset.done $0x0  }
0x182: {  	[sflag:s21] =	ssyncadd.s32 $0xFFFFFF80  }
0x183: {  	[tilespmem:s13], [sflag:$0x2] =	stream.indirect.gather [hbm4b:s3+s20], $0x80, s23, s20, $0xb8;
	[tilespmem:$0x10100] =	vst v63  }
0x184: {  	_ = 	snop  }
0x185: {  	[tilespmem:s9], [sflag:$0x4] =	stream.indirect.gather [hbm4b:s4+s20], $0x80, s23, s20, $0xb8;
	[tilespmem:$0x10100] =	vst v63  }
0x186: {  	_ =	swait.ge [sflag:s24], $0x4000  }
0x187: {  	[sflag:s24] =	ssyncset.done $0x0  }
0x188: {  	s1 =	rddreg [dreg:$0x8];
	[sflag:s24] =	ssyncadd.s32 $0xFFFFC000  }
0x189: {  	[hbm4b:s1+s2] =	stream.linear.scatter [tilespmem:s2], [sflag:$0x5], $0x4000, $0x38;
	[tilespmem:$0x10100] =	vst v63  }
0x18a: {  	_ =	swait.ge [sflag:s18], $0x4000  }
0x18b: {  	[sflag:s18] =	ssyncset.done $0x0  }
0x18c: {  	s1 =	rddreg [dreg:$0x9];
	[sflag:s18] =	ssyncadd.s32 $0xFFFFC000  }
0x18d: {  	[hbm4b:s1+s2] =	stream.linear.scatter [tilespmem:s15], [sflag:$0x7], $0x4000, $0x38;
	[tilespmem:$0x10100] =	vst v63  }
0x18e: {  	_ =	swait.ge [sflag:s14], $0x4000  }
0x18f: {  	[sflag:s14] =	ssyncset.done $0x0  }
0x190: {  	[sflag:s14] =	ssyncadd.s32 $0xFFFFC000  }
0x191: {  	_ =	swait.ge [sflag:s11], $0x4000  }
0x192: {  	[sflag:s11] =	ssyncset.done $0x0  }
0x193: {  	s1 =	rddreg [dreg:$0xa];
	[sflag:s11] =	ssyncadd.s32 $0xFFFFC000  }
0x194: {  	[tilespmem:s30], [sflag:$0x9] =	stream.linear.gather [hbm4b:s1+s2], $0x80, $0x38;
	[tilespmem:$0x10100] =	vst v63  }
0x195: {  	_ =	swait.ge [sflag:s21], $0x80  }
0x196: {  	[sflag:s21] =	ssyncset.done $0x0  }
0x197: {  	[sflag:s21] =	ssyncadd.s32 $0xFFFFFF80  }
0x198: {  	[tilespmem:s2], [sflag:$0x1] =	stream.indirect.gather [hbm4b:s3+s20], $0x80, s30, s20, $0xb8;
	[tilespmem:$0x10100] =	vst v63  }
0x199: {  	_ = 	snop  }
0x19a: {  	[tilespmem:s15], [sflag:$0x3] =	stream.indirect.gather [hbm4b:s4+s20], $0x80, s30, s20, $0xb8;
	[tilespmem:$0x10100] =	vst v63  }
0x19b: {  	_ =	swait.ge [sflag:s22], $0x4000  }
0x19c: {  	[sflag:s22] =	ssyncset.done $0x0  }
0x19d: {  	s1 =	rddreg [dreg:$0xb];
	[sflag:s22] =	ssyncadd.s32 $0xFFFFC000  }
0x19e: {  	[hbm4b:s1+s2] =	stream.linear.scatter [tilespmem:s13], [sflag:$0x6], $0x4000, $0x38;
	[tilespmem:$0x10100] =	vst v63  }
0x19f: {  	_ =	swait.ge [sflag:s17], $0x4000  }
0x1a0: {  	[sflag:s17] =	ssyncset.done $0x0  }
0x1a1: {  	s1 =	rddreg [dreg:$0xc];
	[sflag:s17] =	ssyncadd.s32 $0xFFFFC000  }
0x1a2: {  	[hbm4b:s1+s2] =	stream.linear.scatter [tilespmem:s9], [sflag:$0x8], $0x4000, $0x38;
	[tilespmem:$0x10100] =	vst v63  }
0x1a3: {  	_ =	swait.ge [sflag:s12], $0x4000  }
0x1a4: {  	[sflag:s12] =	ssyncset.done $0x0  }
0x1a5: {  	[sflag:s12] =	ssyncadd.s32 $0xFFFFC000  }
0x1a6: {  	_ =	swait.ge [sflag:s8], $0x4000  }
0x1a7: {  	[sflag:s8] =	ssyncset.done $0x0  }
0x1a8: {  	s1 =	rddreg [dreg:$0xd];
	[sflag:s8] =	ssyncadd.s32 $0xFFFFC000  }
0x1a9: {  	[tilespmem:s23], [sflag:$0x9] =	stream.linear.gather [hbm4b:s1+s2], $0x80, $0x38;
	[tilespmem:$0x10100] =	vst v63  }
0x1aa: {  	_ =	swait.ge [sflag:s21], $0x80  }
0x1ab: {  	[sflag:s21] =	ssyncset.done $0x0  }
0x1ac: {  	[sflag:s21] =	ssyncadd.s32 $0xFFFFFF80  }
0x1ad: {  	[tilespmem:s13], [sflag:$0x2] =	stream.indirect.gather [hbm4b:s3+s20], $0x80, s23, s20, $0xb8;
	[tilespmem:$0x10100] =	vst v63  }
0x1ae: {  	_ = 	snop  }
0x1af: {  	[tilespmem:s9], [sflag:$0x4] =	stream.indirect.gather [hbm4b:s4+s20], $0x80, s23, s20, $0xb8;
	[tilespmem:$0x10100] =	vst v63  }
0x1b0: {  	_ =	swait.ge [sflag:s24], $0x4000  }
0x1b1: {  	[sflag:s24] =	ssyncset.done $0x0  }
0x1b2: {  	s1 =	rddreg [dreg:$0xe];
	[sflag:s24] =	ssyncadd.s32 $0xFFFFC000  }
0x1b3: {  	[hbm4b:s1+s2] =	stream.linear.scatter [tilespmem:s2], [sflag:$0x5], $0x4000, $0x38;
	[tilespmem:$0x10100] =	vst v63  }
0x1b4: {  	_ =	swait.ge [sflag:s18], $0x4000  }
0x1b5: {  	[sflag:s18] =	ssyncset.done $0x0  }
0x1b6: {  	s1 =	rddreg [dreg:$0xf];
	[sflag:s18] =	ssyncadd.s32 $0xFFFFC000  }
0x1b7: {  	[hbm4b:s1+s2] =	stream.linear.scatter [tilespmem:s15], [sflag:$0x7], $0x4000, $0x38;
	[tilespmem:$0x10100] =	vst v63  }
0x1b8: {  	_ =	swait.ge [sflag:s14], $0x4000  }
0x1b9: {  	[sflag:s14] =	ssyncset.done $0x0  }
0x1ba: {  	[sflag:s14] =	ssyncadd.s32 $0xFFFFC000  }
0x1bb: {  	_ =	swait.ge [sflag:s11], $0x4000  }
0x1bc: {  	[sflag:s11] =	ssyncset.done $0x0  }
0x1bd: {  	s1 =	rddreg [dreg:$0x10];
	[sflag:s11] =	ssyncadd.s32 $0xFFFFC000  }
0x1be: {  	[tilespmem:s30], [sflag:$0x9] =	stream.linear.gather [hbm4b:s1+s2], $0x80, $0x38;
	[tilespmem:$0x10100] =	vst v63  }
0x1bf: {  	_ =	swait.ge [sflag:s21], $0x80  }
0x1c0: {  	[sflag:s21] =	ssyncset.done $0x0  }
0x1c1: {  	[sflag:s21] =	ssyncadd.s32 $0xFFFFFF80  }
0x1c2: {  	[tilespmem:s2], [sflag:$0x1] =	stream.indirect.gather [hbm4b:s3+s20], $0x80, s30, s20, $0xb8;
	[tilespmem:$0x10100] =	vst v63  }
0x1c3: {  	_ = 	snop  }
0x1c4: {  	[tilespmem:s15], [sflag:$0x3] =	stream.indirect.gather [hbm4b:s4+s20], $0x80, s30, s20, $0xb8;
	[tilespmem:$0x10100] =	vst v63  }
0x1c5: {  	_ =	swait.ge [sflag:s22], $0x4000  }
0x1c6: {  	[sflag:s22] =	ssyncset.done $0x0  }
0x1c7: {  	s1 =	rddreg [dreg:$0x11];
	[sflag:s22] =	ssyncadd.s32 $0xFFFFC000  }
0x1c8: {  	[hbm4b:s1+s2] =	stream.linear.scatter [tilespmem:s13], [sflag:$0x6], $0x4000, $0x38;
	[tilespmem:$0x10100] =	vst v63  }
0x1c9: {  	_ =	swait.ge [sflag:s17], $0x4000  }
0x1ca: {  	[sflag:s17] =	ssyncset.done $0x0  }
0x1cb: {  	s1 =	rddreg [dreg:$0x12];
	[sflag:s17] =	ssyncadd.s32 $0xFFFFC000  }
0x1cc: {  	[hbm4b:s1+s2] =	stream.linear.scatter [tilespmem:s9], [sflag:$0x8], $0x4000, $0x38;
	[tilespmem:$0x10100] =	vst v63  }
0x1cd: {  	_ =	swait.ge [sflag:s12], $0x4000  }
0x1ce: {  	[sflag:s12] =	ssyncset.done $0x0  }
0x1cf: {  	[sflag:s12] =	ssyncadd.s32 $0xFFFFC000  }
0x1d0: {  	_ =	swait.ge [sflag:s8], $0x4000  }
0x1d1: {  	[sflag:s8] =	ssyncset.done $0x0  }
0x1d2: {  	[sflag:s8] =	ssyncadd.s32 $0xFFFFC000  }
0x1d3: {  	[tilespmem:s23], [sflag:$0x9] =	stream.linear.gather [hbm4b:s31+s2], $0x80, $0x38;
	[tilespmem:$0x10100] =	vst v63  }
0x1d4: {  	_ =	swait.ge [sflag:s21], $0x80  }
0x1d5: {  	[sflag:s21] =	ssyncset.done $0x0  }
0x1d6: {  	[sflag:s21] =	ssyncadd.s32 $0xFFFFFF80  }
0x1d7: {  	[tilespmem:s13], [sflag:$0x2] =	stream.indirect.gather [hbm4b:s3+s20], $0x80, s23, s20, $0xb8;
	[tilespmem:$0x10100] =	vst v63  }
0x1d8: {  	_ = 	snop  }
0x1d9: {  	[tilespmem:s9], [sflag:$0x4] =	stream.indirect.gather [hbm4b:s4+s20], $0x80, s23, s20, $0xb8;
	[tilespmem:$0x10100] =	vst v63  }
0x1da: {  	_ =	swait.ge [sflag:s24], $0x4000  }
0x1db: {  	[sflag:s24] =	ssyncset.done $0x0  }
0x1dc: {  	[sflag:s24] =	ssyncadd.s32 $0xFFFFC000  }
0x1dd: {  	[hbm4b:s29+s2] =	stream.linear.scatter [tilespmem:s2], [sflag:$0x5], $0x4000, $0x38;
	[tilespmem:$0x10100] =	vst v63  }
0x1de: {  	_ =	swait.ge [sflag:s18], $0x4000  }
0x1df: {  	[sflag:s18] =	ssyncset.done $0x0  }
0x1e0: {  	[sflag:s18] =	ssyncadd.s32 $0xFFFFC000  }
0x1e1: {  	[hbm4b:s28+s2] =	stream.linear.scatter [tilespmem:s15], [sflag:$0x7], $0x4000, $0x38;
	[tilespmem:$0x10100] =	vst v63  }
0x1e2: {  	_ =	swait.ge [sflag:s14], $0x4000  }
0x1e3: {  	[sflag:s14] =	ssyncset.done $0x0  }
0x1e4: {  	[sflag:s14] =	ssyncadd.s32 $0xFFFFC000  }
0x1e5: {  	_ =	swait.ge [sflag:s11], $0x4000  }
0x1e6: {  	[sflag:s11] =	ssyncset.done $0x0  }
0x1e7: {  	[sflag:s11] =	ssyncadd.s32 $0xFFFFC000  }
0x1e8: {  	[tilespmem:s30], [sflag:$0x9] =	stream.linear.gather [hbm4b:s26+s2], $0x80, $0x38;
	[tilespmem:$0x10100] =	vst v63  }
0x1e9: {  	_ =	swait.ge [sflag:s21], $0x80  }
0x1ea: {  	[sflag:s21] =	ssyncset.done $0x0  }
0x1eb: {  	[sflag:s21] =	ssyncadd.s32 $0xFFFFFF80  }
0x1ec: {  	[tilespmem:s2], [sflag:$0x1] =	stream.indirect.gather [hbm4b:s3+s20], $0x80, s30, s20, $0xb8;
	[tilespmem:$0x10100] =	vst v63  }
0x1ed: {  	_ = 	snop  }
0x1ee: {  	[tilespmem:s15], [sflag:$0x3] =	stream.indirect.gather [hbm4b:s4+s20], $0x80, s30, s20, $0xb8;
	[tilespmem:$0x10100] =	vst v63  }
0x1ef: {  	_ =	swait.ge [sflag:s22], $0x4000  }
0x1f0: {  	[sflag:s22] =	ssyncset.done $0x0  }
0x1f1: {  	[sflag:s22] =	ssyncadd.s32 $0xFFFFC000  }
0x1f2: {  	[hbm4b:s25+s2] =	stream.linear.scatter [tilespmem:s13], [sflag:$0x6], $0x4000, $0x38;
	[tilespmem:$0x10100] =	vst v63  }
0x1f3: {  	_ =	swait.ge [sflag:s17], $0x4000  }
0x1f4: {  	[sflag:s17] =	ssyncset.done $0x0  }
0x1f5: {  	[sflag:s17] =	ssyncadd.s32 $0xFFFFC000  }
0x1f6: {  	[hbm4b:s19+s2] =	stream.linear.scatter [tilespmem:s9], [sflag:$0x8], $0x4000, $0x38;
	[tilespmem:$0x10100] =	vst v63  }
0x1f7: {  	_ =	swait.ge [sflag:s12], $0x4000  }
0x1f8: {  	[sflag:s12] =	ssyncset.done $0x0  }
0x1f9: {  	[sflag:s12] =	ssyncadd.s32 $0xFFFFC000  }
0x1fa: {  	_ =	swait.ge [sflag:s8], $0x4000  }
0x1fb: {  	[sflag:s8] =	ssyncset.done $0x0  }
0x1fc: {  	[sflag:s8] =	ssyncadd.s32 $0xFFFFC000  }
0x1fd: {  	[tilespmem:s23], [sflag:$0x9] =	stream.linear.gather [hbm4b:s16+s2], $0x80, $0x38;
	[tilespmem:$0x10100] =	vst v63  }
0x1fe: {  	_ =	swait.ge [sflag:s21], $0x80  }
0x1ff: {  	[sflag:s21] =	ssyncset.done $0x0  }
0x200: {  	[sflag:s21] =	ssyncadd.s32 $0xFFFFFF80  }
0x201: {  	[tilespmem:s13], [sflag:$0x2] =	stream.indirect.gather [hbm4b:s3+s20], $0x80, s23, s20, $0xb8;
	[tilespmem:$0x10100] =	vst v63  }
0x202: {  	_ = 	snop  }
0x203: {  	[tilespmem:s9], [sflag:$0x4] =	stream.indirect.gather [hbm4b:s4+s20], $0x80, s23, s20, $0xb8;
	[tilespmem:$0x10100] =	vst v63  }
0x204: {  	_ =	swait.ge [sflag:s24], $0x4000  }
0x205: {  	[sflag:s24] =	ssyncset.done $0x0  }
0x206: {  	[sflag:s24] =	ssyncadd.s32 $0xFFFFC000  }
0x207: {  	[hbm4b:s10+s2] =	stream.linear.scatter [tilespmem:s2], [sflag:$0x5], $0x4000, $0x38;
	[tilespmem:$0x10100] =	vst v63  }
0x208: {  	_ =	swait.ge [sflag:s18], $0x4000  }
0x209: {  	[sflag:s18] =	ssyncset.done $0x0  }
0x20a: {  	[sflag:s18] =	ssyncadd.s32 $0xFFFFC000  }
0x20b: {  	[hbm4b:s7+s2] =	stream.linear.scatter [tilespmem:s15], [sflag:$0x7], $0x4000, $0x38;
	[tilespmem:$0x10100] =	vst v63  }
0x20c: {  	_ =	swait.ge [sflag:s22], $0x4000  }
0x20d: {  	[sflag:s22] =	ssyncset.done $0x0  }
0x20e: {  	[sflag:s22] =	ssyncadd.s32 $0xFFFFC000  }
0x20f: {  	[hbm4b:s6+s2] =	stream.linear.scatter [tilespmem:s13], [sflag:$0x6], $0x4000, $0x38;
	[tilespmem:$0x10100] =	vst v63  }
0x210: {  	_ =	swait.ge [sflag:s17], $0x4000  }
0x211: {  	[sflag:s17] =	ssyncset.done $0x0  }
0x212: {  	[sflag:s17] =	ssyncadd.s32 $0xFFFFC000  }
0x213: {  	[hbm4b:s5+s2] =	stream.linear.scatter [tilespmem:s9], [sflag:$0x8], $0x4000, $0x38;
	[tilespmem:$0x10100] =	vst v63  }
0x214: {  	_ =	swait.ge [sflag:s14], $0x4000  }
0x215: {  	[sflag:s14] =	ssyncset.done $0x0  }
0x216: {  	[sflag:s14] =	ssyncadd.s32 $0xFFFFC000  }
0x217: {  	_ =	swait.ge [sflag:s11], $0x4000  }
0x218: {  	[sflag:s11] =	ssyncset.done $0x0  }
0x219: {  	[sflag:s11] =	ssyncadd.s32 $0xFFFFC000  }
0x21a: {  	_ =	swait.ge [sflag:s12], $0x4000  }
0x21b: {  	[sflag:s12] =	ssyncset.done $0x0  }
0x21c: {  	[sflag:s12] =	ssyncadd.s32 $0xFFFFC000  }
0x21d: {  	_ =	swait.ge [sflag:s8], $0x4000  }
0x21e: {  	[sflag:s8] =	ssyncset.done $0x0  }
0x21f: {  	[sflag:s8] =	ssyncadd.s32 $0xFFFFC000  }
0x220: {  	_ =	sfence.sel $0x180000  }
0x221: {  	[bflag:$0x0] =	sbarrier.arrive $0xFFFF  }
0x222: {  	_ =	strace $0x9000004A  }
0x223: {  	s31 =	stileid.u32;
	[bflag:$0x2] =	sbarrier.arrive $0xFFFF  }
0x224: {  	p0 =	sne.s32 s31, $0x0;
	s0 =	rddreg [dreg:$0x5]  }
0x225: {  	s0 =	sadd.s32 @!p0 $0x100000, s0  }
0x226: {  	[sflag:s0] =	ssyncadd.tile.s32 @!p0 $0x1;
	_ =	shalt  }
.Lfunc_end2:
_tile_overlayer_lowered:
.L_overlay_start_2:
0x227: {  	(tag) =	ssettag $0x2  }
0x228: {  	s0 =	rddreg [dreg:$0x0];
	s2 =	stileid.u32  }
0x229: {  	s1 =	rddreg [dreg:$0x1];
	p0 =	sne.s32 s2, $0x0  }
0x22a: {  	s3 =	rddreg [dreg:$0x2];
	[bflag:$0x3] =	sbarrier.arrive $0xFFFF;
	s2 =	simm.s32 @!p0 $0x1C09  }
0x22b: {  	[timem:s3], [sflag:s2] =	dma.local @!p0 [hbm:s0], s1  }
0x22c: {  	s0 =	simm.s32 @!p0 $0x9  }
0x22d: {  	_ =	swait.ge @!p0 [sflag:s0], s1  }
0x22e: {  	s1 =	ssub.s32 @!p0 $0x0, s1;
	[sflag:s0] =	ssyncset.done @!p0 $0x0  }
0x22f: {  	[sflag:s0] =	ssyncadd.s32 @!p0 s1  }
0x230: {  	[bflag:$0x3] =	sbarrier.arrive $0xFFFF  }
0x231: {  	_ =	shalt  }

// kernel: kernel.8.cloned.1.call-start
scs
__scs_entry_jumppad:
0x0: {  	(pc) =	sbr.rel $0x88, $3  }
0x1: {  	(tag) =	ssettag $0x0;
	lr =	simm.s32 $0x1  }
0x2: {  	[smem:$0x3F9C] =	sst lr;
	_ =	strace $0xD0000000  }
0x3: {  	_ = 	snop  }
0x4: {  	_ = 	snop  }
0x5: {  	_ = 	snop  }
0x6: {  	_ = 	snop  }
0x7: {  	_ = 	snop  }
__scs_overlays_trampoline_lowered:
0x8: {  	[smem:$0x3FAB] =	sst s0  }
0x9: {  	[smem:$0x3FAC] =	sst s1  }
0xa: {  	[smem:$0x3FAD] =	sst s2  }
0xb: {  	[smem:$0x3FAE] =	sst s3  }
0xc: {  	[smem:$0x3FAF] =	sst s4  }
0xd: {  	[smem:$0x3FB0] =	sst s5  }
0xe: {  	[smem:$0x3FB1] =	sst s6  }
0xf: {  	[smem:$0x3FB2] =	sst s7  }
0x10: {  	[smem:$0x3FB3] =	sst s8  }
0x11: {  	[smem:$0x3FB4] =	sst s9;
	s0 =	simm.s32 @!p0 $0x0  }
0x12: {  	s1 =	sld [smem:$0x3F9A];
	s0 =	simm.s32 @p0 $0x1  }
0x13: {  	[smem:$0x3FB5] =	sst s0;
	s0 =	simm.s32 @!p1 $0x0  }
0x14: {  	s2 =	sld [smem:$0x3F99];
	s0 =	simm.s32 @p1 $0x1  }
0x15: {  	[smem:$0x3FB6] =	sst s0;
	s0 =	simm.s32 @!p2 $0x0  }
0x16: {  	s3 =	sld [smem:$0x3FDB];
	s0 =	simm.s32 @p2 $0x1  }
0x17: {  	s4 =	simm.s32 $0x1BF5;
	[smem:$0x3FB8] =	sst s0  }
0x18: {  	s0 =	sld [smem:$0x3F9B];
	_ =	swait.ge [sflag:s4], $0x0  }
0x19: {  	s7 =	sld [smem:$0x3F9C]  }
0x1a: {  	s8 =	sadd.s32 $0xFFFFE003, lr  }
0x1b: {  	s9 =	sadd.s32 $0xFFFFFEF7, lr;
	s5 =	simm.s32 $0xFFFFFFFF;
	p2 =	slt.u32 s8, $0xFFFFF086  }
0x1c: {  	p1 =	slt.u32 s9, $0xF7A;
	s5 =	simm.s32 @!p2 $0x0  }
0x1d: {  	s5 =	simm.s32 @p1 $0x1;
	p0 =	seq.s32 s7, s2  }
0x1e: {  	s7 =	smul.u32 @!p0 $0xF7A, s2;
	p2 =	seq.s32 @!p0 s5, $0x0  }
0x1f: {  	s9 =	smul.u32 $0xF7A, s1;
	s8 =	simm.s32 @!p0 $0x1BF5;
	p2 =	por !p2, p0  }
0x20: {  	[sflag:s8] =	ssyncset.s32 @!p0 $0xFFFFF086;
	s6 =	sadd.s32 @!p0 s3, s7;
	s7 =	simm.s32 @!p0 $0x108  }
0x21: {  	s3 =	sadd.s32 s3, s9;
	s6 =	sadd.s32 @!p0 $0x88, s6;
	s7 =	simm.s32 @p2 $0x1082  }
0x22: {  	[simem:s7], [sflag:s8] =	dma.local @!p0 [hbm:s6], $0xF7A  }
0x23: {  	s9 =	sor.u32 $0xD0000000, s2;
	s6 =	simm.s32 $0x108;
	_ =	swait.ge @!p0 [sflag:s8], $0x0  }
0x24: {  	s3 =	sadd.s32 $0x88, s3;
	s6 =	simm.s32 @!p1 $0x1082;
	[sflag:s4] =	ssyncset.s32 $0xFFFFF086  }
0x25: {  	[simem:s6], [sflag:s4] =	dma.local [hbm:s3], $0xF7A  }
0x26: {  	[smem:$0x3F9C] =	sst s1;
	(tag) =	ssettag s2;
	_ =	strace s9  }
0x27: {  	s1 =	sld [smem:$0x3FAC]  }
0x28: {  	s2 =	sld [smem:$0x3FAD]  }
0x29: {  	s4 =	sld [smem:$0x3FAF]  }
0x2a: {  	p0 =	seq.s32 s5, $0x0;
	s5 =	sld [smem:$0x3FB0]  }
0x2b: {  	s6 =	sld [smem:$0x3FB1]  }
0x2c: {  	s7 =	sld [smem:$0x3FB2]  }
0x2d: {  	s3 =	simm.s32 $0x108;
	s8 =	sld [smem:$0x3FB3]  }
0x2e: {  	s3 =	simm.s32 @!p0 $0x1082;
	s9 =	sld [smem:$0x3FB4]  }
0x2f: {  	lr =	sadd.s32 s0, s3;
	s0 =	sld [smem:$0x3FAB]  }
0x30: {  	s3 =	sld [smem:$0x3FAE]  }
0x31: {  	[smem:$0x3FB7] =	sst s10  }
0x32: {  	s10 =	sld [smem:$0x3FB5];
	_ =	sdelay $0x3  }
0x33: {  	p0 =	seq.s32 s10, $0x1;
	s10 =	sld [smem:$0x3FB7];
	_ =	sdelay $0x3  }
0x34: {  	[smem:$0x3FB7] =	sst s10  }
0x35: {  	s10 =	sld [smem:$0x3FB6];
	_ =	sdelay $0x3  }
0x36: {  	p1 =	seq.s32 s10, $0x1;
	s10 =	sld [smem:$0x3FB7];
	_ =	sdelay $0x3  }
0x37: {  	[smem:$0x3FB7] =	sst s10  }
0x38: {  	s10 =	sld [smem:$0x3FB8]  }
0x39: {  	_ = 	snop;
	(pc) =	sbr.ind lr, $3  }
0x3a: {  	_ = 	snop  }
0x3b: {  	_ = 	snop  }
0x3c: {  	p2 =	seq.s32 s10, $0x1;
	s10 =	sld [smem:$0x3FB7]  }
0x3d: {  	_ =	shalt  }
0x3e: {  	_ =	shalt  }
0x3f: {  	_ =	shalt  }
0x40: {  	_ =	shalt  }
0x41: {  	_ =	shalt  }
0x42: {  	_ =	shalt  }
0x43: {  	_ =	shalt  }
0x44: {  	_ =	shalt  }
0x45: {  	_ =	shalt  }
0x46: {  	_ =	shalt  }
0x47: {  	_ =	shalt  }
0x48: {  	_ =	shalt  }
0x49: {  	_ =	shalt  }
0x4a: {  	_ =	shalt  }
0x4b: {  	_ =	shalt  }
0x4c: {  	_ =	shalt  }
0x4d: {  	_ =	shalt  }
0x4e: {  	_ =	shalt  }
0x4f: {  	_ =	shalt  }
0x50: {  	_ =	shalt  }
0x51: {  	_ =	shalt  }
0x52: {  	_ =	shalt  }
0x53: {  	_ =	shalt  }
0x54: {  	_ =	shalt  }
0x55: {  	_ =	shalt  }
0x56: {  	_ =	shalt  }
0x57: {  	_ =	shalt  }
0x58: {  	_ =	shalt  }
0x59: {  	_ =	shalt  }
0x5a: {  	_ =	shalt  }
0x5b: {  	_ =	shalt  }
0x5c: {  	_ =	shalt  }
0x5d: {  	_ =	shalt  }
0x5e: {  	_ =	shalt  }
0x5f: {  	_ =	shalt  }
0x60: {  	_ =	shalt  }
0x61: {  	_ =	shalt  }
0x62: {  	_ =	shalt  }
0x63: {  	_ =	shalt  }
0x64: {  	_ =	shalt  }
0x65: {  	_ =	shalt  }
0x66: {  	_ =	shalt  }
0x67: {  	_ =	shalt  }
0x68: {  	_ =	shalt  }
0x69: {  	_ =	shalt  }
0x6a: {  	_ =	shalt  }
0x6b: {  	_ =	shalt  }
0x6c: {  	_ =	shalt  }
0x6d: {  	_ =	shalt  }
0x6e: {  	_ =	shalt  }
0x6f: {  	_ =	shalt  }
0x70: {  	_ =	shalt  }
0x71: {  	_ =	shalt  }
0x72: {  	_ =	shalt  }
0x73: {  	_ =	shalt  }
0x74: {  	_ =	shalt  }
0x75: {  	_ =	shalt  }
0x76: {  	_ =	shalt  }
0x77: {  	_ =	shalt  }
0x78: {  	_ =	shalt  }
0x79: {  	_ =	shalt  }
0x7a: {  	_ =	shalt  }
0x7b: {  	_ =	shalt  }
0x7c: {  	_ =	shalt  }
0x7d: {  	_ =	shalt  }
0x7e: {  	_ =	shalt  }
0x7f: {  	_ =	shalt  }
0x80: {  	_ =	shalt  }
0x81: {  	_ =	shalt  }
0x82: {  	_ =	shalt  }
0x83: {  	_ =	shalt  }
0x84: {  	_ =	shalt  }
0x85: {  	_ =	shalt  }
0x86: {  	_ =	shalt  }
0x87: {  	_ =	shalt  }
.Lfunc_end0:
.L_simem_size_0:
called_computation.2_lowered:
.L_overlay_start_0:
0x88: {  	s2 =	sld [smem:$0x3FD9]  }
0x89: {  	s3 =	sld [smem:$0x3FFE];
	_ =	sdelay $0x1  }
0x8a: {  	s1 =	srdreg.scid  }
0x8b: {  	s0 =	sand.u32 $0x1, s1  }
0x8c: {  	s15 =	sshll.u32 s0, $0xA;
	s2 =	sadd.s32 s3, s2  }
0x8d: {  	s2 =	sadd.s32 s2, s15  }
0x8e: {  	[smem:$0x3FC3] =	sst s2  }
0x8f: {  	_ = 	snop  }
0x90: {  	s4 =	sld [smem:$0x3FD0];
	_ =	sdelay $0x1  }
0x91: {  	s2 =	sld [smem:$0x3FC6]  }
0x92: {  	s6 =	simm.s32 $0xB;
	s5 =	simm.s32 $0x10;
	s16 =	sld [smem:$0x3FC5]  }
0x93: {  	[smem:s5], [sflag:s6] =	dma.local [hbm:s4], $0x1  }
0x94: {  	_ =	swait.eq [sflag:s6], $0x1  }
0x95: {  	[sflag:s6] =	ssyncset.done $0x0  }
0x96: {  	s17 =	sld [smem:$0x12];
	[sflag:s6] =	ssyncadd.s32 $0xFFFFFFFF  }
0x97: {  	s18 =	sld [smem:$0x13];
	(tm) =	ssettm $0x1  }
0x98: {  	s19 =	sld [smem:$0x3FFB];
	_ =	sdelay $0x3  }
0x99: {  	_ =	strace s19  }
0x9a: {  	s4 =	sld [smem:$0x3FFC];
	_ =	sdelay $0x3  }
0x9b: {  	_ =	strace s4  }
0x9c: {  	s4 =	sld [smem:$0x3FFD];
	_ =	sdelay $0x3  }
0x9d: {  	_ =	strace s4  }
0x9e: {  	_ =	strace $0x8FFFFFFF  }
0x9f: {  	s20 =	sld [smem:$0x3FDB];
	_ =	sdelay $0x1  }
0xa0: {  	s7 =	simm.s32 $_scs_section_size  }
0xa1: {  	s8 =	simm.s32 $_size__tile_overlayer_lowered;
	s9 =	simm.s32 $_tile_overlayer_lowered  }
0xa2: {  	s10 =	simm.s32 $0x1BFF;
	s21 =	sshll.u32 s9, $0x1;
	s7 =	sadd.s32 s7, s20  }
0xa3: {  	s22 =	simm.s32 $0x0;
	s8 =	sshll.u32 s8, $0x1;
	s9 =	sadd.s32 s21, s7  }
0xa4: {  	[timem:s22], [sflag:s10] =	dma.local [hbm:s9], s8  }
0xa5: {  	_ =	swait.ge [sflag:s10], s8  }
0xa6: {  	s8 =	ssub.s32 $0x0, s8;
	[sflag:s10] =	ssyncset.done $0x0  }
0xa7: {  	[sflag:s10] =	ssyncadd.s32 s8;
	_ =	sdelay $0x1  }
0xa8: {  	s23 =	simm.s32 $0x1B8B  }
0xa9: {  	_ =	swait.ge [sflag:s23], $0x1  }
0xaa: {  	[sflag:s23] =	ssyncset.done $0x0  }
0xab: {  	[sflag:s23] =	ssyncadd.s32 $0xFFFFFFFF  }
0xac: {  	s8 =	sld [smem:$0x0]  }
0xad: {  	s9 =	sand.u32 $0xFFFFFFFE, s1  }
0xae: {  	p0 =	sne.s32 s1, s9  }
0xaf: {  	s9 =	sshll.u32 @p0 s9, $0xE  }
0xb0: {  	s9 =	sadd.s32 @p0 $0x11B8D, s9;
	s10 =	sshll.u32 @p0 s8, $0x11  }
0xb1: {  	s9 =	sor.u32 @p0 s10, s9  }
0xb2: {  	[sflag:s9] =	ssyncadd.remote.s32 @p0 $0x1;
	_ =	sdelay $0x1  }
0xb3: {  	s9 =	simm.s32 @p0 $0x1B8D  }
0xb4: {  	_ =	swait.eq @p0 [sflag:s9], $0x1  }
0xb5: {  	[sflag:s9] =	ssyncadd.s32 @p0 $0xFFFFFFFF  }
0xb6: {  	s10 =	sshll.u32 @!p0 s1, $0xE  }
0xb7: {  	s10 =	sor.u32 @!p0 $0x4000, s10;
	s9 =	simm.s32 @!p0 $0x1B8D  }
0xb8: {  	s8 =	sshll.u32 @!p0 s8, $0x11;
	s10 =	sadd.s32 @!p0 $0x11B8D, s10;
	_ =	swait.eq @!p0 [sflag:s9], $0x1  }
0xb9: {  	s8 =	sor.u32 @!p0 s8, s10;
	[sflag:s9] =	ssyncadd.s32 @!p0 $0xFFFFFFFF  }
0xba: {  	s25 =	simm.s32 $0x1B8E;
	s24 =	sld [smem:$0x3FFE];
	[sflag:s8] =	ssyncadd.remote.s32 @!p0 $0x1  }
0xbb: {  	s26 =	simm.s32 $execute0_lowered;
	[smem:$0x3FD2] =	sst s25  }
0xbc: {  	s9 =	sshll.u32 s26, $0x1;
	_ =	strace $0x8000004C;
	[dreg:$0x1] =	wrdreg $0xFFFFFFFF  }
0xbd: {  	s28 =	simm.s32 $_size_execute0_lowered;
	s7 =	sadd.s32 s7, s9;
	[dreg:$0x0] =	wrdreg $0x0  }
0xbe: {  	s9 =	sshll.u32 s28, $0x1;
	[dreg:$0x2] =	wrdreg s7  }
0xbf: {  	[dreg:$0x3] =	wrdreg s9  }
0xc0: {  	[dreg:$0x4] =	wrdreg $0xC0  }
0xc1: {  	_ =	task [dreg:s22], $0x5FFFF  }
0xc2: {  	[dreg:$0x1] =	wrdreg $0xFFFFFFFF  }
0xc3: {  	[dreg:$0x0] =	wrdreg $0x60  }
0xc4: {  	[dreg:$0x2] =	wrdreg s2  }
0xc5: {  	[dreg:$0x3] =	wrdreg s16  }
0xc6: {  	[dreg:$0x4] =	wrdreg s24  }
0xc7: {  	[dreg:$0x5] =	wrdreg s17  }
0xc8: {  	[dreg:$0x6] =	wrdreg s18  }
0xc9: {  	[dreg:$0x7] =	wrdreg $0xA  }
0xca: {  	_ =	task.clear_ibuf [dreg:s22], $0x8FFFF;
	_ =	strace $0x9000004C  }
0xcb: {  	s29 =	simm.s32 $0xA;
	_ =	strace $0x8000004E  }
0xcc: {  	_ =	swait.ge [sflag:s29], $0x1  }
0xcd: {  	[sflag:s29] =	ssyncadd.s32 $0xFFFFFFFF  }
0xce: {  	_ =	strace $0x9000004E  }
0xcf: {  	_ =	sfence  }
0xd0: {  	s30 =	sld [smem:$0x0];
	_ =	sdelay $0x2  }
0xd1: {  	s31 =	sshll.u32 s1, $0xD;
	s1 =	sshrl.u32 s1, $0x2  }
0xd2: {  	s3 =	sand.u32 $0x4000, s31;
	s1 =	sadd.s32 s1, s30  }
0xd3: {  	s0 =	sor.u32 s3, s0;
	s1 =	sshll.u32 s1, $0x11  }
0xd4: {  	s0 =	sor.u32 s1, s0  }
0xd5: {  	s0 =	sadd.s32 $0x8F2B, s0  }
0xd6: {  	[sflag:s0] =	ssyncadd.remote.s32 $0x1  }
0xd7: {  	_ =	sfence.sel $0xFFFF  }
0xd8: {  	[dreg:$0x0] =	wrdreg $0xFFFFFFFF;
	(pc) =	sbr.abs _section_cstart, $3  }
0xd9: {  	[dreg:$0x1] =	wrdreg $0xFFFFFFFF  }
0xda: {  	_ =	task.clear_ibuf [dreg:s22], $0x2FFFF;
	_ =	strace $0x9FFFFFFF  }
0xdb: {  	(tm) =	ssettm $0x7FFFFFFF  }
tec
execute0_lowered:
.L_overlay_start_1:
0x0: {  	(tag) =	ssettag $0x1  }
0x1: {  	s1 =	rddreg [dreg:$0x0]  }
0x2: {  	s3 =	rddreg [dreg:$0x1]  }
0x3: {  	s30 =	rddreg [dreg:$0x2]  }
0x4: {  	s4 =	rddreg [dreg:$0x3];
	s0 =	srdreg.scid  }
0x5: {  	s5 =	rddreg [dreg:$0x4];
	s7 =	stileid.u32;
	s0 =	sand.u32 $0x1, s0  }
0x6: {  	s6 =	simm.s32 $0x0;
	s7 =	sshll.u32 s7, $0x7;
	s2 =	sshll.u32 s0, $0xB  }
0x7: {  	[smem:$0x7FF] =	sst s6;
	s2 =	sor.u32 s7, s2  }
0x8: {  	s31 =	sadd.s32 $0x2800, s30;
	_ =	strace $0x8000004D;
	s7 =	sadd.s32 s30, s2  }
0x9: {  	s14 =	sadd.s32 s31, s2;
	s8 =	sor.u32 $0x10, s2;
	[dreg:$0x6] =	wrdreg s7  }
0xa: {  	[dreg:$0x7] =	wrdreg s14;
	s15 =	sadd.s32 s30, s8  }
0xb: {  	s17 =	sor.u32 $0x20, s2;
	s16 =	sadd.s32 s31, s8;
	[dreg:$0x8] =	wrdreg s15  }
0xc: {  	s18 =	sadd.s32 s30, s17;
	[dreg:$0x9] =	wrdreg s16  }
0xd: {  	s20 =	sor.u32 $0x30, s2;
	s19 =	sadd.s32 s31, s17;
	[dreg:$0xa] =	wrdreg s18  }
0xe: {  	s21 =	sadd.s32 s30, s20;
	[dreg:$0xb] =	wrdreg s19  }
0xf: {  	[dreg:$0xc] =	wrdreg s21  }
0x10: {  	s24 =	sor.u32 $0x40, s2;
	s22 =	sadd.s32 s31, s20;
	s9 =	rddreg [dreg:$0x6]  }
0x11: {  	s23 =	sadd.s32 s30, s24;
	[dreg:$0xd] =	wrdreg s22  }
0x12: {  	s7 =	simm.s32 $0x10000;
	s8 =	simm.s32 $0x9;
	[dreg:$0xe] =	wrdreg s23  }
0x13: {  	[tilespmem:s7], [sflag:$0x9] =	stream.linear.gather [hbm4b:s9+s6], $0x80, $0x38;
	[tilespmem:$0x10200] =	vst v63  }
0x14: {  	_ =	swait.ge [sflag:s8], $0x80  }
0x15: {  	[sflag:s8] =	ssyncset.done $0x0  }
0x16: {  	s9 =	simm.s32 $0x10100;
	s10 =	rddreg [dreg:$0x7];
	[sflag:s8] =	ssyncadd.s32 $0xFFFFFF80  }
0x17: {  	[tilespmem:s9], [sflag:$0x9] =	stream.linear.gather [hbm4b:s10+s6], $0x80, $0x38;
	[tilespmem:$0x10200] =	vst v63  }
0x18: {  	_ =	swait.ge [sflag:s8], $0x80  }
0x19: {  	[sflag:s8] =	ssyncset.done $0x0  }
0x1a: {  	s10 =	simm.s32 $0x80;
	[sflag:s8] =	ssyncadd.s32 $0xFFFFFF80  }
0x1b: {  	[tilespmem:s6], [sflag:$0x1] =	stream.indirect.gather [hbm4b:s1+s10], $0x80, s9, s10, $0xb8;
	[tilespmem:$0x10200] =	vst v63  }
0x1c: {  	s11 =	simm.s32 $0x8000  }
0x1d: {  	[tilespmem:s11], [sflag:$0x3] =	stream.indirect.gather [hbm4b:s3+s10], $0x80, s9, s10, $0xb8;
	[tilespmem:$0x10200] =	vst v63  }
0x1e: {  	s12 =	simm.s32 $0x10080;
	s13 =	rddreg [dreg:$0x8]  }
0x1f: {  	[tilespmem:s12], [sflag:$0x9] =	stream.linear.gather [hbm4b:s13+s6], $0x80, $0x38;
	[tilespmem:$0x10200] =	vst v63  }
0x20: {  	_ =	swait.ge [sflag:s8], $0x80  }
0x21: {  	[sflag:s8] =	ssyncset.done $0x0  }
0x22: {  	s13 =	simm.s32 $0x10180;
	s14 =	rddreg [dreg:$0x9];
	[sflag:s8] =	ssyncadd.s32 $0xFFFFFF80  }
0x23: {  	[tilespmem:s13], [sflag:$0x9] =	stream.linear.gather [hbm4b:s14+s6], $0x80, $0x38;
	[tilespmem:$0x10200] =	vst v63  }
0x24: {  	_ =	swait.ge [sflag:s8], $0x80  }
0x25: {  	[sflag:s8] =	ssyncset.done $0x0  }
0x26: {  	s14 =	simm.s32 $0x4000;
	[sflag:s8] =	ssyncadd.s32 $0xFFFFFF80  }
0x27: {  	[tilespmem:s14], [sflag:$0x2] =	stream.indirect.gather [hbm4b:s1+s10], $0x80, s13, s10, $0xb8;
	[tilespmem:$0x10200] =	vst v63  }
0x28: {  	s15 =	simm.s32 $0xC000;
	s16 =	simm.s32 $0x1  }
0x29: {  	[tilespmem:s15], [sflag:$0x4] =	stream.indirect.gather [hbm4b:s3+s10], $0x80, s13, s10, $0xb8;
	[tilespmem:$0x10200] =	vst v63  }
0x2a: {  	_ =	swait.ge [sflag:s16], $0x4000  }
0x2b: {  	[sflag:s16] =	ssyncset.done $0x0  }
0x2c: {  	s17 =	simm.s32 $0x3;
	[sflag:s16] =	ssyncadd.s32 $0xFFFFC000  }
0x2d: {  	[hbm4b:s4+s10] =	stream.indirect.scatter [tilespmem:s6], [sflag:$0x5], $0x80, s7, s10, $0xb8;
	[tilespmem:$0x10200] =	vst v63  }
0x2e: {  	_ =	swait.ge [sflag:s17], $0x4000  }
0x2f: {  	[sflag:s17] =	ssyncset.done $0x0  }
0x30: {  	s18 =	simm.s32 $0x5;
	[sflag:s17] =	ssyncadd.s32 $0xFFFFC000  }
0x31: {  	[hbm4b:s5+s10] =	stream.indirect.scatter [tilespmem:s11], [sflag:$0x7], $0x80, s7, s10, $0xb8;
	[tilespmem:$0x10200] =	vst v63  }
0x32: {  	_ =	swait.ge [sflag:s18], $0x4000  }
0x33: {  	[sflag:s18] =	ssyncset.done $0x0  }
0x34: {  	s19 =	simm.s32 $0x7;
	[sflag:s18] =	ssyncadd.s32 $0xFFFFC000  }
0x35: {  	_ =	swait.ge [sflag:s19], $0x4000  }
0x36: {  	[sflag:s19] =	ssyncset.done $0x0  }
0x37: {  	s20 =	rddreg [dreg:$0xa];
	[sflag:s19] =	ssyncadd.s32 $0xFFFFC000  }
0x38: {  	[tilespmem:s7], [sflag:$0x9] =	stream.linear.gather [hbm4b:s20+s6], $0x80, $0x38;
	[tilespmem:$0x10200] =	vst v63  }
0x39: {  	_ =	swait.ge [sflag:s8], $0x80  }
0x3a: {  	[sflag:s8] =	ssyncset.done $0x0  }
0x3b: {  	s25 =	rddreg [dreg:$0xb];
	[sflag:s8] =	ssyncadd.s32 $0xFFFFFF80  }
0x3c: {  	[tilespmem:s9], [sflag:$0x9] =	stream.linear.gather [hbm4b:s25+s6], $0x80, $0x38;
	[tilespmem:$0x10200] =	vst v63  }
0x3d: {  	_ =	swait.ge [sflag:s8], $0x80  }
0x3e: {  	[sflag:s8] =	ssyncset.done $0x0  }
0x3f: {  	[sflag:s8] =	ssyncadd.s32 $0xFFFFFF80  }
0x40: {  	[tilespmem:s6], [sflag:$0x1] =	stream.indirect.gather [hbm4b:s1+s10], $0x80, s9, s10, $0xb8;
	[tilespmem:$0x10200] =	vst v63  }
0x41: {  	s20 =	simm.s32 $0x2  }
0x42: {  	[tilespmem:s11], [sflag:$0x3] =	stream.indirect.gather [hbm4b:s3+s10], $0x80, s9, s10, $0xb8;
	[tilespmem:$0x10200] =	vst v63  }
0x43: {  	_ =	swait.ge [sflag:s20], $0x4000  }
0x44: {  	[sflag:s20] =	ssyncset.done $0x0  }
0x45: {  	s21 =	simm.s32 $0x4;
	[sflag:s20] =	ssyncadd.s32 $0xFFFFC000  }
0x46: {  	[hbm4b:s4+s10] =	stream.indirect.scatter [tilespmem:s14], [sflag:$0x6], $0x80, s12, s10, $0xb8;
	[tilespmem:$0x10200] =	vst v63  }
0x47: {  	_ =	swait.ge [sflag:s21], $0x4000  }
0x48: {  	[sflag:s21] =	ssyncset.done $0x0  }
0x49: {  	s22 =	simm.s32 $0x6;
	[sflag:s21] =	ssyncadd.s32 $0xFFFFC000  }
0x4a: {  	[hbm4b:s5+s10] =	stream.indirect.scatter [tilespmem:s15], [sflag:$0x8], $0x80, s12, s10, $0xb8;
	[tilespmem:$0x10200] =	vst v63  }
0x4b: {  	_ =	swait.ge [sflag:s22], $0x4000  }
0x4c: {  	[sflag:s22] =	ssyncset.done $0x0  }
0x4d: {  	s23 =	simm.s32 $0x8;
	[sflag:s22] =	ssyncadd.s32 $0xFFFFC000  }
0x4e: {  	_ =	swait.ge [sflag:s23], $0x4000  }
0x4f: {  	[sflag:s23] =	ssyncset.done $0x0  }
0x50: {  	s25 =	rddreg [dreg:$0xc];
	[sflag:s23] =	ssyncadd.s32 $0xFFFFC000  }
0x51: {  	[tilespmem:s12], [sflag:$0x9] =	stream.linear.gather [hbm4b:s25+s6], $0x80, $0x38;
	[tilespmem:$0x10200] =	vst v63  }
0x52: {  	_ =	swait.ge [sflag:s8], $0x80  }
0x53: {  	[sflag:s8] =	ssyncset.done $0x0  }
0x54: {  	s26 =	rddreg [dreg:$0xd];
	[sflag:s8] =	ssyncadd.s32 $0xFFFFFF80  }
0x55: {  	[tilespmem:s13], [sflag:$0x9] =	stream.linear.gather [hbm4b:s26+s6], $0x80, $0x38;
	[tilespmem:$0x10200] =	vst v63  }
0x56: {  	_ =	swait.ge [sflag:s8], $0x80  }
0x57: {  	[sflag:s8] =	ssyncset.done $0x0  }
0x58: {  	[sflag:s8] =	ssyncadd.s32 $0xFFFFFF80  }
0x59: {  	[tilespmem:s14], [sflag:$0x2] =	stream.indirect.gather [hbm4b:s1+s10], $0x80, s13, s10, $0xb8;
	[tilespmem:$0x10200] =	vst v63  }
0x5a: {  	_ = 	snop  }
0x5b: {  	[tilespmem:s15], [sflag:$0x4] =	stream.indirect.gather [hbm4b:s3+s10], $0x80, s13, s10, $0xb8;
	[tilespmem:$0x10200] =	vst v63  }
0x5c: {  	_ =	swait.ge [sflag:s16], $0x4000  }
0x5d: {  	[sflag:s16] =	ssyncset.done $0x0  }
0x5e: {  	[sflag:s16] =	ssyncadd.s32 $0xFFFFC000  }
0x5f: {  	[hbm4b:s4+s10] =	stream.indirect.scatter [tilespmem:s6], [sflag:$0x5], $0x80, s7, s10, $0xb8;
	[tilespmem:$0x10200] =	vst v63  }
0x60: {  	_ =	swait.ge [sflag:s17], $0x4000  }
0x61: {  	[sflag:s17] =	ssyncset.done $0x0  }
0x62: {  	[sflag:s17] =	ssyncadd.s32 $0xFFFFC000  }
0x63: {  	[hbm4b:s5+s10] =	stream.indirect.scatter [tilespmem:s11], [sflag:$0x7], $0x80, s7, s10, $0xb8;
	[tilespmem:$0x10200] =	vst v63  }
0x64: {  	_ =	swait.ge [sflag:s18], $0x4000  }
0x65: {  	[sflag:s18] =	ssyncset.done $0x0  }
0x66: {  	[sflag:s18] =	ssyncadd.s32 $0xFFFFC000  }
0x67: {  	_ =	swait.ge [sflag:s19], $0x4000  }
0x68: {  	[sflag:s19] =	ssyncset.done $0x0  }
0x69: {  	s26 =	rddreg [dreg:$0xe];
	[sflag:s19] =	ssyncadd.s32 $0xFFFFC000  }
0x6a: {  	[tilespmem:s7], [sflag:$0x9] =	stream.linear.gather [hbm4b:s26+s6], $0x80, $0x38;
	[tilespmem:$0x10200] =	vst v63  }
0x6b: {  	_ =	swait.ge [sflag:s8], $0x80  }
0x6c: {  	[sflag:s8] =	ssyncset.done $0x0  }
0x6d: {  	s24 =	sadd.s32 s31, s24;
	[sflag:s8] =	ssyncadd.s32 $0xFFFFFF80  }
0x6e: {  	[tilespmem:s9], [sflag:$0x9] =	stream.linear.gather [hbm4b:s24+s6], $0x80, $0x38;
	[tilespmem:$0x10200] =	vst v63  }
0x6f: {  	_ =	swait.ge [sflag:s8], $0x80  }
0x70: {  	[sflag:s8] =	ssyncset.done $0x0  }
0x71: {  	[sflag:s8] =	ssyncadd.s32 $0xFFFFFF80  }
0x72: {  	[tilespmem:s6], [sflag:$0x1] =	stream.indirect.gather [hbm4b:s1+s10], $0x80, s9, s10, $0xb8;
	[tilespmem:$0x10200] =	vst v63  }
0x73: {  	_ = 	snop  }
0x74: {  	[tilespmem:s11], [sflag:$0x3] =	stream.indirect.gather [hbm4b:s3+s10], $0x80, s9, s10, $0xb8;
	[tilespmem:$0x10200] =	vst v63  }
0x75: {  	_ =	swait.ge [sflag:s20], $0x4000  }
0x76: {  	[sflag:s20] =	ssyncset.done $0x0  }
0x77: {  	[sflag:s20] =	ssyncadd.s32 $0xFFFFC000  }
0x78: {  	[hbm4b:s4+s10] =	stream.indirect.scatter [tilespmem:s14], [sflag:$0x6], $0x80, s12, s10, $0xb8;
	[tilespmem:$0x10200] =	vst v63  }
0x79: {  	_ =	swait.ge [sflag:s21], $0x4000  }
0x7a: {  	[sflag:s21] =	ssyncset.done $0x0  }
0x7b: {  	[sflag:s21] =	ssyncadd.s32 $0xFFFFC000  }
0x7c: {  	[hbm4b:s5+s10] =	stream.indirect.scatter [tilespmem:s15], [sflag:$0x8], $0x80, s12, s10, $0xb8;
	[tilespmem:$0x10200] =	vst v63  }
0x7d: {  	_ =	swait.ge [sflag:s22], $0x4000  }
0x7e: {  	[sflag:s22] =	ssyncset.done $0x0  }
0x7f: {  	[sflag:s22] =	ssyncadd.s32 $0xFFFFC000  }
0x80: {  	_ =	swait.ge [sflag:s23], $0x4000  }
0x81: {  	s26 =	sor.u32 $0x50, s2;
	[sflag:s23] =	ssyncset.done $0x0  }
0x82: {  	s25 =	sadd.s32 s30, s26;
	[sflag:s23] =	ssyncadd.s32 $0xFFFFC000  }
0x83: {  	[tilespmem:s12], [sflag:$0x9] =	stream.linear.gather [hbm4b:s25+s6], $0x80, $0x38;
	[tilespmem:$0x10200] =	vst v63  }
0x84: {  	_ =	swait.ge [sflag:s8], $0x80  }
0x85: {  	[sflag:s8] =	ssyncset.done $0x0  }
0x86: {  	s26 =	sadd.s32 s31, s26;
	[sflag:s8] =	ssyncadd.s32 $0xFFFFFF80  }
0x87: {  	[tilespmem:s13], [sflag:$0x9] =	stream.linear.gather [hbm4b:s26+s6], $0x80, $0x38;
	[tilespmem:$0x10200] =	vst v63  }
0x88: {  	_ =	swait.ge [sflag:s8], $0x80  }
0x89: {  	[sflag:s8] =	ssyncset.done $0x0  }
0x8a: {  	[sflag:s8] =	ssyncadd.s32 $0xFFFFFF80  }
0x8b: {  	[tilespmem:s14], [sflag:$0x2] =	stream.indirect.gather [hbm4b:s1+s10], $0x80, s13, s10, $0xb8;
	[tilespmem:$0x10200] =	vst v63  }
0x8c: {  	_ = 	snop  }
0x8d: {  	[tilespmem:s15], [sflag:$0x4] =	stream.indirect.gather [hbm4b:s3+s10], $0x80, s13, s10, $0xb8;
	[tilespmem:$0x10200] =	vst v63  }
0x8e: {  	_ =	swait.ge [sflag:s16], $0x4000  }
0x8f: {  	[sflag:s16] =	ssyncset.done $0x0  }
0x90: {  	[sflag:s16] =	ssyncadd.s32 $0xFFFFC000  }
0x91: {  	[hbm4b:s4+s10] =	stream.indirect.scatter [tilespmem:s6], [sflag:$0x5], $0x80, s7, s10, $0xb8;
	[tilespmem:$0x10200] =	vst v63  }
0x92: {  	_ =	swait.ge [sflag:s17], $0x4000  }
0x93: {  	[sflag:s17] =	ssyncset.done $0x0  }
0x94: {  	[sflag:s17] =	ssyncadd.s32 $0xFFFFC000  }
0x95: {  	[hbm4b:s5+s10] =	stream.indirect.scatter [tilespmem:s11], [sflag:$0x7], $0x80, s7, s10, $0xb8;
	[tilespmem:$0x10200] =	vst v63  }
0x96: {  	_ =	swait.ge [sflag:s18], $0x4000  }
0x97: {  	[sflag:s18] =	ssyncset.done $0x0  }
0x98: {  	[sflag:s18] =	ssyncadd.s32 $0xFFFFC000  }
0x99: {  	_ =	swait.ge [sflag:s19], $0x4000  }
0x9a: {  	s29 =	sor.u32 $0x60, s2;
	[sflag:s19] =	ssyncset.done $0x0  }
0x9b: {  	s28 =	sadd.s32 s30, s29;
	[sflag:s19] =	ssyncadd.s32 $0xFFFFC000  }
0x9c: {  	[tilespmem:s7], [sflag:$0x9] =	stream.linear.gather [hbm4b:s28+s6], $0x80, $0x38;
	[tilespmem:$0x10200] =	vst v63  }
0x9d: {  	_ =	swait.ge [sflag:s8], $0x80  }
0x9e: {  	[sflag:s8] =	ssyncset.done $0x0  }
0x9f: {  	s29 =	sadd.s32 s31, s29;
	[sflag:s8] =	ssyncadd.s32 $0xFFFFFF80  }
0xa0: {  	[tilespmem:s9], [sflag:$0x9] =	stream.linear.gather [hbm4b:s29+s6], $0x80, $0x38;
	[tilespmem:$0x10200] =	vst v63  }
0xa1: {  	_ =	swait.ge [sflag:s8], $0x80  }
0xa2: {  	[sflag:s8] =	ssyncset.done $0x0  }
0xa3: {  	[sflag:s8] =	ssyncadd.s32 $0xFFFFFF80  }
0xa4: {  	[tilespmem:s6], [sflag:$0x1] =	stream.indirect.gather [hbm4b:s1+s10], $0x80, s9, s10, $0xb8;
	[tilespmem:$0x10200] =	vst v63  }
0xa5: {  	_ = 	snop  }
0xa6: {  	[tilespmem:s11], [sflag:$0x3] =	stream.indirect.gather [hbm4b:s3+s10], $0x80, s9, s10, $0xb8;
	[tilespmem:$0x10200] =	vst v63  }
0xa7: {  	_ =	swait.ge [sflag:s20], $0x4000  }
0xa8: {  	[sflag:s20] =	ssyncset.done $0x0  }
0xa9: {  	[sflag:s20] =	ssyncadd.s32 $0xFFFFC000  }
0xaa: {  	[hbm4b:s4+s10] =	stream.indirect.scatter [tilespmem:s14], [sflag:$0x6], $0x80, s12, s10, $0xb8;
	[tilespmem:$0x10200] =	vst v63  }
0xab: {  	_ =	swait.ge [sflag:s21], $0x4000  }
0xac: {  	[sflag:s21] =	ssyncset.done $0x0  }
0xad: {  	[sflag:s21] =	ssyncadd.s32 $0xFFFFC000  }
0xae: {  	[hbm4b:s5+s10] =	stream.indirect.scatter [tilespmem:s15], [sflag:$0x8], $0x80, s12, s10, $0xb8;
	[tilespmem:$0x10200] =	vst v63  }
0xaf: {  	_ =	swait.ge [sflag:s22], $0x4000  }
0xb0: {  	[sflag:s22] =	ssyncset.done $0x0  }
0xb1: {  	[sflag:s22] =	ssyncadd.s32 $0xFFFFC000  }
0xb2: {  	_ =	swait.ge [sflag:s23], $0x4000  }
0xb3: {  	s2 =	sor.u32 $0x70, s2;
	[sflag:s23] =	ssyncset.done $0x0  }
0xb4: {  	s30 =	sadd.s32 s30, s2;
	[sflag:s23] =	ssyncadd.s32 $0xFFFFC000  }
0xb5: {  	[tilespmem:s12], [sflag:$0x9] =	stream.linear.gather [hbm4b:s30+s6], $0x80, $0x38;
	[tilespmem:$0x10200] =	vst v63  }
0xb6: {  	_ =	swait.ge [sflag:s8], $0x80  }
0xb7: {  	[sflag:s8] =	ssyncset.done $0x0  }
0xb8: {  	s31 =	sadd.s32 s31, s2;
	[sflag:s8] =	ssyncadd.s32 $0xFFFFFF80  }
0xb9: {  	[tilespmem:s13], [sflag:$0x9] =	stream.linear.gather [hbm4b:s31+s6], $0x80, $0x38;
	[tilespmem:$0x10200] =	vst v63  }
0xba: {  	_ =	swait.ge [sflag:s8], $0x80  }
0xbb: {  	[sflag:s8] =	ssyncset.done $0x0  }
0xbc: {  	[sflag:s8] =	ssyncadd.s32 $0xFFFFFF80  }
0xbd: {  	[tilespmem:s14], [sflag:$0x2] =	stream.indirect.gather [hbm4b:s1+s10], $0x80, s13, s10, $0xb8;
	[tilespmem:$0x10200] =	vst v63  }
0xbe: {  	_ = 	snop  }
0xbf: {  	[tilespmem:s15], [sflag:$0x4] =	stream.indirect.gather [hbm4b:s3+s10], $0x80, s13, s10, $0xb8;
	[tilespmem:$0x10200] =	vst v63  }
0xc0: {  	_ =	swait.ge [sflag:s16], $0x4000  }
0xc1: {  	[sflag:s16] =	ssyncset.done $0x0  }
0xc2: {  	[sflag:s16] =	ssyncadd.s32 $0xFFFFC000  }
0xc3: {  	[hbm4b:s4+s10] =	stream.indirect.scatter [tilespmem:s6], [sflag:$0x5], $0x80, s7, s10, $0xb8;
	[tilespmem:$0x10200] =	vst v63  }
0xc4: {  	_ =	swait.ge [sflag:s17], $0x4000  }
0xc5: {  	[sflag:s17] =	ssyncset.done $0x0  }
0xc6: {  	[sflag:s17] =	ssyncadd.s32 $0xFFFFC000  }
0xc7: {  	[hbm4b:s5+s10] =	stream.indirect.scatter [tilespmem:s11], [sflag:$0x7], $0x80, s7, s10, $0xb8;
	[tilespmem:$0x10200] =	vst v63  }
0xc8: {  	_ =	swait.ge [sflag:s20], $0x4000  }
0xc9: {  	[sflag:s20] =	ssyncset.done $0x0  }
0xca: {  	[sflag:s20] =	ssyncadd.s32 $0xFFFFC000  }
0xcb: {  	[hbm4b:s4+s10] =	stream.indirect.scatter [tilespmem:s14], [sflag:$0x6], $0x80, s12, s10, $0xb8;
	[tilespmem:$0x10200] =	vst v63  }
0xcc: {  	_ =	swait.ge [sflag:s21], $0x4000  }
0xcd: {  	[sflag:s21] =	ssyncset.done $0x0  }
0xce: {  	[sflag:s21] =	ssyncadd.s32 $0xFFFFC000  }
0xcf: {  	[hbm4b:s5+s10] =	stream.indirect.scatter [tilespmem:s15], [sflag:$0x8], $0x80, s12, s10, $0xb8;
	[tilespmem:$0x10200] =	vst v63  }
0xd0: {  	s0 =	ssub.s32 $0x2, s0;
	_ =	swait.ge [sflag:s18], $0x4000  }
0xd1: {  	s2 =	sshrl.u32 s0, $0x1;
	[sflag:s18] =	ssyncset.done $0x0  }
0xd2: {  	s0 =	ssub.s32 s0, s2;
	[sflag:s18] =	ssyncadd.s32 $0xFFFFC000  }
0xd3: {  	s0 =	smax.u32 s0, $0x1;
	_ =	swait.ge [sflag:s19], $0x4000  }
0xd4: {  	p0 =	sne.s32 s0, $0x1;
	[sflag:s19] =	ssyncset.done $0x0  }
.Ltmp0:
0xd5: {  	[sflag:s19] =	ssyncadd.s32 $0xFFFFC000;
	(pc) =	sbr.rel @!p0 .LBB2_2-.Ltmp0, $4  }
0xd6: {  	_ =	swait.ge [sflag:s22], $0x4000  }
0xd7: {  	[sflag:s22] =	ssyncset.done $0x0  }
0xd8: {  	[sflag:s22] =	ssyncadd.s32 $0xFFFFC000  }
0xd9: {  	s0 =	sadd.s32 $0xFFFFFFFF, s0;
	_ =	swait.ge [sflag:s23], $0x4000  }
.LBB2_1:
0xda: {  	[sflag:s23] =	ssyncset.done $0x0  }
0xdb: {  	s2 =	rddreg [dreg:$0x6];
	[sflag:s23] =	ssyncadd.s32 $0xFFFFC000  }
0xdc: {  	[tilespmem:s7], [sflag:$0x9] =	stream.linear.gather [hbm4b:s2+s6], $0x80, $0x38;
	[tilespmem:$0x10200] =	vst v63  }
0xdd: {  	_ =	swait.ge [sflag:s8], $0x80  }
0xde: {  	[sflag:s8] =	ssyncset.done $0x0  }
0xdf: {  	s2 =	rddreg [dreg:$0x7];
	[sflag:s8] =	ssyncadd.s32 $0xFFFFFF80  }
0xe0: {  	[tilespmem:s9], [sflag:$0x9] =	stream.linear.gather [hbm4b:s2+s6], $0x80, $0x38;
	[tilespmem:$0x10200] =	vst v63  }
0xe1: {  	_ =	swait.ge [sflag:s8], $0x80  }
0xe2: {  	[sflag:s8] =	ssyncset.done $0x0  }
0xe3: {  	[sflag:s8] =	ssyncadd.s32 $0xFFFFFF80  }
0xe4: {  	[tilespmem:s6], [sflag:$0x1] =	stream.indirect.gather [hbm4b:s1+s10], $0x80, s9, s10, $0xb8;
	[tilespmem:$0x10200] =	vst v63  }
0xe5: {  	_ = 	snop  }
0xe6: {  	[tilespmem:s11], [sflag:$0x3] =	stream.indirect.gather [hbm4b:s3+s10], $0x80, s9, s10, $0xb8;
	[tilespmem:$0x10200] =	vst v63  }
0xe7: {  	s2 =	rddreg [dreg:$0x8]  }
0xe8: {  	[tilespmem:s12], [sflag:$0x9] =	stream.linear.gather [hbm4b:s2+s6], $0x80, $0x38;
	[tilespmem:$0x10200] =	vst v63  }
0xe9: {  	_ =	swait.ge [sflag:s8], $0x80  }
0xea: {  	[sflag:s8] =	ssyncset.done $0x0  }
0xeb: {  	s2 =	rddreg [dreg:$0x9];
	[sflag:s8] =	ssyncadd.s32 $0xFFFFFF80  }
0xec: {  	[tilespmem:s13], [sflag:$0x9] =	stream.linear.gather [hbm4b:s2+s6], $0x80, $0x38;
	[tilespmem:$0x10200] =	vst v63  }
0xed: {  	_ =	swait.ge [sflag:s8], $0x80  }
0xee: {  	[sflag:s8] =	ssyncset.done $0x0  }
0xef: {  	[sflag:s8] =	ssyncadd.s32 $0xFFFFFF80  }
0xf0: {  	[tilespmem:s14], [sflag:$0x2] =	stream.indirect.gather [hbm4b:s1+s10], $0x80, s13, s10, $0xb8;
	[tilespmem:$0x10200] =	vst v63  }
0xf1: {  	_ = 	snop  }
0xf2: {  	[tilespmem:s15], [sflag:$0x4] =	stream.indirect.gather [hbm4b:s3+s10], $0x80, s13, s10, $0xb8;
	[tilespmem:$0x10200] =	vst v63  }
0xf3: {  	_ =	swait.ge [sflag:s16], $0x4000  }
0xf4: {  	[sflag:s16] =	ssyncset.done $0x0  }
0xf5: {  	[sflag:s16] =	ssyncadd.s32 $0xFFFFC000  }
0xf6: {  	[hbm4b:s4+s10] =	stream.indirect.scatter [tilespmem:s6], [sflag:$0x5], $0x80, s7, s10, $0xb8;
	[tilespmem:$0x10200] =	vst v63  }
0xf7: {  	_ =	swait.ge [sflag:s17], $0x4000  }
0xf8: {  	[sflag:s17] =	ssyncset.done $0x0  }
0xf9: {  	[sflag:s17] =	ssyncadd.s32 $0xFFFFC000  }
0xfa: {  	[hbm4b:s5+s10] =	stream.indirect.scatter [tilespmem:s11], [sflag:$0x7], $0x80, s7, s10, $0xb8;
	[tilespmem:$0x10200] =	vst v63  }
0xfb: {  	_ =	swait.ge [sflag:s18], $0x4000  }
0xfc: {  	[sflag:s18] =	ssyncset.done $0x0  }
0xfd: {  	[sflag:s18] =	ssyncadd.s32 $0xFFFFC000  }
0xfe: {  	_ =	swait.ge [sflag:s19], $0x4000  }
0xff: {  	[sflag:s19] =	ssyncset.done $0x0  }
0x100: {  	s2 =	rddreg [dreg:$0xa];
	[sflag:s19] =	ssyncadd.s32 $0xFFFFC000  }
0x101: {  	[tilespmem:s7], [sflag:$0x9] =	stream.linear.gather [hbm4b:s2+s6], $0x80, $0x38;
	[tilespmem:$0x10200] =	vst v63  }
0x102: {  	_ =	swait.ge [sflag:s8], $0x80  }
0x103: {  	[sflag:s8] =	ssyncset.done $0x0  }
0x104: {  	s2 =	rddreg [dreg:$0xb];
	[sflag:s8] =	ssyncadd.s32 $0xFFFFFF80  }
0x105: {  	[tilespmem:s9], [sflag:$0x9] =	stream.linear.gather [hbm4b:s2+s6], $0x80, $0x38;
	[tilespmem:$0x10200] =	vst v63  }
0x106: {  	_ =	swait.ge [sflag:s8], $0x80  }
0x107: {  	[sflag:s8] =	ssyncset.done $0x0  }
0x108: {  	[sflag:s8] =	ssyncadd.s32 $0xFFFFFF80  }
0x109: {  	[tilespmem:s6], [sflag:$0x1] =	stream.indirect.gather [hbm4b:s1+s10], $0x80, s9, s10, $0xb8;
	[tilespmem:$0x10200] =	vst v63  }
0x10a: {  	_ = 	snop  }
0x10b: {  	[tilespmem:s11], [sflag:$0x3] =	stream.indirect.gather [hbm4b:s3+s10], $0x80, s9, s10, $0xb8;
	[tilespmem:$0x10200] =	vst v63  }
0x10c: {  	_ =	swait.ge [sflag:s20], $0x4000  }
0x10d: {  	[sflag:s20] =	ssyncset.done $0x0  }
0x10e: {  	[sflag:s20] =	ssyncadd.s32 $0xFFFFC000  }
0x10f: {  	[hbm4b:s4+s10] =	stream.indirect.scatter [tilespmem:s14], [sflag:$0x6], $0x80, s12, s10, $0xb8;
	[tilespmem:$0x10200] =	vst v63  }
0x110: {  	_ =	swait.ge [sflag:s21], $0x4000  }
0x111: {  	[sflag:s21] =	ssyncset.done $0x0  }
0x112: {  	[sflag:s21] =	ssyncadd.s32 $0xFFFFC000  }
0x113: {  	[hbm4b:s5+s10] =	stream.indirect.scatter [tilespmem:s15], [sflag:$0x8], $0x80, s12, s10, $0xb8;
	[tilespmem:$0x10200] =	vst v63  }
0x114: {  	_ =	swait.ge [sflag:s22], $0x4000  }
0x115: {  	[sflag:s22] =	ssyncset.done $0x0  }
0x116: {  	[sflag:s22] =	ssyncadd.s32 $0xFFFFC000  }
0x117: {  	_ =	swait.ge [sflag:s23], $0x4000  }
0x118: {  	[sflag:s23] =	ssyncset.done $0x0  }
0x119: {  	s2 =	rddreg [dreg:$0xc];
	[sflag:s23] =	ssyncadd.s32 $0xFFFFC000  }
0x11a: {  	[tilespmem:s12], [sflag:$0x9] =	stream.linear.gather [hbm4b:s2+s6], $0x80, $0x38;
	[tilespmem:$0x10200] =	vst v63  }
0x11b: {  	_ =	swait.ge [sflag:s8], $0x80  }
0x11c: {  	[sflag:s8] =	ssyncset.done $0x0  }
0x11d: {  	s2 =	rddreg [dreg:$0xd];
	[sflag:s8] =	ssyncadd.s32 $0xFFFFFF80  }
0x11e: {  	[tilespmem:s13], [sflag:$0x9] =	stream.linear.gather [hbm4b:s2+s6], $0x80, $0x38;
	[tilespmem:$0x10200] =	vst v63  }
0x11f: {  	_ =	swait.ge [sflag:s8], $0x80  }
0x120: {  	[sflag:s8] =	ssyncset.done $0x0  }
0x121: {  	[sflag:s8] =	ssyncadd.s32 $0xFFFFFF80  }
0x122: {  	[tilespmem:s14], [sflag:$0x2] =	stream.indirect.gather [hbm4b:s1+s10], $0x80, s13, s10, $0xb8;
	[tilespmem:$0x10200] =	vst v63  }
0x123: {  	_ = 	snop  }
0x124: {  	[tilespmem:s15], [sflag:$0x4] =	stream.indirect.gather [hbm4b:s3+s10], $0x80, s13, s10, $0xb8;
	[tilespmem:$0x10200] =	vst v63  }
0x125: {  	_ =	swait.ge [sflag:s16], $0x4000  }
0x126: {  	[sflag:s16] =	ssyncset.done $0x0  }
0x127: {  	[sflag:s16] =	ssyncadd.s32 $0xFFFFC000  }
0x128: {  	[hbm4b:s4+s10] =	stream.indirect.scatter [tilespmem:s6], [sflag:$0x5], $0x80, s7, s10, $0xb8;
	[tilespmem:$0x10200] =	vst v63  }
0x129: {  	_ =	swait.ge [sflag:s17], $0x4000  }
0x12a: {  	[sflag:s17] =	ssyncset.done $0x0  }
0x12b: {  	[sflag:s17] =	ssyncadd.s32 $0xFFFFC000  }
0x12c: {  	[hbm4b:s5+s10] =	stream.indirect.scatter [tilespmem:s11], [sflag:$0x7], $0x80, s7, s10, $0xb8;
	[tilespmem:$0x10200] =	vst v63  }
0x12d: {  	_ =	swait.ge [sflag:s18], $0x4000  }
0x12e: {  	[sflag:s18] =	ssyncset.done $0x0  }
0x12f: {  	[sflag:s18] =	ssyncadd.s32 $0xFFFFC000  }
0x130: {  	_ =	swait.ge [sflag:s19], $0x4000  }
0x131: {  	[sflag:s19] =	ssyncset.done $0x0  }
0x132: {  	s2 =	rddreg [dreg:$0xe];
	[sflag:s19] =	ssyncadd.s32 $0xFFFFC000  }
0x133: {  	[tilespmem:s7], [sflag:$0x9] =	stream.linear.gather [hbm4b:s2+s6], $0x80, $0x38;
	[tilespmem:$0x10200] =	vst v63  }
0x134: {  	_ =	swait.ge [sflag:s8], $0x80  }
0x135: {  	[sflag:s8] =	ssyncset.done $0x0  }
0x136: {  	[sflag:s8] =	ssyncadd.s32 $0xFFFFFF80  }
0x137: {  	[tilespmem:s9], [sflag:$0x9] =	stream.linear.gather [hbm4b:s24+s6], $0x80, $0x38;
	[tilespmem:$0x10200] =	vst v63  }
0x138: {  	_ =	swait.ge [sflag:s8], $0x80  }
0x139: {  	[sflag:s8] =	ssyncset.done $0x0  }
0x13a: {  	[sflag:s8] =	ssyncadd.s32 $0xFFFFFF80  }
0x13b: {  	[tilespmem:s6], [sflag:$0x1] =	stream.indirect.gather [hbm4b:s1+s10], $0x80, s9, s10, $0xb8;
	[tilespmem:$0x10200] =	vst v63  }
0x13c: {  	_ = 	snop  }
0x13d: {  	[tilespmem:s11], [sflag:$0x3] =	stream.indirect.gather [hbm4b:s3+s10], $0x80, s9, s10, $0xb8;
	[tilespmem:$0x10200] =	vst v63  }
0x13e: {  	_ =	swait.ge [sflag:s20], $0x4000  }
0x13f: {  	[sflag:s20] =	ssyncset.done $0x0  }
0x140: {  	[sflag:s20] =	ssyncadd.s32 $0xFFFFC000  }
0x141: {  	[hbm4b:s4+s10] =	stream.indirect.scatter [tilespmem:s14], [sflag:$0x6], $0x80, s12, s10, $0xb8;
	[tilespmem:$0x10200] =	vst v63  }
0x142: {  	_ =	swait.ge [sflag:s21], $0x4000  }
0x143: {  	[sflag:s21] =	ssyncset.done $0x0  }
0x144: {  	[sflag:s21] =	ssyncadd.s32 $0xFFFFC000  }
0x145: {  	[hbm4b:s5+s10] =	stream.indirect.scatter [tilespmem:s15], [sflag:$0x8], $0x80, s12, s10, $0xb8;
	[tilespmem:$0x10200] =	vst v63  }
0x146: {  	_ =	swait.ge [sflag:s22], $0x4000  }
0x147: {  	[sflag:s22] =	ssyncset.done $0x0  }
0x148: {  	[sflag:s22] =	ssyncadd.s32 $0xFFFFC000  }
0x149: {  	_ =	swait.ge [sflag:s23], $0x4000  }
0x14a: {  	[sflag:s23] =	ssyncset.done $0x0  }
0x14b: {  	[sflag:s23] =	ssyncadd.s32 $0xFFFFC000  }
0x14c: {  	[tilespmem:s12], [sflag:$0x9] =	stream.linear.gather [hbm4b:s25+s6], $0x80, $0x38;
	[tilespmem:$0x10200] =	vst v63  }
0x14d: {  	_ =	swait.ge [sflag:s8], $0x80  }
0x14e: {  	[sflag:s8] =	ssyncset.done $0x0  }
0x14f: {  	[sflag:s8] =	ssyncadd.s32 $0xFFFFFF80  }
0x150: {  	[tilespmem:s13], [sflag:$0x9] =	stream.linear.gather [hbm4b:s26+s6], $0x80, $0x38;
	[tilespmem:$0x10200] =	vst v63  }
0x151: {  	_ =	swait.ge [sflag:s8], $0x80  }
0x152: {  	[sflag:s8] =	ssyncset.done $0x0  }
0x153: {  	[sflag:s8] =	ssyncadd.s32 $0xFFFFFF80  }
0x154: {  	[tilespmem:s14], [sflag:$0x2] =	stream.indirect.gather [hbm4b:s1+s10], $0x80, s13, s10, $0xb8;
	[tilespmem:$0x10200] =	vst v63  }
0x155: {  	_ = 	snop  }
0x156: {  	[tilespmem:s15], [sflag:$0x4] =	stream.indirect.gather [hbm4b:s3+s10], $0x80, s13, s10, $0xb8;
	[tilespmem:$0x10200] =	vst v63  }
0x157: {  	_ =	swait.ge [sflag:s16], $0x4000  }
0x158: {  	[sflag:s16] =	ssyncset.done $0x0  }
0x159: {  	[sflag:s16] =	ssyncadd.s32 $0xFFFFC000  }
0x15a: {  	[hbm4b:s4+s10] =	stream.indirect.scatter [tilespmem:s6], [sflag:$0x5], $0x80, s7, s10, $0xb8;
	[tilespmem:$0x10200] =	vst v63  }
0x15b: {  	_ =	swait.ge [sflag:s17], $0x4000  }
0x15c: {  	[sflag:s17] =	ssyncset.done $0x0  }
0x15d: {  	[sflag:s17] =	ssyncadd.s32 $0xFFFFC000  }
0x15e: {  	[hbm4b:s5+s10] =	stream.indirect.scatter [tilespmem:s11], [sflag:$0x7], $0x80, s7, s10, $0xb8;
	[tilespmem:$0x10200] =	vst v63  }
0x15f: {  	_ =	swait.ge [sflag:s18], $0x4000  }
0x160: {  	[sflag:s18] =	ssyncset.done $0x0  }
0x161: {  	[sflag:s18] =	ssyncadd.s32 $0xFFFFC000  }
0x162: {  	_ =	swait.ge [sflag:s19], $0x4000  }
0x163: {  	[sflag:s19] =	ssyncset.done $0x0  }
0x164: {  	[sflag:s19] =	ssyncadd.s32 $0xFFFFC000  }
0x165: {  	[tilespmem:s7], [sflag:$0x9] =	stream.linear.gather [hbm4b:s28+s6], $0x80, $0x38;
	[tilespmem:$0x10200] =	vst v63  }
0x166: {  	_ =	swait.ge [sflag:s8], $0x80  }
0x167: {  	[sflag:s8] =	ssyncset.done $0x0  }
0x168: {  	[sflag:s8] =	ssyncadd.s32 $0xFFFFFF80  }
0x169: {  	[tilespmem:s9], [sflag:$0x9] =	stream.linear.gather [hbm4b:s29+s6], $0x80, $0x38;
	[tilespmem:$0x10200] =	vst v63  }
0x16a: {  	_ =	swait.ge [sflag:s8], $0x80  }
0x16b: {  	[sflag:s8] =	ssyncset.done $0x0  }
0x16c: {  	[sflag:s8] =	ssyncadd.s32 $0xFFFFFF80  }
0x16d: {  	[tilespmem:s6], [sflag:$0x1] =	stream.indirect.gather [hbm4b:s1+s10], $0x80, s9, s10, $0xb8;
	[tilespmem:$0x10200] =	vst v63  }
0x16e: {  	_ = 	snop  }
0x16f: {  	[tilespmem:s11], [sflag:$0x3] =	stream.indirect.gather [hbm4b:s3+s10], $0x80, s9, s10, $0xb8;
	[tilespmem:$0x10200] =	vst v63  }
0x170: {  	_ =	swait.ge [sflag:s20], $0x4000  }
0x171: {  	[sflag:s20] =	ssyncset.done $0x0  }
0x172: {  	[sflag:s20] =	ssyncadd.s32 $0xFFFFC000  }
0x173: {  	[hbm4b:s4+s10] =	stream.indirect.scatter [tilespmem:s14], [sflag:$0x6], $0x80, s12, s10, $0xb8;
	[tilespmem:$0x10200] =	vst v63  }
0x174: {  	_ =	swait.ge [sflag:s21], $0x4000  }
0x175: {  	[sflag:s21] =	ssyncset.done $0x0  }
0x176: {  	[sflag:s21] =	ssyncadd.s32 $0xFFFFC000  }
0x177: {  	[hbm4b:s5+s10] =	stream.indirect.scatter [tilespmem:s15], [sflag:$0x8], $0x80, s12, s10, $0xb8;
	[tilespmem:$0x10200] =	vst v63  }
0x178: {  	_ =	swait.ge [sflag:s22], $0x4000  }
0x179: {  	[sflag:s22] =	ssyncset.done $0x0  }
0x17a: {  	[sflag:s22] =	ssyncadd.s32 $0xFFFFC000  }
0x17b: {  	_ =	swait.ge [sflag:s23], $0x4000  }
0x17c: {  	[sflag:s23] =	ssyncset.done $0x0  }
0x17d: {  	[sflag:s23] =	ssyncadd.s32 $0xFFFFC000  }
0x17e: {  	[tilespmem:s12], [sflag:$0x9] =	stream.linear.gather [hbm4b:s30+s6], $0x80, $0x38;
	[tilespmem:$0x10200] =	vst v63  }
0x17f: {  	_ =	swait.ge [sflag:s8], $0x80  }
0x180: {  	[sflag:s8] =	ssyncset.done $0x0  }
0x181: {  	[sflag:s8] =	ssyncadd.s32 $0xFFFFFF80  }
0x182: {  	[tilespmem:s13], [sflag:$0x9] =	stream.linear.gather [hbm4b:s31+s6], $0x80, $0x38;
	[tilespmem:$0x10200] =	vst v63  }
0x183: {  	_ =	swait.ge [sflag:s8], $0x80  }
0x184: {  	[sflag:s8] =	ssyncset.done $0x0  }
0x185: {  	[sflag:s8] =	ssyncadd.s32 $0xFFFFFF80  }
0x186: {  	[tilespmem:s14], [sflag:$0x2] =	stream.indirect.gather [hbm4b:s1+s10], $0x80, s13, s10, $0xb8;
	[tilespmem:$0x10200] =	vst v63  }
0x187: {  	_ = 	snop  }
0x188: {  	[tilespmem:s15], [sflag:$0x4] =	stream.indirect.gather [hbm4b:s3+s10], $0x80, s13, s10, $0xb8;
	[tilespmem:$0x10200] =	vst v63  }
0x189: {  	_ =	swait.ge [sflag:s16], $0x4000  }
0x18a: {  	[sflag:s16] =	ssyncset.done $0x0  }
0x18b: {  	[sflag:s16] =	ssyncadd.s32 $0xFFFFC000  }
0x18c: {  	[hbm4b:s4+s10] =	stream.indirect.scatter [tilespmem:s6], [sflag:$0x5], $0x80, s7, s10, $0xb8;
	[tilespmem:$0x10200] =	vst v63  }
0x18d: {  	_ =	swait.ge [sflag:s17], $0x4000  }
0x18e: {  	[sflag:s17] =	ssyncset.done $0x0  }
0x18f: {  	[sflag:s17] =	ssyncadd.s32 $0xFFFFC000  }
0x190: {  	[hbm4b:s5+s10] =	stream.indirect.scatter [tilespmem:s11], [sflag:$0x7], $0x80, s7, s10, $0xb8;
	[tilespmem:$0x10200] =	vst v63  }
0x191: {  	_ =	swait.ge [sflag:s20], $0x4000  }
0x192: {  	[sflag:s20] =	ssyncset.done $0x0  }
0x193: {  	[sflag:s20] =	ssyncadd.s32 $0xFFFFC000  }
0x194: {  	[hbm4b:s4+s10] =	stream.indirect.scatter [tilespmem:s14], [sflag:$0x6], $0x80, s12, s10, $0xb8;
	[tilespmem:$0x10200] =	vst v63  }
0x195: {  	_ =	swait.ge [sflag:s21], $0x4000  }
0x196: {  	[sflag:s21] =	ssyncset.done $0x0  }
0x197: {  	[sflag:s21] =	ssyncadd.s32 $0xFFFFC000  }
0x198: {  	[hbm4b:s5+s10] =	stream.indirect.scatter [tilespmem:s15], [sflag:$0x8], $0x80, s12, s10, $0xb8;
	[tilespmem:$0x10200] =	vst v63  }
0x199: {  	_ =	swait.ge [sflag:s18], $0x4000  }
0x19a: {  	[sflag:s18] =	ssyncset.done $0x0  }
0x19b: {  	[sflag:s18] =	ssyncadd.s32 $0xFFFFC000  }
0x19c: {  	_ =	swait.ge [sflag:s19], $0x4000  }
0x19d: {  	p0 =	sne.s32 s0, $0x1;
	[sflag:s19] =	ssyncset.done $0x0  }
.Ltmp1:
0x19e: {  	[sflag:s19] =	ssyncadd.s32 $0xFFFFC000;
	(pc) =	sbr.rel @p0 .LBB2_1-.Ltmp1, $4  }
0x19f: {  	_ =	swait.ge [sflag:s22], $0x4000  }
0x1a0: {  	[sflag:s22] =	ssyncset.done $0x0  }
0x1a1: {  	[sflag:s22] =	ssyncadd.s32 $0xFFFFC000  }
0x1a2: {  	s0 =	sadd.s32 $0xFFFFFFFF, s0;
	_ =	swait.ge [sflag:s23], $0x4000  }
.LBB2_2:
0x1a3: {  	[sflag:s23] =	ssyncset.done $0x0  }
0x1a4: {  	[sflag:s23] =	ssyncadd.s32 $0xFFFFC000  }
0x1a5: {  	_ =	sfence.sel $0x180000  }
0x1a6: {  	[bflag:$0x0] =	sbarrier.arrive $0xFFFF  }
0x1a7: {  	_ =	strace $0x9000004D  }
0x1a8: {  	s0 =	stileid.u32;
	[bflag:$0x2] =	sbarrier.arrive $0xFFFF  }
0x1a9: {  	p0 =	sne.s32 s0, $0x0;
	s0 =	rddreg [dreg:$0x5]  }
0x1aa: {  	s0 =	sadd.s32 @!p0 $0x100000, s0  }
0x1ab: {  	[sflag:s0] =	ssyncadd.tile.s32 @!p0 $0x1;
	_ =	shalt  }
.Lfunc_end2:
_tile_overlayer_lowered:
.L_overlay_start_2:
0x1ac: {  	(tag) =	ssettag $0x2  }
0x1ad: {  	s0 =	rddreg [dreg:$0x0];
	s2 =	stileid.u32  }
0x1ae: {  	s1 =	rddreg [dreg:$0x1];
	p0 =	sne.s32 s2, $0x0  }
0x1af: {  	s3 =	rddreg [dreg:$0x2];
	[bflag:$0x3] =	sbarrier.arrive $0xFFFF;
	s2 =	simm.s32 @!p0 $0x1C09  }
0x1b0: {  	[timem:s3], [sflag:s2] =	dma.local @!p0 [hbm:s0], s1  }
0x1b1: {  	s0 =	simm.s32 @!p0 $0x9  }
0x1b2: {  	_ =	swait.ge @!p0 [sflag:s0], s1  }
0x1b3: {  	s1 =	ssub.s32 @!p0 $0x0, s1;
	[sflag:s0] =	ssyncset.done @!p0 $0x0  }
0x1b4: {  	[sflag:s0] =	ssyncadd.s32 @!p0 s1  }
0x1b5: {  	[bflag:$0x3] =	sbarrier.arrive $0xFFFF  }
0x1b6: {  	_ =	shalt  }

</sc_bundles>
